<compile_context>
chip_gen: v7x
topology: tpu7x:2x2x1
jax: 0.10.2.dev20260603
libtpu: 0.0.44.dev20260713+nightly
codegen_flags: <defaults>
</compile_context>

<pallas_src>
import functools

import jax
import jax.numpy as jnp
from jax import lax
from jax.experimental import pallas as pl
from jax.experimental.pallas import tpu as pltpu
from jax.experimental.pallas import tpu_sc as plsc


@functools.lru_cache(maxsize=None)
def _make_gather(V, D, B):
    info = plsc.get_sparse_core_info()
    NC, NS = info.num_cores, info.num_subcores
    NW = NC * NS
    assert B % NW == 0
    b_per_w = B // NW
    C = 16
    NBUF = 7
    P = 6
    assert b_per_w % C == 0
    n_chunks = b_per_w // C

    mesh = plsc.VectorSubcoreMesh(core_axis_name="c", subcore_axis_name="s")

    @functools.partial(
        pl.kernel,
        mesh=mesh,
        out_type=jax.ShapeDtypeStruct((B, D), jnp.float32),
        scratch_types=[
            pltpu.VMEM((b_per_w,), jnp.int32),
            pltpu.VMEM((NBUF, C, D), jnp.float32),
        ]
        + [pltpu.SemaphoreType.DMA] * (2 * NBUF),
    )
    def gather_kernel(idx_hbm, table_hbm, out_hbm, idx_v, rows_v, *sems):
        sem_in, sem_out = sems[:NBUF], sems[NBUF:]
        wid = lax.axis_index("s") * NC + lax.axis_index("c")
        base = wid * b_per_w
        pltpu.sync_copy(idx_hbm.at[pl.ds(base, b_per_w)], idx_v)

        def in_desc(chunk, b):
            return pltpu.make_async_copy(
                table_hbm.at[idx_v.at[pl.ds(chunk * C, C)]], rows_v.at[b], sem_in[b]
            )

        def out_desc(chunk, b):
            return pltpu.make_async_copy(
                rows_v.at[b], out_hbm.at[pl.ds(base + chunk * C, C)], sem_out[b]
            )

        for g in range(min(P, n_chunks)):
            in_desc(g, g % NBUF).start()
        for g in range(n_chunks):
            b = g % NBUF
            in_desc(g, b).wait()
            out_desc(g, b).start()
            nxt = g + P
            if nxt < n_chunks:
                old = nxt - NBUF
                if old >= 0:
                    out_desc(old, old % NBUF).wait()
                in_desc(nxt, nxt % NBUF).start()
        for g in range(max(0, n_chunks - NBUF), n_chunks):
            out_desc(g, g % NBUF).wait()

    return gather_kernel


def kernel(tokens, W_E):
    B = tokens.shape[0] * tokens.shape[1]
    V, D = W_E.shape
    flat = tokens.reshape(B).astype(jnp.int32)
    out = _make_gather(V, D, B)(flat, W_E)
    return out.reshape(tokens.shape[0], tokens.shape[1], D)

# --- scband reference (transcript-rebuilt; emitter-appended) ---
"""Pipeline reference for scband-embed-25031069401221 (READ-ONLY COPY).

The authoritative reference and input builder live on the scoring server;
editing this copy changes nothing except your own understanding.
"""

import jax, jax.numpy as jnp
import numpy as np

D_VOCAB = 100000
D_MODEL = 1024

def setup_inputs(seed: int = 0) -> dict:
    key = jax.random.key(seed)
    k_tok, k_w = jax.random.split(key)
    tokens = jax.random.randint(k_tok, (4, 4096), 0, D_VOCAB, dtype=jnp.int64 if jax.config.jax_enable_x64 else jnp.int32)
    W_E = jax.random.normal(k_w, (D_VOCAB, D_MODEL), dtype=jnp.float32) * 0.02
    return {"tokens": tokens, "W_E": W_E}

def reference(tokens, W_E):
    # Embed.forward: return self.W_E[tokens, :]
    return jnp.take(W_E, tokens, axis=0)

if __name__ == "__main__":
    import jax
    _d = setup_inputs()
    print(jax.jit(kernel)(*tuple(_d.values())))

</pallas_src>

<mosaic_0001>
#map = affine_map<(d0, d1) -> (0)>
#map1 = affine_map<(d0, d1) -> (0, 0)>
module attributes {stable_mosaic.version = 14 : i64} {
  func.func @gather_kernel(%arg0: i32, %arg1: i32, %arg2: memref<16384xi32, #tpu.memory_space<hbm>>, %arg3: memref<100000x1024xf32, #tpu.memory_space<hbm>>, %arg4: memref<16384x1024xf32, #tpu.memory_space<hbm>>, %arg5: memref<512xi32, #tpu.memory_space<vmem>>, %arg6: memref<7x16x1024xf32, #tpu.memory_space<vmem>>, %arg7: memref<!tpu.dma_semaphore, #tpu.memory_space<semaphore_mem>>, %arg8: memref<!tpu.dma_semaphore, #tpu.memory_space<semaphore_mem>>, %arg9: memref<!tpu.dma_semaphore, #tpu.memory_space<semaphore_mem>>, %arg10: memref<!tpu.dma_semaphore, #tpu.memory_space<semaphore_mem>>, %arg11: memref<!tpu.dma_semaphore, #tpu.memory_space<semaphore_mem>>, %arg12: memref<!tpu.dma_semaphore, #tpu.memory_space<semaphore_mem>>, %arg13: memref<!tpu.dma_semaphore, #tpu.memory_space<semaphore_mem>>, %arg14: memref<!tpu.dma_semaphore, #tpu.memory_space<semaphore_mem>>, %arg15: memref<!tpu.dma_semaphore, #tpu.memory_space<semaphore_mem>>, %arg16: memref<!tpu.dma_semaphore, #tpu.memory_space<semaphore_mem>>, %arg17: memref<!tpu.dma_semaphore, #tpu.memory_space<semaphore_mem>>, %arg18: memref<!tpu.dma_semaphore, #tpu.memory_space<semaphore_mem>>, %arg19: memref<!tpu.dma_semaphore, #tpu.memory_space<semaphore_mem>>, %arg20: memref<!tpu.dma_semaphore, #tpu.memory_space<semaphore_mem>>) attributes {dimension_semantics = [#tpu.dimension_semantics<core_parallel>, #tpu.dimension_semantics<subcore_parallel>], iteration_bounds = array<i64: 2, 16>, scalar_prefetch = 0 : i64, scratch_operands = 16 : i64, tpu.core_type = #tpu.core_type<sc_vector_subcore>, window_params = [{transform_indices = #map}, {transform_indices = #map1}, {transform_indices = #map1}]} {
    %mul3A = arith.constant 2 : i32
    %mul3A_0 = arith.muli %arg1, %mul3A : i32
    %add3A = arith.addi %mul3A_0, %arg0 : i32
    %mul3A_1 = arith.constant 512 : i32
    %mul3A_2 = arith.muli %add3A, %mul3A_1 : i32
    "tpu.region"() ({
      %run_scoped3A = tpu.sem_alloc : memref<!tpu.dma_semaphore, #tpu.memory_space<semaphore_mem>>
      %dma_start3A_1601 = tpu.memref_slice %arg2[%mul3A_2] : memref<16384xi32, #tpu.memory_space<hbm>> -> memref<512xi32, #tpu.memory_space<hbm>>
      %dma_start3A_1602 = tpu.memref_slice %arg2[%mul3A_2] : memref<16384xi32, #tpu.memory_space<hbm>> -> memref<512xi32, #tpu.memory_space<hbm>>
      tpu.enqueue_dma source(%dma_start3A_1602 : memref<512xi32, #tpu.memory_space<hbm>>) target(%arg5 : memref<512xi32, #tpu.memory_space<vmem>>) target_semaphore(%run_scoped3A : memref<!tpu.dma_semaphore, #tpu.memory_space<semaphore_mem>>)
      %dma_wait3A_1603 = tpu.memref_slice %arg2[%mul3A_2] : memref<16384xi32, #tpu.memory_space<hbm>> -> memref<512xi32, #tpu.memory_space<hbm>>
      %dma_wait3A_1604 = tpu.memref_slice %arg2[%mul3A_2] : memref<16384xi32, #tpu.memory_space<hbm>> -> memref<512xi32, #tpu.memory_space<hbm>>
      tpu.wait_dma2 semaphore(%run_scoped3A : memref<!tpu.dma_semaphore, #tpu.memory_space<semaphore_mem>>) src(%dma_wait3A_1604 : memref<512xi32, #tpu.memory_space<hbm>>) dst(%arg5 : memref<512xi32, #tpu.memory_space<vmem>>)
      tpu.yield
    }) : () -> ()
    %dma_start3A = arith.constant 0 : i32
    %dma_start3A_3 = arith.constant 0 : i32
    %dma_start3A_4 = arith.constant 0 : i32
    %dma_start3A_5 = tpu.memref_slice %arg6[%dma_start3A, %dma_start3A_3, %dma_start3A_4] : memref<7x16x1024xf32, #tpu.memory_space<vmem>> -> memref<1x16x1024xf32, #tpu.memory_space<vmem>>
    %dma_start3A_6 = tpu.memref_squeeze %dma_start3A_5 : memref<1x16x1024xf32, #tpu.memory_space<vmem>> -> memref<16x1024xf32, #tpu.memory_space<vmem>>
    %dma_start3A_7 = arith.constant 0 : i32
    %dma_start3A_8 = tpu.memref_slice %arg5[%dma_start3A_7] : memref<512xi32, #tpu.memory_space<vmem>> -> memref<16xi32, #tpu.memory_space<vmem>>
    %dma_start3A_9 = arith.constant 0 : i32
    %dma_start3A_10 = arith.constant 0 : i32
    %dma_start3A_11 = tpu.memref_slice %arg3[%dma_start3A_9, %dma_start3A_10] : memref<100000x1024xf32, #tpu.memory_space<hbm>> -> memref<100000x1024xf32, #tpu.memory_space<hbm>>
    tpu.enqueue_indirect_dma source(%dma_start3A_11 : memref<100000x1024xf32, #tpu.memory_space<hbm>>) target(%dma_start3A_6 : memref<16x1024xf32, #tpu.memory_space<vmem>>) offsets(%dma_start3A_8 : memref<16xi32, #tpu.memory_space<vmem>>) semaphore(%arg7 : memref<!tpu.dma_semaphore, #tpu.memory_space<semaphore_mem>>)
    %dma_start3A_12 = arith.constant 1 : i32
    %dma_start3A_13 = arith.constant 0 : i32
    %dma_start3A_14 = arith.constant 0 : i32
    %dma_start3A_15 = tpu.memref_slice %arg6[%dma_start3A_12, %dma_start3A_13, %dma_start3A_14] : memref<7x16x1024xf32, #tpu.memory_space<vmem>> -> memref<1x16x1024xf32, #tpu.memory_space<vmem>>
    %dma_start3A_16 = tpu.memref_squeeze %dma_start3A_15 : memref<1x16x1024xf32, #tpu.memory_space<vmem>> -> memref<16x1024xf32, #tpu.memory_space<vmem>>
    %dma_start3A_17 = arith.constant 16 : i32
    %dma_start3A_18 = tpu.memref_slice %arg5[%dma_start3A_17] : memref<512xi32, #tpu.memory_space<vmem>> -> memref<16xi32, #tpu.memory_space<vmem>>
    %dma_start3A_19 = arith.constant 0 : i32
    %dma_start3A_20 = arith.constant 0 : i32
    %dma_start3A_21 = tpu.memref_slice %arg3[%dma_start3A_19, %dma_start3A_20] : memref<100000x1024xf32, #tpu.memory_space<hbm>> -> memref<100000x1024xf32, #tpu.memory_space<hbm>>
    tpu.enqueue_indirect_dma source(%dma_start3A_21 : memref<100000x1024xf32, #tpu.memory_space<hbm>>) target(%dma_start3A_16 : memref<16x1024xf32, #tpu.memory_space<vmem>>) offsets(%dma_start3A_18 : memref<16xi32, #tpu.memory_space<vmem>>) semaphore(%arg8 : memref<!tpu.dma_semaphore, #tpu.memory_space<semaphore_mem>>)
    %dma_start3A_22 = arith.constant 2 : i32
    %dma_start3A_23 = arith.constant 0 : i32
    %dma_start3A_24 = arith.constant 0 : i32
    %dma_start3A_25 = tpu.memref_slice %arg6[%dma_start3A_22, %dma_start3A_23, %dma_start3A_24] : memref<7x16x1024xf32, #tpu.memory_space<vmem>> -> memref<1x16x1024xf32, #tpu.memory_space<vmem>>
    %dma_start3A_26 = tpu.memref_squeeze %dma_start3A_25 : memref<1x16x1024xf32, #tpu.memory_space<vmem>> -> memref<16x1024xf32, #tpu.memory_space<vmem>>
    %dma_start3A_27 = arith.constant 32 : i32
    %dma_start3A_28 = tpu.memref_slice %arg5[%dma_start3A_27] : memref<512xi32, #tpu.memory_space<vmem>> -> memref<16xi32, #tpu.memory_space<vmem>>
    %dma_start3A_29 = arith.constant 0 : i32
    %dma_start3A_30 = arith.constant 0 : i32
    %dma_start3A_31 = tpu.memref_slice %arg3[%dma_start3A_29, %dma_start3A_30] : memref<100000x1024xf32, #tpu.memory_space<hbm>> -> memref<100000x1024xf32, #tpu.memory_space<hbm>>
    tpu.enqueue_indirect_dma source(%dma_start3A_31 : memref<100000x1024xf32, #tpu.memory_space<hbm>>) target(%dma_start3A_26 : memref<16x1024xf32, #tpu.memory_space<vmem>>) offsets(%dma_start3A_28 : memref<16xi32, #tpu.memory_space<vmem>>) semaphore(%arg9 : memref<!tpu.dma_semaphore, #tpu.memory_space<semaphore_mem>>)
    %dma_start3A_32 = arith.constant 3 : i32
    %dma_start3A_33 = arith.constant 0 : i32
    %dma_start3A_34 = arith.constant 0 : i32
    %dma_start3A_35 = tpu.memref_slice %arg6[%dma_start3A_32, %dma_start3A_33, %dma_start3A_34] : memref<7x16x1024xf32, #tpu.memory_space<vmem>> -> memref<1x16x1024xf32, #tpu.memory_space<vmem>>
    %dma_start3A_36 = tpu.memref_squeeze %dma_start3A_35 : memref<1x16x1024xf32, #tpu.memory_space<vmem>> -> memref<16x1024xf32, #tpu.memory_space<vmem>>
    %dma_start3A_37 = arith.constant 48 : i32
    %dma_start3A_38 = tpu.memref_slice %arg5[%dma_start3A_37] : memref<512xi32, #tpu.memory_space<vmem>> -> memref<16xi32, #tpu.memory_space<vmem>>
    %dma_start3A_39 = arith.constant 0 : i32
    %dma_start3A_40 = arith.constant 0 : i32
    %dma_start3A_41 = tpu.memref_slice %arg3[%dma_start3A_39, %dma_start3A_40] : memref<100000x1024xf32, #tpu.memory_space<hbm>> -> memref<100000x1024xf32, #tpu.memory_space<hbm>>
    tpu.enqueue_indirect_dma source(%dma_start3A_41 : memref<100000x1024xf32, #tpu.memory_space<hbm>>) target(%dma_start3A_36 : memref<16x1024xf32, #tpu.memory_space<vmem>>) offsets(%dma_start3A_38 : memref<16xi32, #tpu.memory_space<vmem>>) semaphore(%arg10 : memref<!tpu.dma_semaphore, #tpu.memory_space<semaphore_mem>>)
    %dma_start3A_42 = arith.constant 4 : i32
    %dma_start3A_43 = arith.constant 0 : i32
    %dma_start3A_44 = arith.constant 0 : i32
    %dma_start3A_45 = tpu.memref_slice %arg6[%dma_start3A_42, %dma_start3A_43, %dma_start3A_44] : memref<7x16x1024xf32, #tpu.memory_space<vmem>> -> memref<1x16x1024xf32, #tpu.memory_space<vmem>>
    %dma_start3A_46 = tpu.memref_squeeze %dma_start3A_45 : memref<1x16x1024xf32, #tpu.memory_space<vmem>> -> memref<16x1024xf32, #tpu.memory_space<vmem>>
    %dma_start3A_47 = arith.constant 64 : i32
    %dma_start3A_48 = tpu.memref_slice %arg5[%dma_start3A_47] : memref<512xi32, #tpu.memory_space<vmem>> -> memref<16xi32, #tpu.memory_space<vmem>>
    %dma_start3A_49 = arith.constant 0 : i32
    %dma_start3A_50 = arith.constant 0 : i32
    %dma_start3A_51 = tpu.memref_slice %arg3[%dma_start3A_49, %dma_start3A_50] : memref<100000x1024xf32, #tpu.memory_space<hbm>> -> memref<100000x1024xf32, #tpu.memory_space<hbm>>
    tpu.enqueue_indirect_dma source(%dma_start3A_51 : memref<100000x1024xf32, #tpu.memory_space<hbm>>) target(%dma_start3A_46 : memref<16x1024xf32, #tpu.memory_space<vmem>>) offsets(%dma_start3A_48 : memref<16xi32, #tpu.memory_space<vmem>>) semaphore(%arg11 : memref<!tpu.dma_semaphore, #tpu.memory_space<semaphore_mem>>)
    %dma_start3A_52 = arith.constant 5 : i32
    %dma_start3A_53 = arith.constant 0 : i32
    %dma_start3A_54 = arith.constant 0 : i32
    %dma_start3A_55 = tpu.memref_slice %arg6[%dma_start3A_52, %dma_start3A_53, %dma_start3A_54] : memref<7x16x1024xf32, #tpu.memory_space<vmem>> -> memref<1x16x1024xf32, #tpu.memory_space<vmem>>
    %dma_start3A_56 = tpu.memref_squeeze %dma_start3A_55 : memref<1x16x1024xf32, #tpu.memory_space<vmem>> -> memref<16x1024xf32, #tpu.memory_space<vmem>>
    %dma_start3A_57 = arith.constant 80 : i32
    %dma_start3A_58 = tpu.memref_slice %arg5[%dma_start3A_57] : memref<512xi32, #tpu.memory_space<vmem>> -> memref<16xi32, #tpu.memory_space<vmem>>
    %dma_start3A_59 = arith.constant 0 : i32
    %dma_start3A_60 = arith.constant 0 : i32
    %dma_start3A_61 = tpu.memref_slice %arg3[%dma_start3A_59, %dma_start3A_60] : memref<100000x1024xf32, #tpu.memory_space<hbm>> -> memref<100000x1024xf32, #tpu.memory_space<hbm>>
    tpu.enqueue_indirect_dma source(%dma_start3A_61 : memref<100000x1024xf32, #tpu.memory_space<hbm>>) target(%dma_start3A_56 : memref<16x1024xf32, #tpu.memory_space<vmem>>) offsets(%dma_start3A_58 : memref<16xi32, #tpu.memory_space<vmem>>) semaphore(%arg12 : memref<!tpu.dma_semaphore, #tpu.memory_space<semaphore_mem>>)
    %dma_wait3A = arith.constant 0 : i32
    %dma_wait3A_62 = arith.constant 0 : i32
    %dma_wait3A_63 = arith.constant 0 : i32
    %dma_wait3A_64 = tpu.memref_slice %arg6[%dma_wait3A, %dma_wait3A_62, %dma_wait3A_63] : memref<7x16x1024xf32, #tpu.memory_space<vmem>> -> memref<1x16x1024xf32, #tpu.memory_space<vmem>>
    %dma_wait3A_65 = tpu.memref_squeeze %dma_wait3A_64 : memref<1x16x1024xf32, #tpu.memory_space<vmem>> -> memref<16x1024xf32, #tpu.memory_space<vmem>>
    %dma_wait3A_66 = arith.constant 0 : i32
    %dma_wait3A_67 = tpu.memref_slice %arg5[%dma_wait3A_66] : memref<512xi32, #tpu.memory_space<vmem>> -> memref<16xi32, #tpu.memory_space<vmem>>
    %dma_wait3A_68 = arith.constant 0 : i32
    %dma_wait3A_69 = arith.constant 0 : i32
    %dma_wait3A_70 = tpu.memref_slice %arg3[%dma_wait3A_68, %dma_wait3A_69] : memref<100000x1024xf32, #tpu.memory_space<hbm>> -> memref<100000x1024xf32, #tpu.memory_space<hbm>>
    tpu.wait_indirect_dma semaphore(%arg7 : memref<!tpu.dma_semaphore, #tpu.memory_space<semaphore_mem>>) src(%dma_wait3A_70 : memref<100000x1024xf32, #tpu.memory_space<hbm>>) dst(%dma_wait3A_65 : memref<16x1024xf32, #tpu.memory_space<vmem>>)
    %add3A_71 = arith.constant 0 : i32
    %add3A_72 = arith.addi %mul3A_2, %add3A_71 : i32
    %dma_start3A_73 = arith.constant 0 : i32
    %dma_start3A_74 = arith.constant 0 : i32
    %dma_start3A_75 = arith.constant 0 : i32
    %dma_start3A_76 = tpu.memref_slice %arg6[%dma_start3A_73, %dma_start3A_74, %dma_start3A_75] : memref<7x16x1024xf32, #tpu.memory_space<vmem>> -> memref<1x16x1024xf32, #tpu.memory_space<vmem>>
    %dma_start3A_77 = tpu.memref_squeeze %dma_start3A_76 : memref<1x16x1024xf32, #tpu.memory_space<vmem>> -> memref<16x1024xf32, #tpu.memory_space<vmem>>
    %dma_start3A_78 = arith.constant 0 : i32
    %dma_start3A_79 = tpu.memref_slice %arg4[%add3A_72, %dma_start3A_78] : memref<16384x1024xf32, #tpu.memory_space<hbm>> -> memref<16x1024xf32, #tpu.memory_space<hbm>>
    %dma_start3A_80 = arith.constant 0 : i32
    %dma_start3A_81 = tpu.memref_slice %arg4[%add3A_72, %dma_start3A_80] : memref<16384x1024xf32, #tpu.memory_space<hbm>> -> memref<16x1024xf32, #tpu.memory_space<hbm>>
    %dma_start3A_82 = arith.constant 0 : i32
    %dma_start3A_83 = arith.constant 0 : i32
    %dma_start3A_84 = tpu.memref_slice %arg6[%dma_start3A_73, %dma_start3A_82, %dma_start3A_83] : memref<7x16x1024xf32, #tpu.memory_space<vmem>> -> memref<1x16x1024xf32, #tpu.memory_space<vmem>>
    %dma_start3A_85 = tpu.memref_squeeze %dma_start3A_84 : memref<1x16x1024xf32, #tpu.memory_space<vmem>> -> memref<16x1024xf32, #tpu.memory_space<vmem>>
    tpu.enqueue_dma source(%dma_start3A_85 : memref<16x1024xf32, #tpu.memory_space<vmem>>) target(%dma_start3A_81 : memref<16x1024xf32, #tpu.memory_space<hbm>>) target_semaphore(%arg14 : memref<!tpu.dma_semaphore, #tpu.memory_space<semaphore_mem>>)
    %dma_start3A_86 = arith.constant 6 : i32
    %dma_start3A_87 = arith.constant 0 : i32
    %dma_start3A_88 = arith.constant 0 : i32
    %dma_start3A_89 = tpu.memref_slice %arg6[%dma_start3A_86, %dma_start3A_87, %dma_start3A_88] : memref<7x16x1024xf32, #tpu.memory_space<vmem>> -> memref<1x16x1024xf32, #tpu.memory_space<vmem>>
    %dma_start3A_90 = tpu.memref_squeeze %dma_start3A_89 : memref<1x16x1024xf32, #tpu.memory_space<vmem>> -> memref<16x1024xf32, #tpu.memory_space<vmem>>
    %dma_start3A_91 = arith.constant 96 : i32
    %dma_start3A_92 = tpu.memref_slice %arg5[%dma_start3A_91] : memref<512xi32, #tpu.memory_space<vmem>> -> memref<16xi32, #tpu.memory_space<vmem>>
    %dma_start3A_93 = arith.constant 0 : i32
    %dma_start3A_94 = arith.constant 0 : i32
    %dma_start3A_95 = tpu.memref_slice %arg3[%dma_start3A_93, %dma_start3A_94] : memref<100000x1024xf32, #tpu.memory_space<hbm>> -> memref<100000x1024xf32, #tpu.memory_space<hbm>>
    tpu.enqueue_indirect_dma source(%dma_start3A_95 : memref<100000x1024xf32, #tpu.memory_space<hbm>>) target(%dma_start3A_90 : memref<16x1024xf32, #tpu.memory_space<vmem>>) offsets(%dma_start3A_92 : memref<16xi32, #tpu.memory_space<vmem>>) semaphore(%arg13 : memref<!tpu.dma_semaphore, #tpu.memory_space<semaphore_mem>>)
    %dma_wait3A_96 = arith.constant 1 : i32
    %dma_wait3A_97 = arith.constant 0 : i32
    %dma_wait3A_98 = arith.constant 0 : i32
    %dma_wait3A_99 = tpu.memref_slice %arg6[%dma_wait3A_96, %dma_wait3A_97, %dma_wait3A_98] : memref<7x16x1024xf32, #tpu.memory_space<vmem>> -> memref<1x16x1024xf32, #tpu.memory_space<vmem>>
    %dma_wait3A_100 = tpu.memref_squeeze %dma_wait3A_99 : memref<1x16x1024xf32, #tpu.memory_space<vmem>> -> memref<16x1024xf32, #tpu.memory_space<vmem>>
    %dma_wait3A_101 = arith.constant 16 : i32
    %dma_wait3A_102 = tpu.memref_slice %arg5[%dma_wait3A_101] : memref<512xi32, #tpu.memory_space<vmem>> -> memref<16xi32, #tpu.memory_space<vmem>>
    %dma_wait3A_103 = arith.constant 0 : i32
    %dma_wait3A_104 = arith.constant 0 : i32
    %dma_wait3A_105 = tpu.memref_slice %arg3[%dma_wait3A_103, %dma_wait3A_104] : memref<100000x1024xf32, #tpu.memory_space<hbm>> -> memref<100000x1024xf32, #tpu.memory_space<hbm>>
    tpu.wait_indirect_dma semaphore(%arg8 : memref<!tpu.dma_semaphore, #tpu.memory_space<semaphore_mem>>) src(%dma_wait3A_105 : memref<100000x1024xf32, #tpu.memory_space<hbm>>) dst(%dma_wait3A_100 : memref<16x1024xf32, #tpu.memory_space<vmem>>)
    %add3A_106 = arith.constant 16 : i32
    %add3A_107 = arith.addi %mul3A_2, %add3A_106 : i32
    %dma_start3A_108 = arith.constant 1 : i32
    %dma_start3A_109 = arith.constant 0 : i32
    %dma_start3A_110 = arith.constant 0 : i32
    %dma_start3A_111 = tpu.memref_slice %arg6[%dma_start3A_108, %dma_start3A_109, %dma_start3A_110] : memref<7x16x1024xf32, #tpu.memory_space<vmem>> -> memref<1x16x1024xf32, #tpu.memory_space<vmem>>
    %dma_start3A_112 = tpu.memref_squeeze %dma_start3A_111 : memref<1x16x1024xf32, #tpu.memory_space<vmem>> -> memref<16x1024xf32, #tpu.memory_space<vmem>>
    %dma_start3A_113 = arith.constant 0 : i32
    %dma_start3A_114 = tpu.memref_slice %arg4[%add3A_107, %dma_start3A_113] : memref<16384x1024xf32, #tpu.memory_space<hbm>> -> memref<16x1024xf32, #tpu.memory_space<hbm>>
    %dma_start3A_115 = arith.constant 0 : i32
    %dma_start3A_116 = tpu.memref_slice %arg4[%add3A_107, %dma_start3A_115] : memref<16384x1024xf32, #tpu.memory_space<hbm>> -> memref<16x1024xf32, #tpu.memory_space<hbm>>
    %dma_start3A_117 = arith.constant 0 : i32
    %dma_start3A_118 = arith.constant 0 : i32
    %dma_start3A_119 = tpu.memref_slice %arg6[%dma_start3A_108, %dma_start3A_117, %dma_start3A_118] : memref<7x16x1024xf32, #tpu.memory_space<vmem>> -> memref<1x16x1024xf32, #tpu.memory_space<vmem>>
    %dma_start3A_120 = tpu.memref_squeeze %dma_start3A_119 : memref<1x16x1024xf32, #tpu.memory_space<vmem>> -> memref<16x1024xf32, #tpu.memory_space<vmem>>
    tpu.enqueue_dma source(%dma_start3A_120 : memref<16x1024xf32, #tpu.memory_space<vmem>>) target(%dma_start3A_116 : memref<16x1024xf32, #tpu.memory_space<hbm>>) target_semaphore(%arg15 : memref<!tpu.dma_semaphore, #tpu.memory_space<semaphore_mem>>)
    %add3A_121 = arith.constant 0 : i32
    %add3A_122 = arith.addi %mul3A_2, %add3A_121 : i32
    %dma_wait3A_123 = arith.constant 0 : i32
    %dma_wait3A_124 = arith.constant 0 : i32
    %dma_wait3A_125 = arith.constant 0 : i32
    %dma_wait3A_126 = tpu.memref_slice %arg6[%dma_wait3A_123, %dma_wait3A_124, %dma_wait3A_125] : memref<7x16x1024xf32, #tpu.memory_space<vmem>> -> memref<1x16x1024xf32, #tpu.memory_space<vmem>>
    %dma_wait3A_127 = tpu.memref_squeeze %dma_wait3A_126 : memref<1x16x1024xf32, #tpu.memory_space<vmem>> -> memref<16x1024xf32, #tpu.memory_space<vmem>>
    %dma_wait3A_128 = arith.constant 0 : i32
    %dma_wait3A_129 = tpu.memref_slice %arg4[%add3A_122, %dma_wait3A_128] : memref<16384x1024xf32, #tpu.memory_space<hbm>> -> memref<16x1024xf32, #tpu.memory_space<hbm>>
    %dma_wait3A_130 = arith.constant 0 : i32
    %dma_wait3A_131 = tpu.memref_slice %arg4[%add3A_122, %dma_wait3A_130] : memref<16384x1024xf32, #tpu.memory_space<hbm>> -> memref<16x1024xf32, #tpu.memory_space<hbm>>
    %dma_wait3A_132 = arith.constant 0 : i32
    %dma_wait3A_133 = arith.constant 0 : i32
    %dma_wait3A_134 = tpu.memref_slice %arg6[%dma_wait3A_123, %dma_wait3A_132, %dma_wait3A_133] : memref<7x16x1024xf32, #tpu.memory_space<vmem>> -> memref<1x16x1024xf32, #tpu.memory_space<vmem>>
    %dma_wait3A_135 = tpu.memref_squeeze %dma_wait3A_134 : memref<1x16x1024xf32, #tpu.memory_space<vmem>> -> memref<16x1024xf32, #tpu.memory_space<vmem>>
    tpu.wait_dma2 semaphore(%arg14 : memref<!tpu.dma_semaphore, #tpu.memory_space<semaphore_mem>>) src(%dma_wait3A_135 : memref<16x1024xf32, #tpu.memory_space<vmem>>) dst(%dma_wait3A_131 : memref<16x1024xf32, #tpu.memory_space<hbm>>)
    %dma_start3A_136 = arith.constant 0 : i32
    %dma_start3A_137 = arith.constant 0 : i32
    %dma_start3A_138 = arith.constant 0 : i32
    %dma_start3A_139 = tpu.memref_slice %arg6[%dma_start3A_136, %dma_start3A_137, %dma_start3A_138] : memref<7x16x1024xf32, #tpu.memory_space<vmem>> -> memref<1x16x1024xf32, #tpu.memory_space<vmem>>
    %dma_start3A_140 = tpu.memref_squeeze %dma_start3A_139 : memref<1x16x1024xf32, #tpu.memory_space<vmem>> -> memref<16x1024xf32, #tpu.memory_space<vmem>>
    %dma_start3A_141 = arith.constant 112 : i32
    %dma_start3A_142 = tpu.memref_slice %arg5[%dma_start3A_141] : memref<512xi32, #tpu.memory_space<vmem>> -> memref<16xi32, #tpu.memory_space<vmem>>
    %dma_start3A_143 = arith.constant 0 : i32
    %dma_start3A_144 = arith.constant 0 : i32
    %dma_start3A_145 = tpu.memref_slice %arg3[%dma_start3A_143, %dma_start3A_144] : memref<100000x1024xf32, #tpu.memory_space<hbm>> -> memref<100000x1024xf32, #tpu.memory_space<hbm>>
    tpu.enqueue_indirect_dma source(%dma_start3A_145 : memref<100000x1024xf32, #tpu.memory_space<hbm>>) target(%dma_start3A_140 : memref<16x1024xf32, #tpu.memory_space<vmem>>) offsets(%dma_start3A_142 : memref<16xi32, #tpu.memory_space<vmem>>) semaphore(%arg7 : memref<!tpu.dma_semaphore, #tpu.memory_space<semaphore_mem>>)
    %dma_wait3A_146 = arith.constant 2 : i32
    %dma_wait3A_147 = arith.constant 0 : i32
    %dma_wait3A_148 = arith.constant 0 : i32
    %dma_wait3A_149 = tpu.memref_slice %arg6[%dma_wait3A_146, %dma_wait3A_147, %dma_wait3A_148] : memref<7x16x1024xf32, #tpu.memory_space<vmem>> -> memref<1x16x1024xf32, #tpu.memory_space<vmem>>
    %dma_wait3A_150 = tpu.memref_squeeze %dma_wait3A_149 : memref<1x16x1024xf32, #tpu.memory_space<vmem>> -> memref<16x1024xf32, #tpu.memory_space<vmem>>
    %dma_wait3A_151 = arith.constant 32 : i32
    %dma_wait3A_152 = tpu.memref_slice %arg5[%dma_wait3A_151] : memref<512xi32, #tpu.memory_space<vmem>> -> memref<16xi32, #tpu.memory_space<vmem>>
    %dma_wait3A_153 = arith.constant 0 : i32
    %dma_wait3A_154 = arith.constant 0 : i32
    %dma_wait3A_155 = tpu.memref_slice %arg3[%dma_wait3A_153, %dma_wait3A_154] : memref<100000x1024xf32, #tpu.memory_space<hbm>> -> memref<100000x1024xf32, #tpu.memory_space<hbm>>
    tpu.wait_indirect_dma semaphore(%arg9 : memref<!tpu.dma_semaphore, #tpu.memory_space<semaphore_mem>>) src(%dma_wait3A_155 : memref<100000x1024xf32, #tpu.memory_space<hbm>>) dst(%dma_wait3A_150 : memref<16x1024xf32, #tpu.memory_space<vmem>>)
    %add3A_156 = arith.constant 32 : i32
    %add3A_157 = arith.addi %mul3A_2, %add3A_156 : i32
    %dma_start3A_158 = arith.constant 2 : i32
    %dma_start3A_159 = arith.constant 0 : i32
    %dma_start3A_160 = arith.constant 0 : i32
    %dma_start3A_161 = tpu.memref_slice %arg6[%dma_start3A_158, %dma_start3A_159, %dma_start3A_160] : memref<7x16x1024xf32, #tpu.memory_space<vmem>> -> memref<1x16x1024xf32, #tpu.memory_space<vmem>>
    %dma_start3A_162 = tpu.memref_squeeze %dma_start3A_161 : memref<1x16x1024xf32, #tpu.memory_space<vmem>> -> memref<16x1024xf32, #tpu.memory_space<vmem>>
    %dma_start3A_163 = arith.constant 0 : i32
    %dma_start3A_164 = tpu.memref_slice %arg4[%add3A_157, %dma_start3A_163] : memref<16384x1024xf32, #tpu.memory_space<hbm>> -> memref<16x1024xf32, #tpu.memory_space<hbm>>
    %dma_start3A_165 = arith.constant 0 : i32
    %dma_start3A_166 = tpu.memref_slice %arg4[%add3A_157, %dma_start3A_165] : memref<16384x1024xf32, #tpu.memory_space<hbm>> -> memref<16x1024xf32, #tpu.memory_space<hbm>>
    %dma_start3A_167 = arith.constant 0 : i32
    %dma_start3A_168 = arith.constant 0 : i32
    %dma_start3A_169 = tpu.memref_slice %arg6[%dma_start3A_158, %dma_start3A_167, %dma_start3A_168] : memref<7x16x1024xf32, #tpu.memory_space<vmem>> -> memref<1x16x1024xf32, #tpu.memory_space<vmem>>
    %dma_start3A_170 = tpu.memref_squeeze %dma_start3A_169 : memref<1x16x1024xf32, #tpu.memory_space<vmem>> -> memref<16x1024xf32, #tpu.memory_space<vmem>>
    tpu.enqueue_dma source(%dma_start3A_170 : memref<16x1024xf32, #tpu.memory_space<vmem>>) target(%dma_start3A_166 : memref<16x1024xf32, #tpu.memory_space<hbm>>) target_semaphore(%arg16 : memref<!tpu.dma_semaphore, #tpu.memory_space<semaphore_mem>>)
    %add3A_171 = arith.constant 16 : i32
    %add3A_172 = arith.addi %mul3A_2, %add3A_171 : i32
    %dma_wait3A_173 = arith.constant 1 : i32
    %dma_wait3A_174 = arith.constant 0 : i32
    %dma_wait3A_175 = arith.constant 0 : i32
    %dma_wait3A_176 = tpu.memref_slice %arg6[%dma_wait3A_173, %dma_wait3A_174, %dma_wait3A_175] : memref<7x16x1024xf32, #tpu.memory_space<vmem>> -> memref<1x16x1024xf32, #tpu.memory_space<vmem>>
    %dma_wait3A_177 = tpu.memref_squeeze %dma_wait3A_176 : memref<1x16x1024xf32, #tpu.memory_space<vmem>> -> memref<16x1024xf32, #tpu.memory_space<vmem>>
    %dma_wait3A_178 = arith.constant 0 : i32
    %dma_wait3A_179 = tpu.memref_slice %arg4[%add3A_172, %dma_wait3A_178] : memref<16384x1024xf32, #tpu.memory_space<hbm>> -> memref<16x1024xf32, #tpu.memory_space<hbm>>
    %dma_wait3A_180 = arith.constant 0 : i32
    %dma_wait3A_181 = tpu.memref_slice %arg4[%add3A_172, %dma_wait3A_180] : memref<16384x1024xf32, #tpu.memory_space<hbm>> -> memref<16x1024xf32, #tpu.memory_space<hbm>>
    %dma_wait3A_182 = arith.constant 0 : i32
    %dma_wait3A_183 = arith.constant 0 : i32
    %dma_wait3A_184 = tpu.memref_slice %arg6[%dma_wait3A_173, %dma_wait3A_182, %dma_wait3A_183] : memref<7x16x1024xf32, #tpu.memory_space<vmem>> -> memref<1x16x1024xf32, #tpu.memory_space<vmem>>
    %dma_wait3A_185 = tpu.memref_squeeze %dma_wait3A_184 : memref<1x16x1024xf32, #tpu.memory_space<vmem>> -> memref<16x1024xf32, #tpu.memory_space<vmem>>
    tpu.wait_dma2 semaphore(%arg15 : memref<!tpu.dma_semaphore, #tpu.memory_space<semaphore_mem>>) src(%dma_wait3A_185 : memref<16x1024xf32, #tpu.memory_space<vmem>>) dst(%dma_wait3A_181 : memref<16x1024xf32, #tpu.memory_space<hbm>>)
    %dma_start3A_186 = arith.constant 1 : i32
    %dma_start3A_187 = arith.constant 0 : i32
    %dma_start3A_188 = arith.constant 0 : i32
    %dma_start3A_189 = tpu.memref_slice %arg6[%dma_start3A_186, %dma_start3A_187, %dma_start3A_188] : memref<7x16x1024xf32, #tpu.memory_space<vmem>> -> memref<1x16x1024xf32, #tpu.memory_space<vmem>>
    %dma_start3A_190 = tpu.memref_squeeze %dma_start3A_189 : memref<1x16x1024xf32, #tpu.memory_space<vmem>> -> memref<16x1024xf32, #tpu.memory_space<vmem>>
    %dma_start3A_191 = arith.constant 128 : i32
    %dma_start3A_192 = tpu.memref_slice %arg5[%dma_start3A_191] : memref<512xi32, #tpu.memory_space<vmem>> -> memref<16xi32, #tpu.memory_space<vmem>>
    %dma_start3A_193 = arith.constant 0 : i32
    %dma_start3A_194 = arith.constant 0 : i32
    %dma_start3A_195 = tpu.memref_slice %arg3[%dma_start3A_193, %dma_start3A_194] : memref<100000x1024xf32, #tpu.memory_space<hbm>> -> memref<100000x1024xf32, #tpu.memory_space<hbm>>
    tpu.enqueue_indirect_dma source(%dma_start3A_195 : memref<100000x1024xf32, #tpu.memory_space<hbm>>) target(%dma_start3A_190 : memref<16x1024xf32, #tpu.memory_space<vmem>>) offsets(%dma_start3A_192 : memref<16xi32, #tpu.memory_space<vmem>>) semaphore(%arg8 : memref<!tpu.dma_semaphore, #tpu.memory_space<semaphore_mem>>)
    %dma_wait3A_196 = arith.constant 3 : i32
    %dma_wait3A_197 = arith.constant 0 : i32
    %dma_wait3A_198 = arith.constant 0 : i32
    %dma_wait3A_199 = tpu.memref_slice %arg6[%dma_wait3A_196, %dma_wait3A_197, %dma_wait3A_198] : memref<7x16x1024xf32, #tpu.memory_space<vmem>> -> memref<1x16x1024xf32, #tpu.memory_space<vmem>>
    %dma_wait3A_200 = tpu.memref_squeeze %dma_wait3A_199 : memref<1x16x1024xf32, #tpu.memory_space<vmem>> -> memref<16x1024xf32, #tpu.memory_space<vmem>>
    %dma_wait3A_201 = arith.constant 48 : i32
    %dma_wait3A_202 = tpu.memref_slice %arg5[%dma_wait3A_201] : memref<512xi32, #tpu.memory_space<vmem>> -> memref<16xi32, #tpu.memory_space<vmem>>
    %dma_wait3A_203 = arith.constant 0 : i32
    %dma_wait3A_204 = arith.constant 0 : i32
    %dma_wait3A_205 = tpu.memref_slice %arg3[%dma_wait3A_203, %dma_wait3A_204] : memref<100000x1024xf32, #tpu.memory_space<hbm>> -> memref<100000x1024xf32, #tpu.memory_space<hbm>>
    tpu.wait_indirect_dma semaphore(%arg10 : memref<!tpu.dma_semaphore, #tpu.memory_space<semaphore_mem>>) src(%dma_wait3A_205 : memref<100000x1024xf32, #tpu.memory_space<hbm>>) dst(%dma_wait3A_200 : memref<16x1024xf32, #tpu.memory_space<vmem>>)
    %add3A_206 = arith.constant 48 : i32
    %add3A_207 = arith.addi %mul3A_2, %add3A_206 : i32
    %dma_start3A_208 = arith.constant 3 : i32
    %dma_start3A_209 = arith.constant 0 : i32
    %dma_start3A_210 = arith.constant 0 : i32
    %dma_start3A_211 = tpu.memref_slice %arg6[%dma_start3A_208, %dma_start3A_209, %dma_start3A_210] : memref<7x16x1024xf32, #tpu.memory_space<vmem>> -> memref<1x16x1024xf32, #tpu.memory_space<vmem>>
    %dma_start3A_212 = tpu.memref_squeeze %dma_start3A_211 : memref<1x16x1024xf32, #tpu.memory_space<vmem>> -> memref<16x1024xf32, #tpu.memory_space<vmem>>
    %dma_start3A_213 = arith.constant 0 : i32
    %dma_start3A_214 = tpu.memref_slice %arg4[%add3A_207, %dma_start3A_213] : memref<16384x1024xf32, #tpu.memory_space<hbm>> -> memref<16x1024xf32, #tpu.memory_space<hbm>>
    %dma_start3A_215 = arith.constant 0 : i32
    %dma_start3A_216 = tpu.memref_slice %arg4[%add3A_207, %dma_start3A_215] : memref<16384x1024xf32, #tpu.memory_space<hbm>> -> memref<16x1024xf32, #tpu.memory_space<hbm>>
    %dma_start3A_217 = arith.constant 0 : i32
    %dma_start3A_218 = arith.constant 0 : i32
    %dma_start3A_219 = tpu.memref_slice %arg6[%dma_start3A_208, %dma_start3A_217, %dma_start3A_218] : memref<7x16x1024xf32, #tpu.memory_space<vmem>> -> memref<1x16x1024xf32, #tpu.memory_space<vmem>>
    %dma_start3A_220 = tpu.memref_squeeze %dma_start3A_219 : memref<1x16x1024xf32, #tpu.memory_space<vmem>> -> memref<16x1024xf32, #tpu.memory_space<vmem>>
    tpu.enqueue_dma source(%dma_start3A_220 : memref<16x1024xf32, #tpu.memory_space<vmem>>) target(%dma_start3A_216 : memref<16x1024xf32, #tpu.memory_space<hbm>>) target_semaphore(%arg17 : memref<!tpu.dma_semaphore, #tpu.memory_space<semaphore_mem>>)
    %add3A_221 = arith.constant 32 : i32
    %add3A_222 = arith.addi %mul3A_2, %add3A_221 : i32
    %dma_wait3A_223 = arith.constant 2 : i32
    %dma_wait3A_224 = arith.constant 0 : i32
    %dma_wait3A_225 = arith.constant 0 : i32
    %dma_wait3A_226 = tpu.memref_slice %arg6[%dma_wait3A_223, %dma_wait3A_224, %dma_wait3A_225] : memref<7x16x1024xf32, #tpu.memory_space<vmem>> -> memref<1x16x1024xf32, #tpu.memory_space<vmem>>
    %dma_wait3A_227 = tpu.memref_squeeze %dma_wait3A_226 : memref<1x16x1024xf32, #tpu.memory_space<vmem>> -> memref<16x1024xf32, #tpu.memory_space<vmem>>
    %dma_wait3A_228 = arith.constant 0 : i32
    %dma_wait3A_229 = tpu.memref_slice %arg4[%add3A_222, %dma_wait3A_228] : memref<16384x1024xf32, #tpu.memory_space<hbm>> -> memref<16x1024xf32, #tpu.memory_space<hbm>>
    %dma_wait3A_230 = arith.constant 0 : i32
    %dma_wait3A_231 = tpu.memref_slice %arg4[%add3A_222, %dma_wait3A_230] : memref<16384x1024xf32, #tpu.memory_space<hbm>> -> memref<16x1024xf32, #tpu.memory_space<hbm>>
    %dma_wait3A_232 = arith.constant 0 : i32
    %dma_wait3A_233 = arith.constant 0 : i32
    %dma_wait3A_234 = tpu.memref_slice %arg6[%dma_wait3A_223, %dma_wait3A_232, %dma_wait3A_233] : memref<7x16x1024xf32, #tpu.memory_space<vmem>> -> memref<1x16x1024xf32, #tpu.memory_space<vmem>>
    %dma_wait3A_235 = tpu.memref_squeeze %dma_wait3A_234 : memref<1x16x1024xf32, #tpu.memory_space<vmem>> -> memref<16x1024xf32, #tpu.memory_space<vmem>>
    tpu.wait_dma2 semaphore(%arg16 : memref<!tpu.dma_semaphore, #tpu.memory_space<semaphore_mem>>) src(%dma_wait3A_235 : memref<16x1024xf32, #tpu.memory_space<vmem>>) dst(%dma_wait3A_231 : memref<16x1024xf32, #tpu.memory_space<hbm>>)
    %dma_start3A_236 = arith.constant 2 : i32
    %dma_start3A_237 = arith.constant 0 : i32
    %dma_start3A_238 = arith.constant 0 : i32
    %dma_start3A_239 = tpu.memref_slice %arg6[%dma_start3A_236, %dma_start3A_237, %dma_start3A_238] : memref<7x16x1024xf32, #tpu.memory_space<vmem>> -> memref<1x16x1024xf32, #tpu.memory_space<vmem>>
    %dma_start3A_240 = tpu.memref_squeeze %dma_start3A_239 : memref<1x16x1024xf32, #tpu.memory_space<vmem>> -> memref<16x1024xf32, #tpu.memory_space<vmem>>
    %dma_start3A_241 = arith.constant 144 : i32
    %dma_start3A_242 = tpu.memref_slice %arg5[%dma_start3A_241] : memref<512xi32, #tpu.memory_space<vmem>> -> memref<16xi32, #tpu.memory_space<vmem>>
    %dma_start3A_243 = arith.constant 0 : i32
    %dma_start3A_244 = arith.constant 0 : i32
    %dma_start3A_245 = tpu.memref_slice %arg3[%dma_start3A_243, %dma_start3A_244] : memref<100000x1024xf32, #tpu.memory_space<hbm>> -> memref<100000x1024xf32, #tpu.memory_space<hbm>>
    tpu.enqueue_indirect_dma source(%dma_start3A_245 : memref<100000x1024xf32, #tpu.memory_space<hbm>>) target(%dma_start3A_240 : memref<16x1024xf32, #tpu.memory_space<vmem>>) offsets(%dma_start3A_242 : memref<16xi32, #tpu.memory_space<vmem>>) semaphore(%arg9 : memref<!tpu.dma_semaphore, #tpu.memory_space<semaphore_mem>>)
    %dma_wait3A_246 = arith.constant 4 : i32
    %dma_wait3A_247 = arith.constant 0 : i32
    %dma_wait3A_248 = arith.constant 0 : i32
    %dma_wait3A_249 = tpu.memref_slice %arg6[%dma_wait3A_246, %dma_wait3A_247, %dma_wait3A_248] : memref<7x16x1024xf32, #tpu.memory_space<vmem>> -> memref<1x16x1024xf32, #tpu.memory_space<vmem>>
    %dma_wait3A_250 = tpu.memref_squeeze %dma_wait3A_249 : memref<1x16x1024xf32, #tpu.memory_space<vmem>> -> memref<16x1024xf32, #tpu.memory_space<vmem>>
    %dma_wait3A_251 = arith.constant 64 : i32
    %dma_wait3A_252 = tpu.memref_slice %arg5[%dma_wait3A_251] : memref<512xi32, #tpu.memory_space<vmem>> -> memref<16xi32, #tpu.memory_space<vmem>>
    %dma_wait3A_253 = arith.constant 0 : i32
    %dma_wait3A_254 = arith.constant 0 : i32
    %dma_wait3A_255 = tpu.memref_slice %arg3[%dma_wait3A_253, %dma_wait3A_254] : memref<100000x1024xf32, #tpu.memory_space<hbm>> -> memref<100000x1024xf32, #tpu.memory_space<hbm>>
    tpu.wait_indirect_dma semaphore(%arg11 : memref<!tpu.dma_semaphore, #tpu.memory_space<semaphore_mem>>) src(%dma_wait3A_255 : memref<100000x1024xf32, #tpu.memory_space<hbm>>) dst(%dma_wait3A_250 : memref<16x1024xf32, #tpu.memory_space<vmem>>)
    %add3A_256 = arith.constant 64 : i32
    %add3A_257 = arith.addi %mul3A_2, %add3A_256 : i32
    %dma_start3A_258 = arith.constant 4 : i32
    %dma_start3A_259 = arith.constant 0 : i32
    %dma_start3A_260 = arith.constant 0 : i32
    %dma_start3A_261 = tpu.memref_slice %arg6[%dma_start3A_258, %dma_start3A_259, %dma_start3A_260] : memref<7x16x1024xf32, #tpu.memory_space<vmem>> -> memref<1x16x1024xf32, #tpu.memory_space<vmem>>
    %dma_start3A_262 = tpu.memref_squeeze %dma_start3A_261 : memref<1x16x1024xf32, #tpu.memory_space<vmem>> -> memref<16x1024xf32, #tpu.memory_space<vmem>>
    %dma_start3A_263 = arith.constant 0 : i32
    %dma_start3A_264 = tpu.memref_slice %arg4[%add3A_257, %dma_start3A_263] : memref<16384x1024xf32, #tpu.memory_space<hbm>> -> memref<16x1024xf32, #tpu.memory_space<hbm>>
    %dma_start3A_265 = arith.constant 0 : i32
    %dma_start3A_266 = tpu.memref_slice %arg4[%add3A_257, %dma_start3A_265] : memref<16384x1024xf32, #tpu.memory_space<hbm>> -> memref<16x1024xf32, #tpu.memory_space<hbm>>
    %dma_start3A_267 = arith.constant 0 : i32
    %dma_start3A_268 = arith.constant 0 : i32
    %dma_start3A_269 = tpu.memref_slice %arg6[%dma_start3A_258, %dma_start3A_267, %dma_start3A_268] : memref<7x16x1024xf32, #tpu.memory_space<vmem>> -> memref<1x16x1024xf32, #tpu.memory_space<vmem>>
    %dma_start3A_270 = tpu.memref_squeeze %dma_start3A_269 : memref<1x16x1024xf32, #tpu.memory_space<vmem>> -> memref<16x1024xf32, #tpu.memory_space<vmem>>
    tpu.enqueue_dma source(%dma_start3A_270 : memref<16x1024xf32, #tpu.memory_space<vmem>>) target(%dma_start3A_266 : memref<16x1024xf32, #tpu.memory_space<hbm>>) target_semaphore(%arg18 : memref<!tpu.dma_semaphore, #tpu.memory_space<semaphore_mem>>)
    %add3A_271 = arith.constant 48 : i32
    %add3A_272 = arith.addi %mul3A_2, %add3A_271 : i32
    %dma_wait3A_273 = arith.constant 3 : i32
    %dma_wait3A_274 = arith.constant 0 : i32
    %dma_wait3A_275 = arith.constant 0 : i32
    %dma_wait3A_276 = tpu.memref_slice %arg6[%dma_wait3A_273, %dma_wait3A_274, %dma_wait3A_275] : memref<7x16x1024xf32, #tpu.memory_space<vmem>> -> memref<1x16x1024xf32, #tpu.memory_space<vmem>>
    %dma_wait3A_277 = tpu.memref_squeeze %dma_wait3A_276 : memref<1x16x1024xf32, #tpu.memory_space<vmem>> -> memref<16x1024xf32, #tpu.memory_space<vmem>>
    %dma_wait3A_278 = arith.constant 0 : i32
    %dma_wait3A_279 = tpu.memref_slice %arg4[%add3A_272, %dma_wait3A_278] : memref<16384x1024xf32, #tpu.memory_space<hbm>> -> memref<16x1024xf32, #tpu.memory_space<hbm>>
    %dma_wait3A_280 = arith.constant 0 : i32
    %dma_wait3A_281 = tpu.memref_slice %arg4[%add3A_272, %dma_wait3A_280] : memref<16384x1024xf32, #tpu.memory_space<hbm>> -> memref<16x1024xf32, #tpu.memory_space<hbm>>
    %dma_wait3A_282 = arith.constant 0 : i32
    %dma_wait3A_283 = arith.constant 0 : i32
    %dma_wait3A_284 = tpu.memref_slice %arg6[%dma_wait3A_273, %dma_wait3A_282, %dma_wait3A_283] : memref<7x16x1024xf32, #tpu.memory_space<vmem>> -> memref<1x16x1024xf32, #tpu.memory_space<vmem>>
    %dma_wait3A_285 = tpu.memref_squeeze %dma_wait3A_284 : memref<1x16x1024xf32, #tpu.memory_space<vmem>> -> memref<16x1024xf32, #tpu.memory_space<vmem>>
    tpu.wait_dma2 semaphore(%arg17 : memref<!tpu.dma_semaphore, #tpu.memory_space<semaphore_mem>>) src(%dma_wait3A_285 : memref<16x1024xf32, #tpu.memory_space<vmem>>) dst(%dma_wait3A_281 : memref<16x1024xf32, #tpu.memory_space<hbm>>)
    %dma_start3A_286 = arith.constant 3 : i32
    %dma_start3A_287 = arith.constant 0 : i32
    %dma_start3A_288 = arith.constant 0 : i32
    %dma_start3A_289 = tpu.memref_slice %arg6[%dma_start3A_286, %dma_start3A_287, %dma_start3A_288] : memref<7x16x1024xf32, #tpu.memory_space<vmem>> -> memref<1x16x1024xf32, #tpu.memory_space<vmem>>
    %dma_start3A_290 = tpu.memref_squeeze %dma_start3A_289 : memref<1x16x1024xf32, #tpu.memory_space<vmem>> -> memref<16x1024xf32, #tpu.memory_space<vmem>>
    %dma_start3A_291 = arith.constant 160 : i32
    %dma_start3A_292 = tpu.memref_slice %arg5[%dma_start3A_291] : memref<512xi32, #tpu.memory_space<vmem>> -> memref<16xi32, #tpu.memory_space<vmem>>
    %dma_start3A_293 = arith.constant 0 : i32
    %dma_start3A_294 = arith.constant 0 : i32
    %dma_start3A_295 = tpu.memref_slice %arg3[%dma_start3A_293, %dma_start3A_294] : memref<100000x1024xf32, #tpu.memory_space<hbm>> -> memref<100000x1024xf32, #tpu.memory_space<hbm>>
    tpu.enqueue_indirect_dma source(%dma_start3A_295 : memref<100000x1024xf32, #tpu.memory_space<hbm>>) target(%dma_start3A_290 : memref<16x1024xf32, #tpu.memory_space<vmem>>) offsets(%dma_start3A_292 : memref<16xi32, #tpu.memory_space<vmem>>) semaphore(%arg10 : memref<!tpu.dma_semaphore, #tpu.memory_space<semaphore_mem>>)
    %dma_wait3A_296 = arith.constant 5 : i32
    %dma_wait3A_297 = arith.constant 0 : i32
    %dma_wait3A_298 = arith.constant 0 : i32
    %dma_wait3A_299 = tpu.memref_slice %arg6[%dma_wait3A_296, %dma_wait3A_297, %dma_wait3A_298] : memref<7x16x1024xf32, #tpu.memory_space<vmem>> -> memref<1x16x1024xf32, #tpu.memory_space<vmem>>
    %dma_wait3A_300 = tpu.memref_squeeze %dma_wait3A_299 : memref<1x16x1024xf32, #tpu.memory_space<vmem>> -> memref<16x1024xf32, #tpu.memory_space<vmem>>
    %dma_wait3A_301 = arith.constant 80 : i32
    %dma_wait3A_302 = tpu.memref_slice %arg5[%dma_wait3A_301] : memref<512xi32, #tpu.memory_space<vmem>> -> memref<16xi32, #tpu.memory_space<vmem>>
    %dma_wait3A_303 = arith.constant 0 : i32
    %dma_wait3A_304 = arith.constant 0 : i32
    %dma_wait3A_305 = tpu.memref_slice %arg3[%dma_wait3A_303, %dma_wait3A_304] : memref<100000x1024xf32, #tpu.memory_space<hbm>> -> memref<100000x1024xf32, #tpu.memory_space<hbm>>
    tpu.wait_indirect_dma semaphore(%arg12 : memref<!tpu.dma_semaphore, #tpu.memory_space<semaphore_mem>>) src(%dma_wait3A_305 : memref<100000x1024xf32, #tpu.memory_space<hbm>>) dst(%dma_wait3A_300 : memref<16x1024xf32, #tpu.memory_space<vmem>>)
    %add3A_306 = arith.constant 80 : i32
    %add3A_307 = arith.addi %mul3A_2, %add3A_306 : i32
    %dma_start3A_308 = arith.constant 5 : i32
    %dma_start3A_309 = arith.constant 0 : i32
    %dma_start3A_310 = arith.constant 0 : i32
    %dma_start3A_311 = tpu.memref_slice %arg6[%dma_start3A_308, %dma_start3A_309, %dma_start3A_310] : memref<7x16x1024xf32, #tpu.memory_space<vmem>> -> memref<1x16x1024xf32, #tpu.memory_space<vmem>>
    %dma_start3A_312 = tpu.memref_squeeze %dma_start3A_311 : memref<1x16x1024xf32, #tpu.memory_space<vmem>> -> memref<16x1024xf32, #tpu.memory_space<vmem>>
    %dma_start3A_313 = arith.constant 0 : i32
    %dma_start3A_314 = tpu.memref_slice %arg4[%add3A_307, %dma_start3A_313] : memref<16384x1024xf32, #tpu.memory_space<hbm>> -> memref<16x1024xf32, #tpu.memory_space<hbm>>
    %dma_start3A_315 = arith.constant 0 : i32
    %dma_start3A_316 = tpu.memref_slice %arg4[%add3A_307, %dma_start3A_315] : memref<16384x1024xf32, #tpu.memory_space<hbm>> -> memref<16x1024xf32, #tpu.memory_space<hbm>>
    %dma_start3A_317 = arith.constant 0 : i32
    %dma_start3A_318 = arith.constant 0 : i32
    %dma_start3A_319 = tpu.memref_slice %arg6[%dma_start3A_308, %dma_start3A_317, %dma_start3A_318] : memref<7x16x1024xf32, #tpu.memory_space<vmem>> -> memref<1x16x1024xf32, #tpu.memory_space<vmem>>
    %dma_start3A_320 = tpu.memref_squeeze %dma_start3A_319 : memref<1x16x1024xf32, #tpu.memory_space<vmem>> -> memref<16x1024xf32, #tpu.memory_space<vmem>>
    tpu.enqueue_dma source(%dma_start3A_320 : memref<16x1024xf32, #tpu.memory_space<vmem>>) target(%dma_start3A_316 : memref<16x1024xf32, #tpu.memory_space<hbm>>) target_semaphore(%arg19 : memref<!tpu.dma_semaphore, #tpu.memory_space<semaphore_mem>>)
    %add3A_321 = arith.constant 64 : i32
    %add3A_322 = arith.addi %mul3A_2, %add3A_321 : i32
    %dma_wait3A_323 = arith.constant 4 : i32
    %dma_wait3A_324 = arith.constant 0 : i32
    %dma_wait3A_325 = arith.constant 0 : i32
    %dma_wait3A_326 = tpu.memref_slice %arg6[%dma_wait3A_323, %dma_wait3A_324, %dma_wait3A_325] : memref<7x16x1024xf32, #tpu.memory_space<vmem>> -> memref<1x16x1024xf32, #tpu.memory_space<vmem>>
    %dma_wait3A_327 = tpu.memref_squeeze %dma_wait3A_326 : memref<1x16x1024xf32, #tpu.memory_space<vmem>> -> memref<16x1024xf32, #tpu.memory_space<vmem>>
    %dma_wait3A_328 = arith.constant 0 : i32
    %dma_wait3A_329 = tpu.memref_slice %arg4[%add3A_322, %dma_wait3A_328] : memref<16384x1024xf32, #tpu.memory_space<hbm>> -> memref<16x1024xf32, #tpu.memory_space<hbm>>
    %dma_wait3A_330 = arith.constant 0 : i32
    %dma_wait3A_331 = tpu.memref_slice %arg4[%add3A_322, %dma_wait3A_330] : memref<16384x1024xf32, #tpu.memory_space<hbm>> -> memref<16x1024xf32, #tpu.memory_space<hbm>>
    %dma_wait3A_332 = arith.constant 0 : i32
    %dma_wait3A_333 = arith.constant 0 : i32
    %dma_wait3A_334 = tpu.memref_slice %arg6[%dma_wait3A_323, %dma_wait3A_332, %dma_wait3A_333] : memref<7x16x1024xf32, #tpu.memory_space<vmem>> -> memref<1x16x1024xf32, #tpu.memory_space<vmem>>
    %dma_wait3A_335 = tpu.memref_squeeze %dma_wait3A_334 : memref<1x16x1024xf32, #tpu.memory_space<vmem>> -> memref<16x1024xf32, #tpu.memory_space<vmem>>
    tpu.wait_dma2 semaphore(%arg18 : memref<!tpu.dma_semaphore, #tpu.memory_space<semaphore_mem>>) src(%dma_wait3A_335 : memref<16x1024xf32, #tpu.memory_space<vmem>>) dst(%dma_wait3A_331 : memref<16x1024xf32, #tpu.memory_space<hbm>>)
    %dma_start3A_336 = arith.constant 4 : i32
    %dma_start3A_337 = arith.constant 0 : i32
    %dma_start3A_338 = arith.constant 0 : i32
    %dma_start3A_339 = tpu.memref_slice %arg6[%dma_start3A_336, %dma_start3A_337, %dma_start3A_338] : memref<7x16x1024xf32, #tpu.memory_space<vmem>> -> memref<1x16x1024xf32, #tpu.memory_space<vmem>>
    %dma_start3A_340 = tpu.memref_squeeze %dma_start3A_339 : memref<1x16x1024xf32, #tpu.memory_space<vmem>> -> memref<16x1024xf32, #tpu.memory_space<vmem>>
    %dma_start3A_341 = arith.constant 176 : i32
    %dma_start3A_342 = tpu.memref_slice %arg5[%dma_start3A_341] : memref<512xi32, #tpu.memory_space<vmem>> -> memref<16xi32, #tpu.memory_space<vmem>>
    %dma_start3A_343 = arith.constant 0 : i32
    %dma_start3A_344 = arith.constant 0 : i32
    %dma_start3A_345 = tpu.memref_slice %arg3[%dma_start3A_343, %dma_start3A_344] : memref<100000x1024xf32, #tpu.memory_space<hbm>> -> memref<100000x1024xf32, #tpu.memory_space<hbm>>
    tpu.enqueue_indirect_dma source(%dma_start3A_345 : memref<100000x1024xf32, #tpu.memory_space<hbm>>) target(%dma_start3A_340 : memref<16x1024xf32, #tpu.memory_space<vmem>>) offsets(%dma_start3A_342 : memref<16xi32, #tpu.memory_space<vmem>>) semaphore(%arg11 : memref<!tpu.dma_semaphore, #tpu.memory_space<semaphore_mem>>)
    %dma_wait3A_346 = arith.constant 6 : i32
    %dma_wait3A_347 = arith.constant 0 : i32
    %dma_wait3A_348 = arith.constant 0 : i32
    %dma_wait3A_349 = tpu.memref_slice %arg6[%dma_wait3A_346, %dma_wait3A_347, %dma_wait3A_348] : memref<7x16x1024xf32, #tpu.memory_space<vmem>> -> memref<1x16x1024xf32, #tpu.memory_space<vmem>>
    %dma_wait3A_350 = tpu.memref_squeeze %dma_wait3A_349 : memref<1x16x1024xf32, #tpu.memory_space<vmem>> -> memref<16x1024xf32, #tpu.memory_space<vmem>>
    %dma_wait3A_351 = arith.constant 96 : i32
    %dma_wait3A_352 = tpu.memref_slice %arg5[%dma_wait3A_351] : memref<512xi32, #tpu.memory_space<vmem>> -> memref<16xi32, #tpu.memory_space<vmem>>
    %dma_wait3A_353 = arith.constant 0 : i32
    %dma_wait3A_354 = arith.constant 0 : i32
    %dma_wait3A_355 = tpu.memref_slice %arg3[%dma_wait3A_353, %dma_wait3A_354] : memref<100000x1024xf32, #tpu.memory_space<hbm>> -> memref<100000x1024xf32, #tpu.memory_space<hbm>>
    tpu.wait_indirect_dma semaphore(%arg13 : memref<!tpu.dma_semaphore, #tpu.memory_space<semaphore_mem>>) src(%dma_wait3A_355 : memref<100000x1024xf32, #tpu.memory_space<hbm>>) dst(%dma_wait3A_350 : memref<16x1024xf32, #tpu.memory_space<vmem>>)
    %add3A_356 = arith.constant 96 : i32
    %add3A_357 = arith.addi %mul3A_2, %add3A_356 : i32
    %dma_start3A_358 = arith.constant 6 : i32
    %dma_start3A_359 = arith.constant 0 : i32
    %dma_start3A_360 = arith.constant 0 : i32
    %dma_start3A_361 = tpu.memref_slice %arg6[%dma_start3A_358, %dma_start3A_359, %dma_start3A_360] : memref<7x16x1024xf32, #tpu.memory_space<vmem>> -> memref<1x16x1024xf32, #tpu.memory_space<vmem>>
    %dma_start3A_362 = tpu.memref_squeeze %dma_start3A_361 : memref<1x16x1024xf32, #tpu.memory_space<vmem>> -> memref<16x1024xf32, #tpu.memory_space<vmem>>
    %dma_start3A_363 = arith.constant 0 : i32
    %dma_start3A_364 = tpu.memref_slice %arg4[%add3A_357, %dma_start3A_363] : memref<16384x1024xf32, #tpu.memory_space<hbm>> -> memref<16x1024xf32, #tpu.memory_space<hbm>>
    %dma_start3A_365 = arith.constant 0 : i32
    %dma_start3A_366 = tpu.memref_slice %arg4[%add3A_357, %dma_start3A_365] : memref<16384x1024xf32, #tpu.memory_space<hbm>> -> memref<16x1024xf32, #tpu.memory_space<hbm>>
    %dma_start3A_367 = arith.constant 0 : i32
    %dma_start3A_368 = arith.constant 0 : i32
    %dma_start3A_369 = tpu.memref_slice %arg6[%dma_start3A_358, %dma_start3A_367, %dma_start3A_368] : memref<7x16x1024xf32, #tpu.memory_space<vmem>> -> memref<1x16x1024xf32, #tpu.memory_space<vmem>>
    %dma_start3A_370 = tpu.memref_squeeze %dma_start3A_369 : memref<1x16x1024xf32, #tpu.memory_space<vmem>> -> memref<16x1024xf32, #tpu.memory_space<vmem>>
    tpu.enqueue_dma source(%dma_start3A_370 : memref<16x1024xf32, #tpu.memory_space<vmem>>) target(%dma_start3A_366 : memref<16x1024xf32, #tpu.memory_space<hbm>>) target_semaphore(%arg20 : memref<!tpu.dma_semaphore, #tpu.memory_space<semaphore_mem>>)
    %add3A_371 = arith.constant 80 : i32
    %add3A_372 = arith.addi %mul3A_2, %add3A_371 : i32
    %dma_wait3A_373 = arith.constant 5 : i32
    %dma_wait3A_374 = arith.constant 0 : i32
    %dma_wait3A_375 = arith.constant 0 : i32
    %dma_wait3A_376 = tpu.memref_slice %arg6[%dma_wait3A_373, %dma_wait3A_374, %dma_wait3A_375] : memref<7x16x1024xf32, #tpu.memory_space<vmem>> -> memref<1x16x1024xf32, #tpu.memory_space<vmem>>
    %dma_wait3A_377 = tpu.memref_squeeze %dma_wait3A_376 : memref<1x16x1024xf32, #tpu.memory_space<vmem>> -> memref<16x1024xf32, #tpu.memory_space<vmem>>
    %dma_wait3A_378 = arith.constant 0 : i32
    %dma_wait3A_379 = tpu.memref_slice %arg4[%add3A_372, %dma_wait3A_378] : memref<16384x1024xf32, #tpu.memory_space<hbm>> -> memref<16x1024xf32, #tpu.memory_space<hbm>>
    %dma_wait3A_380 = arith.constant 0 : i32
    %dma_wait3A_381 = tpu.memref_slice %arg4[%add3A_372, %dma_wait3A_380] : memref<16384x1024xf32, #tpu.memory_space<hbm>> -> memref<16x1024xf32, #tpu.memory_space<hbm>>
    %dma_wait3A_382 = arith.constant 0 : i32
    %dma_wait3A_383 = arith.constant 0 : i32
    %dma_wait3A_384 = tpu.memref_slice %arg6[%dma_wait3A_373, %dma_wait3A_382, %dma_wait3A_383] : memref<7x16x1024xf32, #tpu.memory_space<vmem>> -> memref<1x16x1024xf32, #tpu.memory_space<vmem>>
    %dma_wait3A_385 = tpu.memref_squeeze %dma_wait3A_384 : memref<1x16x1024xf32, #tpu.memory_space<vmem>> -> memref<16x1024xf32, #tpu.memory_space<vmem>>
    tpu.wait_dma2 semaphore(%arg19 : memref<!tpu.dma_semaphore, #tpu.memory_space<semaphore_mem>>) src(%dma_wait3A_385 : memref<16x1024xf32, #tpu.memory_space<vmem>>) dst(%dma_wait3A_381 : memref<16x1024xf32, #tpu.memory_space<hbm>>)
    %dma_start3A_386 = arith.constant 5 : i32
    %dma_start3A_387 = arith.constant 0 : i32
    %dma_start3A_388 = arith.constant 0 : i32
    %dma_start3A_389 = tpu.memref_slice %arg6[%dma_start3A_386, %dma_start3A_387, %dma_start3A_388] : memref<7x16x1024xf32, #tpu.memory_space<vmem>> -> memref<1x16x1024xf32, #tpu.memory_space<vmem>>
    %dma_start3A_390 = tpu.memref_squeeze %dma_start3A_389 : memref<1x16x1024xf32, #tpu.memory_space<vmem>> -> memref<16x1024xf32, #tpu.memory_space<vmem>>
    %dma_start3A_391 = arith.constant 192 : i32
    %dma_start3A_392 = tpu.memref_slice %arg5[%dma_start3A_391] : memref<512xi32, #tpu.memory_space<vmem>> -> memref<16xi32, #tpu.memory_space<vmem>>
    %dma_start3A_393 = arith.constant 0 : i32
    %dma_start3A_394 = arith.constant 0 : i32
    %dma_start3A_395 = tpu.memref_slice %arg3[%dma_start3A_393, %dma_start3A_394] : memref<100000x1024xf32, #tpu.memory_space<hbm>> -> memref<100000x1024xf32, #tpu.memory_space<hbm>>
    tpu.enqueue_indirect_dma source(%dma_start3A_395 : memref<100000x1024xf32, #tpu.memory_space<hbm>>) target(%dma_start3A_390 : memref<16x1024xf32, #tpu.memory_space<vmem>>) offsets(%dma_start3A_392 : memref<16xi32, #tpu.memory_space<vmem>>) semaphore(%arg12 : memref<!tpu.dma_semaphore, #tpu.memory_space<semaphore_mem>>)
    %dma_wait3A_396 = arith.constant 0 : i32
    %dma_wait3A_397 = arith.constant 0 : i32
    %dma_wait3A_398 = arith.constant 0 : i32
    %dma_wait3A_399 = tpu.memref_slice %arg6[%dma_wait3A_396, %dma_wait3A_397, %dma_wait3A_398] : memref<7x16x1024xf32, #tpu.memory_space<vmem>> -> memref<1x16x1024xf32, #tpu.memory_space<vmem>>
    %dma_wait3A_400 = tpu.memref_squeeze %dma_wait3A_399 : memref<1x16x1024xf32, #tpu.memory_space<vmem>> -> memref<16x1024xf32, #tpu.memory_space<vmem>>
    %dma_wait3A_401 = arith.constant 112 : i32
    %dma_wait3A_402 = tpu.memref_slice %arg5[%dma_wait3A_401] : memref<512xi32, #tpu.memory_space<vmem>> -> memref<16xi32, #tpu.memory_space<vmem>>
    %dma_wait3A_403 = arith.constant 0 : i32
    %dma_wait3A_404 = arith.constant 0 : i32
    %dma_wait3A_405 = tpu.memref_slice %arg3[%dma_wait3A_403, %dma_wait3A_404] : memref<100000x1024xf32, #tpu.memory_space<hbm>> -> memref<100000x1024xf32, #tpu.memory_space<hbm>>
    tpu.wait_indirect_dma semaphore(%arg7 : memref<!tpu.dma_semaphore, #tpu.memory_space<semaphore_mem>>) src(%dma_wait3A_405 : memref<100000x1024xf32, #tpu.memory_space<hbm>>) dst(%dma_wait3A_400 : memref<16x1024xf32, #tpu.memory_space<vmem>>)
    %add3A_406 = arith.constant 112 : i32
    %add3A_407 = arith.addi %mul3A_2, %add3A_406 : i32
    %dma_start3A_408 = arith.constant 0 : i32
    %dma_start3A_409 = arith.constant 0 : i32
    %dma_start3A_410 = arith.constant 0 : i32
    %dma_start3A_411 = tpu.memref_slice %arg6[%dma_start3A_408, %dma_start3A_409, %dma_start3A_410] : memref<7x16x1024xf32, #tpu.memory_space<vmem>> -> memref<1x16x1024xf32, #tpu.memory_space<vmem>>
    %dma_start3A_412 = tpu.memref_squeeze %dma_start3A_411 : memref<1x16x1024xf32, #tpu.memory_space<vmem>> -> memref<16x1024xf32, #tpu.memory_space<vmem>>
    %dma_start3A_413 = arith.constant 0 : i32
    %dma_start3A_414 = tpu.memref_slice %arg4[%add3A_407, %dma_start3A_413] : memref<16384x1024xf32, #tpu.memory_space<hbm>> -> memref<16x1024xf32, #tpu.memory_space<hbm>>
    %dma_start3A_415 = arith.constant 0 : i32
    %dma_start3A_416 = tpu.memref_slice %arg4[%add3A_407, %dma_start3A_415] : memref<16384x1024xf32, #tpu.memory_space<hbm>> -> memref<16x1024xf32, #tpu.memory_space<hbm>>
    %dma_start3A_417 = arith.constant 0 : i32
    %dma_start3A_418 = arith.constant 0 : i32
    %dma_start3A_419 = tpu.memref_slice %arg6[%dma_start3A_408, %dma_start3A_417, %dma_start3A_418] : memref<7x16x1024xf32, #tpu.memory_space<vmem>> -> memref<1x16x1024xf32, #tpu.memory_space<vmem>>
    %dma_start3A_420 = tpu.memref_squeeze %dma_start3A_419 : memref<1x16x1024xf32, #tpu.memory_space<vmem>> -> memref<16x1024xf32, #tpu.memory_space<vmem>>
    tpu.enqueue_dma source(%dma_start3A_420 : memref<16x1024xf32, #tpu.memory_space<vmem>>) target(%dma_start3A_416 : memref<16x1024xf32, #tpu.memory_space<hbm>>) target_semaphore(%arg14 : memref<!tpu.dma_semaphore, #tpu.memory_space<semaphore_mem>>)
    %add3A_421 = arith.constant 96 : i32
    %add3A_422 = arith.addi %mul3A_2, %add3A_421 : i32
    %dma_wait3A_423 = arith.constant 6 : i32
    %dma_wait3A_424 = arith.constant 0 : i32
    %dma_wait3A_425 = arith.constant 0 : i32
    %dma_wait3A_426 = tpu.memref_slice %arg6[%dma_wait3A_423, %dma_wait3A_424, %dma_wait3A_425] : memref<7x16x1024xf32, #tpu.memory_space<vmem>> -> memref<1x16x1024xf32, #tpu.memory_space<vmem>>
    %dma_wait3A_427 = tpu.memref_squeeze %dma_wait3A_426 : memref<1x16x1024xf32, #tpu.memory_space<vmem>> -> memref<16x1024xf32, #tpu.memory_space<vmem>>
    %dma_wait3A_428 = arith.constant 0 : i32
    %dma_wait3A_429 = tpu.memref_slice %arg4[%add3A_422, %dma_wait3A_428] : memref<16384x1024xf32, #tpu.memory_space<hbm>> -> memref<16x1024xf32, #tpu.memory_space<hbm>>
    %dma_wait3A_430 = arith.constant 0 : i32
    %dma_wait3A_431 = tpu.memref_slice %arg4[%add3A_422, %dma_wait3A_430] : memref<16384x1024xf32, #tpu.memory_space<hbm>> -> memref<16x1024xf32, #tpu.memory_space<hbm>>
    %dma_wait3A_432 = arith.constant 0 : i32
    %dma_wait3A_433 = arith.constant 0 : i32
    %dma_wait3A_434 = tpu.memref_slice %arg6[%dma_wait3A_423, %dma_wait3A_432, %dma_wait3A_433] : memref<7x16x1024xf32, #tpu.memory_space<vmem>> -> memref<1x16x1024xf32, #tpu.memory_space<vmem>>
    %dma_wait3A_435 = tpu.memref_squeeze %dma_wait3A_434 : memref<1x16x1024xf32, #tpu.memory_space<vmem>> -> memref<16x1024xf32, #tpu.memory_space<vmem>>
    tpu.wait_dma2 semaphore(%arg20 : memref<!tpu.dma_semaphore, #tpu.memory_space<semaphore_mem>>) src(%dma_wait3A_435 : memref<16x1024xf32, #tpu.memory_space<vmem>>) dst(%dma_wait3A_431 : memref<16x1024xf32, #tpu.memory_space<hbm>>)
    %dma_start3A_436 = arith.constant 6 : i32
    %dma_start3A_437 = arith.constant 0 : i32
    %dma_start3A_438 = arith.constant 0 : i32
    %dma_start3A_439 = tpu.memref_slice %arg6[%dma_start3A_436, %dma_start3A_437, %dma_start3A_438] : memref<7x16x1024xf32, #tpu.memory_space<vmem>> -> memref<1x16x1024xf32, #tpu.memory_space<vmem>>
    %dma_start3A_440 = tpu.memref_squeeze %dma_start3A_439 : memref<1x16x1024xf32, #tpu.memory_space<vmem>> -> memref<16x1024xf32, #tpu.memory_space<vmem>>
    %dma_start3A_441 = arith.constant 208 : i32
    %dma_start3A_442 = tpu.memref_slice %arg5[%dma_start3A_441] : memref<512xi32, #tpu.memory_space<vmem>> -> memref<16xi32, #tpu.memory_space<vmem>>
    %dma_start3A_443 = arith.constant 0 : i32
    %dma_start3A_444 = arith.constant 0 : i32
    %dma_start3A_445 = tpu.memref_slice %arg3[%dma_start3A_443, %dma_start3A_444] : memref<100000x1024xf32, #tpu.memory_space<hbm>> -> memref<100000x1024xf32, #tpu.memory_space<hbm>>
    tpu.enqueue_indirect_dma source(%dma_start3A_445 : memref<100000x1024xf32, #tpu.memory_space<hbm>>) target(%dma_start3A_440 : memref<16x1024xf32, #tpu.memory_space<vmem>>) offsets(%dma_start3A_442 : memref<16xi32, #tpu.memory_space<vmem>>) semaphore(%arg13 : memref<!tpu.dma_semaphore, #tpu.memory_space<semaphore_mem>>)
    %dma_wait3A_446 = arith.constant 1 : i32
    %dma_wait3A_447 = arith.constant 0 : i32
    %dma_wait3A_448 = arith.constant 0 : i32
    %dma_wait3A_449 = tpu.memref_slice %arg6[%dma_wait3A_446, %dma_wait3A_447, %dma_wait3A_448] : memref<7x16x1024xf32, #tpu.memory_space<vmem>> -> memref<1x16x1024xf32, #tpu.memory_space<vmem>>
    %dma_wait3A_450 = tpu.memref_squeeze %dma_wait3A_449 : memref<1x16x1024xf32, #tpu.memory_space<vmem>> -> memref<16x1024xf32, #tpu.memory_space<vmem>>
    %dma_wait3A_451 = arith.constant 128 : i32
    %dma_wait3A_452 = tpu.memref_slice %arg5[%dma_wait3A_451] : memref<512xi32, #tpu.memory_space<vmem>> -> memref<16xi32, #tpu.memory_space<vmem>>
    %dma_wait3A_453 = arith.constant 0 : i32
    %dma_wait3A_454 = arith.constant 0 : i32
    %dma_wait3A_455 = tpu.memref_slice %arg3[%dma_wait3A_453, %dma_wait3A_454] : memref<100000x1024xf32, #tpu.memory_space<hbm>> -> memref<100000x1024xf32, #tpu.memory_space<hbm>>
    tpu.wait_indirect_dma semaphore(%arg8 : memref<!tpu.dma_semaphore, #tpu.memory_space<semaphore_mem>>) src(%dma_wait3A_455 : memref<100000x1024xf32, #tpu.memory_space<hbm>>) dst(%dma_wait3A_450 : memref<16x1024xf32, #tpu.memory_space<vmem>>)
    %add3A_456 = arith.constant 128 : i32
    %add3A_457 = arith.addi %mul3A_2, %add3A_456 : i32
    %dma_start3A_458 = arith.constant 1 : i32
    %dma_start3A_459 = arith.constant 0 : i32
    %dma_start3A_460 = arith.constant 0 : i32
    %dma_start3A_461 = tpu.memref_slice %arg6[%dma_start3A_458, %dma_start3A_459, %dma_start3A_460] : memref<7x16x1024xf32, #tpu.memory_space<vmem>> -> memref<1x16x1024xf32, #tpu.memory_space<vmem>>
    %dma_start3A_462 = tpu.memref_squeeze %dma_start3A_461 : memref<1x16x1024xf32, #tpu.memory_space<vmem>> -> memref<16x1024xf32, #tpu.memory_space<vmem>>
    %dma_start3A_463 = arith.constant 0 : i32
    %dma_start3A_464 = tpu.memref_slice %arg4[%add3A_457, %dma_start3A_463] : memref<16384x1024xf32, #tpu.memory_space<hbm>> -> memref<16x1024xf32, #tpu.memory_space<hbm>>
    %dma_start3A_465 = arith.constant 0 : i32
    %dma_start3A_466 = tpu.memref_slice %arg4[%add3A_457, %dma_start3A_465] : memref<16384x1024xf32, #tpu.memory_space<hbm>> -> memref<16x1024xf32, #tpu.memory_space<hbm>>
    %dma_start3A_467 = arith.constant 0 : i32
    %dma_start3A_468 = arith.constant 0 : i32
    %dma_start3A_469 = tpu.memref_slice %arg6[%dma_start3A_458, %dma_start3A_467, %dma_start3A_468] : memref<7x16x1024xf32, #tpu.memory_space<vmem>> -> memref<1x16x1024xf32, #tpu.memory_space<vmem>>
    %dma_start3A_470 = tpu.memref_squeeze %dma_start3A_469 : memref<1x16x1024xf32, #tpu.memory_space<vmem>> -> memref<16x1024xf32, #tpu.memory_space<vmem>>
    tpu.enqueue_dma source(%dma_start3A_470 : memref<16x1024xf32, #tpu.memory_space<vmem>>) target(%dma_start3A_466 : memref<16x1024xf32, #tpu.memory_space<hbm>>) target_semaphore(%arg15 : memref<!tpu.dma_semaphore, #tpu.memory_space<semaphore_mem>>)
    %add3A_471 = arith.constant 112 : i32
    %add3A_472 = arith.addi %mul3A_2, %add3A_471 : i32
    %dma_wait3A_473 = arith.constant 0 : i32
    %dma_wait3A_474 = arith.constant 0 : i32
    %dma_wait3A_475 = arith.constant 0 : i32
    %dma_wait3A_476 = tpu.memref_slice %arg6[%dma_wait3A_473, %dma_wait3A_474, %dma_wait3A_475] : memref<7x16x1024xf32, #tpu.memory_space<vmem>> -> memref<1x16x1024xf32, #tpu.memory_space<vmem>>
    %dma_wait3A_477 = tpu.memref_squeeze %dma_wait3A_476 : memref<1x16x1024xf32, #tpu.memory_space<vmem>> -> memref<16x1024xf32, #tpu.memory_space<vmem>>
    %dma_wait3A_478 = arith.constant 0 : i32
    %dma_wait3A_479 = tpu.memref_slice %arg4[%add3A_472, %dma_wait3A_478] : memref<16384x1024xf32, #tpu.memory_space<hbm>> -> memref<16x1024xf32, #tpu.memory_space<hbm>>
    %dma_wait3A_480 = arith.constant 0 : i32
    %dma_wait3A_481 = tpu.memref_slice %arg4[%add3A_472, %dma_wait3A_480] : memref<16384x1024xf32, #tpu.memory_space<hbm>> -> memref<16x1024xf32, #tpu.memory_space<hbm>>
    %dma_wait3A_482 = arith.constant 0 : i32
    %dma_wait3A_483 = arith.constant 0 : i32
    %dma_wait3A_484 = tpu.memref_slice %arg6[%dma_wait3A_473, %dma_wait3A_482, %dma_wait3A_483] : memref<7x16x1024xf32, #tpu.memory_space<vmem>> -> memref<1x16x1024xf32, #tpu.memory_space<vmem>>
    %dma_wait3A_485 = tpu.memref_squeeze %dma_wait3A_484 : memref<1x16x1024xf32, #tpu.memory_space<vmem>> -> memref<16x1024xf32, #tpu.memory_space<vmem>>
    tpu.wait_dma2 semaphore(%arg14 : memref<!tpu.dma_semaphore, #tpu.memory_space<semaphore_mem>>) src(%dma_wait3A_485 : memref<16x1024xf32, #tpu.memory_space<vmem>>) dst(%dma_wait3A_481 : memref<16x1024xf32, #tpu.memory_space<hbm>>)
    %dma_start3A_486 = arith.constant 0 : i32
    %dma_start3A_487 = arith.constant 0 : i32
    %dma_start3A_488 = arith.constant 0 : i32
    %dma_start3A_489 = tpu.memref_slice %arg6[%dma_start3A_486, %dma_start3A_487, %dma_start3A_488] : memref<7x16x1024xf32, #tpu.memory_space<vmem>> -> memref<1x16x1024xf32, #tpu.memory_space<vmem>>
    %dma_start3A_490 = tpu.memref_squeeze %dma_start3A_489 : memref<1x16x1024xf32, #tpu.memory_space<vmem>> -> memref<16x1024xf32, #tpu.memory_space<vmem>>
    %dma_start3A_491 = arith.constant 224 : i32
    %dma_start3A_492 = tpu.memref_slice %arg5[%dma_start3A_491] : memref<512xi32, #tpu.memory_space<vmem>> -> memref<16xi32, #tpu.memory_space<vmem>>
    %dma_start3A_493 = arith.constant 0 : i32
    %dma_start3A_494 = arith.constant 0 : i32
    %dma_start3A_495 = tpu.memref_slice %arg3[%dma_start3A_493, %dma_start3A_494] : memref<100000x1024xf32, #tpu.memory_space<hbm>> -> memref<100000x1024xf32, #tpu.memory_space<hbm>>
    tpu.enqueue_indirect_dma source(%dma_start3A_495 : memref<100000x1024xf32, #tpu.memory_space<hbm>>) target(%dma_start3A_490 : memref<16x1024xf32, #tpu.memory_space<vmem>>) offsets(%dma_start3A_492 : memref<16xi32, #tpu.memory_space<vmem>>) semaphore(%arg7 : memref<!tpu.dma_semaphore, #tpu.memory_space<semaphore_mem>>)
    %dma_wait3A_496 = arith.constant 2 : i32
    %dma_wait3A_497 = arith.constant 0 : i32
    %dma_wait3A_498 = arith.constant 0 : i32
    %dma_wait3A_499 = tpu.memref_slice %arg6[%dma_wait3A_496, %dma_wait3A_497, %dma_wait3A_498] : memref<7x16x1024xf32, #tpu.memory_space<vmem>> -> memref<1x16x1024xf32, #tpu.memory_space<vmem>>
    %dma_wait3A_500 = tpu.memref_squeeze %dma_wait3A_499 : memref<1x16x1024xf32, #tpu.memory_space<vmem>> -> memref<16x1024xf32, #tpu.memory_space<vmem>>
    %dma_wait3A_501 = arith.constant 144 : i32
    %dma_wait3A_502 = tpu.memref_slice %arg5[%dma_wait3A_501] : memref<512xi32, #tpu.memory_space<vmem>> -> memref<16xi32, #tpu.memory_space<vmem>>
    %dma_wait3A_503 = arith.constant 0 : i32
    %dma_wait3A_504 = arith.constant 0 : i32
    %dma_wait3A_505 = tpu.memref_slice %arg3[%dma_wait3A_503, %dma_wait3A_504] : memref<100000x1024xf32, #tpu.memory_space<hbm>> -> memref<100000x1024xf32, #tpu.memory_space<hbm>>
    tpu.wait_indirect_dma semaphore(%arg9 : memref<!tpu.dma_semaphore, #tpu.memory_space<semaphore_mem>>) src(%dma_wait3A_505 : memref<100000x1024xf32, #tpu.memory_space<hbm>>) dst(%dma_wait3A_500 : memref<16x1024xf32, #tpu.memory_space<vmem>>)
    %add3A_506 = arith.constant 144 : i32
    %add3A_507 = arith.addi %mul3A_2, %add3A_506 : i32
    %dma_start3A_508 = arith.constant 2 : i32
    %dma_start3A_509 = arith.constant 0 : i32
    %dma_start3A_510 = arith.constant 0 : i32
    %dma_start3A_511 = tpu.memref_slice %arg6[%dma_start3A_508, %dma_start3A_509, %dma_start3A_510] : memref<7x16x1024xf32, #tpu.memory_space<vmem>> -> memref<1x16x1024xf32, #tpu.memory_space<vmem>>
    %dma_start3A_512 = tpu.memref_squeeze %dma_start3A_511 : memref<1x16x1024xf32, #tpu.memory_space<vmem>> -> memref<16x1024xf32, #tpu.memory_space<vmem>>
    %dma_start3A_513 = arith.constant 0 : i32
    %dma_start3A_514 = tpu.memref_slice %arg4[%add3A_507, %dma_start3A_513] : memref<16384x1024xf32, #tpu.memory_space<hbm>> -> memref<16x1024xf32, #tpu.memory_space<hbm>>
    %dma_start3A_515 = arith.constant 0 : i32
    %dma_start3A_516 = tpu.memref_slice %arg4[%add3A_507, %dma_start3A_515] : memref<16384x1024xf32, #tpu.memory_space<hbm>> -> memref<16x1024xf32, #tpu.memory_space<hbm>>
    %dma_start3A_517 = arith.constant 0 : i32
    %dma_start3A_518 = arith.constant 0 : i32
    %dma_start3A_519 = tpu.memref_slice %arg6[%dma_start3A_508, %dma_start3A_517, %dma_start3A_518] : memref<7x16x1024xf32, #tpu.memory_space<vmem>> -> memref<1x16x1024xf32, #tpu.memory_space<vmem>>
    %dma_start3A_520 = tpu.memref_squeeze %dma_start3A_519 : memref<1x16x1024xf32, #tpu.memory_space<vmem>> -> memref<16x1024xf32, #tpu.memory_space<vmem>>
    tpu.enqueue_dma source(%dma_start3A_520 : memref<16x1024xf32, #tpu.memory_space<vmem>>) target(%dma_start3A_516 : memref<16x1024xf32, #tpu.memory_space<hbm>>) target_semaphore(%arg16 : memref<!tpu.dma_semaphore, #tpu.memory_space<semaphore_mem>>)
    %add3A_521 = arith.constant 128 : i32
    %add3A_522 = arith.addi %mul3A_2, %add3A_521 : i32
    %dma_wait3A_523 = arith.constant 1 : i32
    %dma_wait3A_524 = arith.constant 0 : i32
    %dma_wait3A_525 = arith.constant 0 : i32
    %dma_wait3A_526 = tpu.memref_slice %arg6[%dma_wait3A_523, %dma_wait3A_524, %dma_wait3A_525] : memref<7x16x1024xf32, #tpu.memory_space<vmem>> -> memref<1x16x1024xf32, #tpu.memory_space<vmem>>
    %dma_wait3A_527 = tpu.memref_squeeze %dma_wait3A_526 : memref<1x16x1024xf32, #tpu.memory_space<vmem>> -> memref<16x1024xf32, #tpu.memory_space<vmem>>
    %dma_wait3A_528 = arith.constant 0 : i32
    %dma_wait3A_529 = tpu.memref_slice %arg4[%add3A_522, %dma_wait3A_528] : memref<16384x1024xf32, #tpu.memory_space<hbm>> -> memref<16x1024xf32, #tpu.memory_space<hbm>>
    %dma_wait3A_530 = arith.constant 0 : i32
    %dma_wait3A_531 = tpu.memref_slice %arg4[%add3A_522, %dma_wait3A_530] : memref<16384x1024xf32, #tpu.memory_space<hbm>> -> memref<16x1024xf32, #tpu.memory_space<hbm>>
    %dma_wait3A_532 = arith.constant 0 : i32
    %dma_wait3A_533 = arith.constant 0 : i32
    %dma_wait3A_534 = tpu.memref_slice %arg6[%dma_wait3A_523, %dma_wait3A_532, %dma_wait3A_533] : memref<7x16x1024xf32, #tpu.memory_space<vmem>> -> memref<1x16x1024xf32, #tpu.memory_space<vmem>>
    %dma_wait3A_535 = tpu.memref_squeeze %dma_wait3A_534 : memref<1x16x1024xf32, #tpu.memory_space<vmem>> -> memref<16x1024xf32, #tpu.memory_space<vmem>>
    tpu.wait_dma2 semaphore(%arg15 : memref<!tpu.dma_semaphore, #tpu.memory_space<semaphore_mem>>) src(%dma_wait3A_535 : memref<16x1024xf32, #tpu.memory_space<vmem>>) dst(%dma_wait3A_531 : memref<16x1024xf32, #tpu.memory_space<hbm>>)
    %dma_start3A_536 = arith.constant 1 : i32
    %dma_start3A_537 = arith.constant 0 : i32
    %dma_start3A_538 = arith.constant 0 : i32
    %dma_start3A_539 = tpu.memref_slice %arg6[%dma_start3A_536, %dma_start3A_537, %dma_start3A_538] : memref<7x16x1024xf32, #tpu.memory_space<vmem>> -> memref<1x16x1024xf32, #tpu.memory_space<vmem>>
    %dma_start3A_540 = tpu.memref_squeeze %dma_start3A_539 : memref<1x16x1024xf32, #tpu.memory_space<vmem>> -> memref<16x1024xf32, #tpu.memory_space<vmem>>
    %dma_start3A_541 = arith.constant 240 : i32
    %dma_start3A_542 = tpu.memref_slice %arg5[%dma_start3A_541] : memref<512xi32, #tpu.memory_space<vmem>> -> memref<16xi32, #tpu.memory_space<vmem>>
    %dma_start3A_543 = arith.constant 0 : i32
    %dma_start3A_544 = arith.constant 0 : i32
    %dma_start3A_545 = tpu.memref_slice %arg3[%dma_start3A_543, %dma_start3A_544] : memref<100000x1024xf32, #tpu.memory_space<hbm>> -> memref<100000x1024xf32, #tpu.memory_space<hbm>>
    tpu.enqueue_indirect_dma source(%dma_start3A_545 : memref<100000x1024xf32, #tpu.memory_space<hbm>>) target(%dma_start3A_540 : memref<16x1024xf32, #tpu.memory_space<vmem>>) offsets(%dma_start3A_542 : memref<16xi32, #tpu.memory_space<vmem>>) semaphore(%arg8 : memref<!tpu.dma_semaphore, #tpu.memory_space<semaphore_mem>>)
    %dma_wait3A_546 = arith.constant 3 : i32
    %dma_wait3A_547 = arith.constant 0 : i32
    %dma_wait3A_548 = arith.constant 0 : i32
    %dma_wait3A_549 = tpu.memref_slice %arg6[%dma_wait3A_546, %dma_wait3A_547, %dma_wait3A_548] : memref<7x16x1024xf32, #tpu.memory_space<vmem>> -> memref<1x16x1024xf32, #tpu.memory_space<vmem>>
    %dma_wait3A_550 = tpu.memref_squeeze %dma_wait3A_549 : memref<1x16x1024xf32, #tpu.memory_space<vmem>> -> memref<16x1024xf32, #tpu.memory_space<vmem>>
    %dma_wait3A_551 = arith.constant 160 : i32
    %dma_wait3A_552 = tpu.memref_slice %arg5[%dma_wait3A_551] : memref<512xi32, #tpu.memory_space<vmem>> -> memref<16xi32, #tpu.memory_space<vmem>>
    %dma_wait3A_553 = arith.constant 0 : i32
    %dma_wait3A_554 = arith.constant 0 : i32
    %dma_wait3A_555 = tpu.memref_slice %arg3[%dma_wait3A_553, %dma_wait3A_554] : memref<100000x1024xf32, #tpu.memory_space<hbm>> -> memref<100000x1024xf32, #tpu.memory_space<hbm>>
    tpu.wait_indirect_dma semaphore(%arg10 : memref<!tpu.dma_semaphore, #tpu.memory_space<semaphore_mem>>) src(%dma_wait3A_555 : memref<100000x1024xf32, #tpu.memory_space<hbm>>) dst(%dma_wait3A_550 : memref<16x1024xf32, #tpu.memory_space<vmem>>)
    %add3A_556 = arith.constant 160 : i32
    %add3A_557 = arith.addi %mul3A_2, %add3A_556 : i32
    %dma_start3A_558 = arith.constant 3 : i32
    %dma_start3A_559 = arith.constant 0 : i32
    %dma_start3A_560 = arith.constant 0 : i32
    %dma_start3A_561 = tpu.memref_slice %arg6[%dma_start3A_558, %dma_start3A_559, %dma_start3A_560] : memref<7x16x1024xf32, #tpu.memory_space<vmem>> -> memref<1x16x1024xf32, #tpu.memory_space<vmem>>
    %dma_start3A_562 = tpu.memref_squeeze %dma_start3A_561 : memref<1x16x1024xf32, #tpu.memory_space<vmem>> -> memref<16x1024xf32, #tpu.memory_space<vmem>>
    %dma_start3A_563 = arith.constant 0 : i32
    %dma_start3A_564 = tpu.memref_slice %arg4[%add3A_557, %dma_start3A_563] : memref<16384x1024xf32, #tpu.memory_space<hbm>> -> memref<16x1024xf32, #tpu.memory_space<hbm>>
    %dma_start3A_565 = arith.constant 0 : i32
    %dma_start3A_566 = tpu.memref_slice %arg4[%add3A_557, %dma_start3A_565] : memref<16384x1024xf32, #tpu.memory_space<hbm>> -> memref<16x1024xf32, #tpu.memory_space<hbm>>
    %dma_start3A_567 = arith.constant 0 : i32
    %dma_start3A_568 = arith.constant 0 : i32
    %dma_start3A_569 = tpu.memref_slice %arg6[%dma_start3A_558, %dma_start3A_567, %dma_start3A_568] : memref<7x16x1024xf32, #tpu.memory_space<vmem>> -> memref<1x16x1024xf32, #tpu.memory_space<vmem>>
    %dma_start3A_570 = tpu.memref_squeeze %dma_start3A_569 : memref<1x16x1024xf32, #tpu.memory_space<vmem>> -> memref<16x1024xf32, #tpu.memory_space<vmem>>
    tpu.enqueue_dma source(%dma_start3A_570 : memref<16x1024xf32, #tpu.memory_space<vmem>>) target(%dma_start3A_566 : memref<16x1024xf32, #tpu.memory_space<hbm>>) target_semaphore(%arg17 : memref<!tpu.dma_semaphore, #tpu.memory_space<semaphore_mem>>)
    %add3A_571 = arith.constant 144 : i32
    %add3A_572 = arith.addi %mul3A_2, %add3A_571 : i32
    %dma_wait3A_573 = arith.constant 2 : i32
    %dma_wait3A_574 = arith.constant 0 : i32
    %dma_wait3A_575 = arith.constant 0 : i32
    %dma_wait3A_576 = tpu.memref_slice %arg6[%dma_wait3A_573, %dma_wait3A_574, %dma_wait3A_575] : memref<7x16x1024xf32, #tpu.memory_space<vmem>> -> memref<1x16x1024xf32, #tpu.memory_space<vmem>>
    %dma_wait3A_577 = tpu.memref_squeeze %dma_wait3A_576 : memref<1x16x1024xf32, #tpu.memory_space<vmem>> -> memref<16x1024xf32, #tpu.memory_space<vmem>>
    %dma_wait3A_578 = arith.constant 0 : i32
    %dma_wait3A_579 = tpu.memref_slice %arg4[%add3A_572, %dma_wait3A_578] : memref<16384x1024xf32, #tpu.memory_space<hbm>> -> memref<16x1024xf32, #tpu.memory_space<hbm>>
    %dma_wait3A_580 = arith.constant 0 : i32
    %dma_wait3A_581 = tpu.memref_slice %arg4[%add3A_572, %dma_wait3A_580] : memref<16384x1024xf32, #tpu.memory_space<hbm>> -> memref<16x1024xf32, #tpu.memory_space<hbm>>
    %dma_wait3A_582 = arith.constant 0 : i32
    %dma_wait3A_583 = arith.constant 0 : i32
    %dma_wait3A_584 = tpu.memref_slice %arg6[%dma_wait3A_573, %dma_wait3A_582, %dma_wait3A_583] : memref<7x16x1024xf32, #tpu.memory_space<vmem>> -> memref<1x16x1024xf32, #tpu.memory_space<vmem>>
    %dma_wait3A_585 = tpu.memref_squeeze %dma_wait3A_584 : memref<1x16x1024xf32, #tpu.memory_space<vmem>> -> memref<16x1024xf32, #tpu.memory_space<vmem>>
    tpu.wait_dma2 semaphore(%arg16 : memref<!tpu.dma_semaphore, #tpu.memory_space<semaphore_mem>>) src(%dma_wait3A_585 : memref<16x1024xf32, #tpu.memory_space<vmem>>) dst(%dma_wait3A_581 : memref<16x1024xf32, #tpu.memory_space<hbm>>)
    %dma_start3A_586 = arith.constant 2 : i32
    %dma_start3A_587 = arith.constant 0 : i32
    %dma_start3A_588 = arith.constant 0 : i32
    %dma_start3A_589 = tpu.memref_slice %arg6[%dma_start3A_586, %dma_start3A_587, %dma_start3A_588] : memref<7x16x1024xf32, #tpu.memory_space<vmem>> -> memref<1x16x1024xf32, #tpu.memory_space<vmem>>
    %dma_start3A_590 = tpu.memref_squeeze %dma_start3A_589 : memref<1x16x1024xf32, #tpu.memory_space<vmem>> -> memref<16x1024xf32, #tpu.memory_space<vmem>>
    %dma_start3A_591 = arith.constant 256 : i32
    %dma_start3A_592 = tpu.memref_slice %arg5[%dma_start3A_591] : memref<512xi32, #tpu.memory_space<vmem>> -> memref<16xi32, #tpu.memory_space<vmem>>
    %dma_start3A_593 = arith.constant 0 : i32
    %dma_start3A_594 = arith.constant 0 : i32
    %dma_start3A_595 = tpu.memref_slice %arg3[%dma_start3A_593, %dma_start3A_594] : memref<100000x1024xf32, #tpu.memory_space<hbm>> -> memref<100000x1024xf32, #tpu.memory_space<hbm>>
    tpu.enqueue_indirect_dma source(%dma_start3A_595 : memref<100000x1024xf32, #tpu.memory_space<hbm>>) target(%dma_start3A_590 : memref<16x1024xf32, #tpu.memory_space<vmem>>) offsets(%dma_start3A_592 : memref<16xi32, #tpu.memory_space<vmem>>) semaphore(%arg9 : memref<!tpu.dma_semaphore, #tpu.memory_space<semaphore_mem>>)
    %dma_wait3A_596 = arith.constant 4 : i32
    %dma_wait3A_597 = arith.constant 0 : i32
    %dma_wait3A_598 = arith.constant 0 : i32
    %dma_wait3A_599 = tpu.memref_slice %arg6[%dma_wait3A_596, %dma_wait3A_597, %dma_wait3A_598] : memref<7x16x1024xf32, #tpu.memory_space<vmem>> -> memref<1x16x1024xf32, #tpu.memory_space<vmem>>
    %dma_wait3A_600 = tpu.memref_squeeze %dma_wait3A_599 : memref<1x16x1024xf32, #tpu.memory_space<vmem>> -> memref<16x1024xf32, #tpu.memory_space<vmem>>
    %dma_wait3A_601 = arith.constant 176 : i32
    %dma_wait3A_602 = tpu.memref_slice %arg5[%dma_wait3A_601] : memref<512xi32, #tpu.memory_space<vmem>> -> memref<16xi32, #tpu.memory_space<vmem>>
    %dma_wait3A_603 = arith.constant 0 : i32
    %dma_wait3A_604 = arith.constant 0 : i32
    %dma_wait3A_605 = tpu.memref_slice %arg3[%dma_wait3A_603, %dma_wait3A_604] : memref<100000x1024xf32, #tpu.memory_space<hbm>> -> memref<100000x1024xf32, #tpu.memory_space<hbm>>
    tpu.wait_indirect_dma semaphore(%arg11 : memref<!tpu.dma_semaphore, #tpu.memory_space<semaphore_mem>>) src(%dma_wait3A_605 : memref<100000x1024xf32, #tpu.memory_space<hbm>>) dst(%dma_wait3A_600 : memref<16x1024xf32, #tpu.memory_space<vmem>>)
    %add3A_606 = arith.constant 176 : i32
    %add3A_607 = arith.addi %mul3A_2, %add3A_606 : i32
    %dma_start3A_608 = arith.constant 4 : i32
    %dma_start3A_609 = arith.constant 0 : i32
    %dma_start3A_610 = arith.constant 0 : i32
    %dma_start3A_611 = tpu.memref_slice %arg6[%dma_start3A_608, %dma_start3A_609, %dma_start3A_610] : memref<7x16x1024xf32, #tpu.memory_space<vmem>> -> memref<1x16x1024xf32, #tpu.memory_space<vmem>>
    %dma_start3A_612 = tpu.memref_squeeze %dma_start3A_611 : memref<1x16x1024xf32, #tpu.memory_space<vmem>> -> memref<16x1024xf32, #tpu.memory_space<vmem>>
    %dma_start3A_613 = arith.constant 0 : i32
    %dma_start3A_614 = tpu.memref_slice %arg4[%add3A_607, %dma_start3A_613] : memref<16384x1024xf32, #tpu.memory_space<hbm>> -> memref<16x1024xf32, #tpu.memory_space<hbm>>
    %dma_start3A_615 = arith.constant 0 : i32
    %dma_start3A_616 = tpu.memref_slice %arg4[%add3A_607, %dma_start3A_615] : memref<16384x1024xf32, #tpu.memory_space<hbm>> -> memref<16x1024xf32, #tpu.memory_space<hbm>>
    %dma_start3A_617 = arith.constant 0 : i32
    %dma_start3A_618 = arith.constant 0 : i32
    %dma_start3A_619 = tpu.memref_slice %arg6[%dma_start3A_608, %dma_start3A_617, %dma_start3A_618] : memref<7x16x1024xf32, #tpu.memory_space<vmem>> -> memref<1x16x1024xf32, #tpu.memory_space<vmem>>
    %dma_start3A_620 = tpu.memref_squeeze %dma_start3A_619 : memref<1x16x1024xf32, #tpu.memory_space<vmem>> -> memref<16x1024xf32, #tpu.memory_space<vmem>>
    tpu.enqueue_dma source(%dma_start3A_620 : memref<16x1024xf32, #tpu.memory_space<vmem>>) target(%dma_start3A_616 : memref<16x1024xf32, #tpu.memory_space<hbm>>) target_semaphore(%arg18 : memref<!tpu.dma_semaphore, #tpu.memory_space<semaphore_mem>>)
    %add3A_621 = arith.constant 160 : i32
    %add3A_622 = arith.addi %mul3A_2, %add3A_621 : i32
    %dma_wait3A_623 = arith.constant 3 : i32
    %dma_wait3A_624 = arith.constant 0 : i32
    %dma_wait3A_625 = arith.constant 0 : i32
    %dma_wait3A_626 = tpu.memref_slice %arg6[%dma_wait3A_623, %dma_wait3A_624, %dma_wait3A_625] : memref<7x16x1024xf32, #tpu.memory_space<vmem>> -> memref<1x16x1024xf32, #tpu.memory_space<vmem>>
    %dma_wait3A_627 = tpu.memref_squeeze %dma_wait3A_626 : memref<1x16x1024xf32, #tpu.memory_space<vmem>> -> memref<16x1024xf32, #tpu.memory_space<vmem>>
    %dma_wait3A_628 = arith.constant 0 : i32
    %dma_wait3A_629 = tpu.memref_slice %arg4[%add3A_622, %dma_wait3A_628] : memref<16384x1024xf32, #tpu.memory_space<hbm>> -> memref<16x1024xf32, #tpu.memory_space<hbm>>
    %dma_wait3A_630 = arith.constant 0 : i32
    %dma_wait3A_631 = tpu.memref_slice %arg4[%add3A_622, %dma_wait3A_630] : memref<16384x1024xf32, #tpu.memory_space<hbm>> -> memref<16x1024xf32, #tpu.memory_space<hbm>>
    %dma_wait3A_632 = arith.constant 0 : i32
    %dma_wait3A_633 = arith.constant 0 : i32
    %dma_wait3A_634 = tpu.memref_slice %arg6[%dma_wait3A_623, %dma_wait3A_632, %dma_wait3A_633] : memref<7x16x1024xf32, #tpu.memory_space<vmem>> -> memref<1x16x1024xf32, #tpu.memory_space<vmem>>
    %dma_wait3A_635 = tpu.memref_squeeze %dma_wait3A_634 : memref<1x16x1024xf32, #tpu.memory_space<vmem>> -> memref<16x1024xf32, #tpu.memory_space<vmem>>
    tpu.wait_dma2 semaphore(%arg17 : memref<!tpu.dma_semaphore, #tpu.memory_space<semaphore_mem>>) src(%dma_wait3A_635 : memref<16x1024xf32, #tpu.memory_space<vmem>>) dst(%dma_wait3A_631 : memref<16x1024xf32, #tpu.memory_space<hbm>>)
    %dma_start3A_636 = arith.constant 3 : i32
    %dma_start3A_637 = arith.constant 0 : i32
    %dma_start3A_638 = arith.constant 0 : i32
    %dma_start3A_639 = tpu.memref_slice %arg6[%dma_start3A_636, %dma_start3A_637, %dma_start3A_638] : memref<7x16x1024xf32, #tpu.memory_space<vmem>> -> memref<1x16x1024xf32, #tpu.memory_space<vmem>>
    %dma_start3A_640 = tpu.memref_squeeze %dma_start3A_639 : memref<1x16x1024xf32, #tpu.memory_space<vmem>> -> memref<16x1024xf32, #tpu.memory_space<vmem>>
    %dma_start3A_641 = arith.constant 272 : i32
    %dma_start3A_642 = tpu.memref_slice %arg5[%dma_start3A_641] : memref<512xi32, #tpu.memory_space<vmem>> -> memref<16xi32, #tpu.memory_space<vmem>>
    %dma_start3A_643 = arith.constant 0 : i32
    %dma_start3A_644 = arith.constant 0 : i32
    %dma_start3A_645 = tpu.memref_slice %arg3[%dma_start3A_643, %dma_start3A_644] : memref<100000x1024xf32, #tpu.memory_space<hbm>> -> memref<100000x1024xf32, #tpu.memory_space<hbm>>
    tpu.enqueue_indirect_dma source(%dma_start3A_645 : memref<100000x1024xf32, #tpu.memory_space<hbm>>) target(%dma_start3A_640 : memref<16x1024xf32, #tpu.memory_space<vmem>>) offsets(%dma_start3A_642 : memref<16xi32, #tpu.memory_space<vmem>>) semaphore(%arg10 : memref<!tpu.dma_semaphore, #tpu.memory_space<semaphore_mem>>)
    %dma_wait3A_646 = arith.constant 5 : i32
    %dma_wait3A_647 = arith.constant 0 : i32
    %dma_wait3A_648 = arith.constant 0 : i32
    %dma_wait3A_649 = tpu.memref_slice %arg6[%dma_wait3A_646, %dma_wait3A_647, %dma_wait3A_648] : memref<7x16x1024xf32, #tpu.memory_space<vmem>> -> memref<1x16x1024xf32, #tpu.memory_space<vmem>>
    %dma_wait3A_650 = tpu.memref_squeeze %dma_wait3A_649 : memref<1x16x1024xf32, #tpu.memory_space<vmem>> -> memref<16x1024xf32, #tpu.memory_space<vmem>>
    %dma_wait3A_651 = arith.constant 192 : i32
    %dma_wait3A_652 = tpu.memref_slice %arg5[%dma_wait3A_651] : memref<512xi32, #tpu.memory_space<vmem>> -> memref<16xi32, #tpu.memory_space<vmem>>
    %dma_wait3A_653 = arith.constant 0 : i32
    %dma_wait3A_654 = arith.constant 0 : i32
    %dma_wait3A_655 = tpu.memref_slice %arg3[%dma_wait3A_653, %dma_wait3A_654] : memref<100000x1024xf32, #tpu.memory_space<hbm>> -> memref<100000x1024xf32, #tpu.memory_space<hbm>>
    tpu.wait_indirect_dma semaphore(%arg12 : memref<!tpu.dma_semaphore, #tpu.memory_space<semaphore_mem>>) src(%dma_wait3A_655 : memref<100000x1024xf32, #tpu.memory_space<hbm>>) dst(%dma_wait3A_650 : memref<16x1024xf32, #tpu.memory_space<vmem>>)
    %add3A_656 = arith.constant 192 : i32
    %add3A_657 = arith.addi %mul3A_2, %add3A_656 : i32
    %dma_start3A_658 = arith.constant 5 : i32
    %dma_start3A_659 = arith.constant 0 : i32
    %dma_start3A_660 = arith.constant 0 : i32
    %dma_start3A_661 = tpu.memref_slice %arg6[%dma_start3A_658, %dma_start3A_659, %dma_start3A_660] : memref<7x16x1024xf32, #tpu.memory_space<vmem>> -> memref<1x16x1024xf32, #tpu.memory_space<vmem>>
    %dma_start3A_662 = tpu.memref_squeeze %dma_start3A_661 : memref<1x16x1024xf32, #tpu.memory_space<vmem>> -> memref<16x1024xf32, #tpu.memory_space<vmem>>
    %dma_start3A_663 = arith.constant 0 : i32
    %dma_start3A_664 = tpu.memref_slice %arg4[%add3A_657, %dma_start3A_663] : memref<16384x1024xf32, #tpu.memory_space<hbm>> -> memref<16x1024xf32, #tpu.memory_space<hbm>>
    %dma_start3A_665 = arith.constant 0 : i32
    %dma_start3A_666 = tpu.memref_slice %arg4[%add3A_657, %dma_start3A_665] : memref<16384x1024xf32, #tpu.memory_space<hbm>> -> memref<16x1024xf32, #tpu.memory_space<hbm>>
    %dma_start3A_667 = arith.constant 0 : i32
    %dma_start3A_668 = arith.constant 0 : i32
    %dma_start3A_669 = tpu.memref_slice %arg6[%dma_start3A_658, %dma_start3A_667, %dma_start3A_668] : memref<7x16x1024xf32, #tpu.memory_space<vmem>> -> memref<1x16x1024xf32, #tpu.memory_space<vmem>>
    %dma_start3A_670 = tpu.memref_squeeze %dma_start3A_669 : memref<1x16x1024xf32, #tpu.memory_space<vmem>> -> memref<16x1024xf32, #tpu.memory_space<vmem>>
    tpu.enqueue_dma source(%dma_start3A_670 : memref<16x1024xf32, #tpu.memory_space<vmem>>) target(%dma_start3A_666 : memref<16x1024xf32, #tpu.memory_space<hbm>>) target_semaphore(%arg19 : memref<!tpu.dma_semaphore, #tpu.memory_space<semaphore_mem>>)
    %add3A_671 = arith.constant 176 : i32
    %add3A_672 = arith.addi %mul3A_2, %add3A_671 : i32
    %dma_wait3A_673 = arith.constant 4 : i32
    %dma_wait3A_674 = arith.constant 0 : i32
    %dma_wait3A_675 = arith.constant 0 : i32
    %dma_wait3A_676 = tpu.memref_slice %arg6[%dma_wait3A_673, %dma_wait3A_674, %dma_wait3A_675] : memref<7x16x1024xf32, #tpu.memory_space<vmem>> -> memref<1x16x1024xf32, #tpu.memory_space<vmem>>
    %dma_wait3A_677 = tpu.memref_squeeze %dma_wait3A_676 : memref<1x16x1024xf32, #tpu.memory_space<vmem>> -> memref<16x1024xf32, #tpu.memory_space<vmem>>
    %dma_wait3A_678 = arith.constant 0 : i32
    %dma_wait3A_679 = tpu.memref_slice %arg4[%add3A_672, %dma_wait3A_678] : memref<16384x1024xf32, #tpu.memory_space<hbm>> -> memref<16x1024xf32, #tpu.memory_space<hbm>>
    %dma_wait3A_680 = arith.constant 0 : i32
    %dma_wait3A_681 = tpu.memref_slice %arg4[%add3A_672, %dma_wait3A_680] : memref<16384x1024xf32, #tpu.memory_space<hbm>> -> memref<16x1024xf32, #tpu.memory_space<hbm>>
    %dma_wait3A_682 = arith.constant 0 : i32
    %dma_wait3A_683 = arith.constant 0 : i32
    %dma_wait3A_684 = tpu.memref_slice %arg6[%dma_wait3A_673, %dma_wait3A_682, %dma_wait3A_683] : memref<7x16x1024xf32, #tpu.memory_space<vmem>> -> memref<1x16x1024xf32, #tpu.memory_space<vmem>>
    %dma_wait3A_685 = tpu.memref_squeeze %dma_wait3A_684 : memref<1x16x1024xf32, #tpu.memory_space<vmem>> -> memref<16x1024xf32, #tpu.memory_space<vmem>>
    tpu.wait_dma2 semaphore(%arg18 : memref<!tpu.dma_semaphore, #tpu.memory_space<semaphore_mem>>) src(%dma_wait3A_685 : memref<16x1024xf32, #tpu.memory_space<vmem>>) dst(%dma_wait3A_681 : memref<16x1024xf32, #tpu.memory_space<hbm>>)
    %dma_start3A_686 = arith.constant 4 : i32
    %dma_start3A_687 = arith.constant 0 : i32
    %dma_start3A_688 = arith.constant 0 : i32
    %dma_start3A_689 = tpu.memref_slice %arg6[%dma_start3A_686, %dma_start3A_687, %dma_start3A_688] : memref<7x16x1024xf32, #tpu.memory_space<vmem>> -> memref<1x16x1024xf32, #tpu.memory_space<vmem>>
    %dma_start3A_690 = tpu.memref_squeeze %dma_start3A_689 : memref<1x16x1024xf32, #tpu.memory_space<vmem>> -> memref<16x1024xf32, #tpu.memory_space<vmem>>
    %dma_start3A_691 = arith.constant 288 : i32
    %dma_start3A_692 = tpu.memref_slice %arg5[%dma_start3A_691] : memref<512xi32, #tpu.memory_space<vmem>> -> memref<16xi32, #tpu.memory_space<vmem>>
    %dma_start3A_693 = arith.constant 0 : i32
    %dma_start3A_694 = arith.constant 0 : i32
    %dma_start3A_695 = tpu.memref_slice %arg3[%dma_start3A_693, %dma_start3A_694] : memref<100000x1024xf32, #tpu.memory_space<hbm>> -> memref<100000x1024xf32, #tpu.memory_space<hbm>>
    tpu.enqueue_indirect_dma source(%dma_start3A_695 : memref<100000x1024xf32, #tpu.memory_space<hbm>>) target(%dma_start3A_690 : memref<16x1024xf32, #tpu.memory_space<vmem>>) offsets(%dma_start3A_692 : memref<16xi32, #tpu.memory_space<vmem>>) semaphore(%arg11 : memref<!tpu.dma_semaphore, #tpu.memory_space<semaphore_mem>>)
    %dma_wait3A_696 = arith.constant 6 : i32
    %dma_wait3A_697 = arith.constant 0 : i32
    %dma_wait3A_698 = arith.constant 0 : i32
    %dma_wait3A_699 = tpu.memref_slice %arg6[%dma_wait3A_696, %dma_wait3A_697, %dma_wait3A_698] : memref<7x16x1024xf32, #tpu.memory_space<vmem>> -> memref<1x16x1024xf32, #tpu.memory_space<vmem>>
    %dma_wait3A_700 = tpu.memref_squeeze %dma_wait3A_699 : memref<1x16x1024xf32, #tpu.memory_space<vmem>> -> memref<16x1024xf32, #tpu.memory_space<vmem>>
    %dma_wait3A_701 = arith.constant 208 : i32
    %dma_wait3A_702 = tpu.memref_slice %arg5[%dma_wait3A_701] : memref<512xi32, #tpu.memory_space<vmem>> -> memref<16xi32, #tpu.memory_space<vmem>>
    %dma_wait3A_703 = arith.constant 0 : i32
    %dma_wait3A_704 = arith.constant 0 : i32
    %dma_wait3A_705 = tpu.memref_slice %arg3[%dma_wait3A_703, %dma_wait3A_704] : memref<100000x1024xf32, #tpu.memory_space<hbm>> -> memref<100000x1024xf32, #tpu.memory_space<hbm>>
    tpu.wait_indirect_dma semaphore(%arg13 : memref<!tpu.dma_semaphore, #tpu.memory_space<semaphore_mem>>) src(%dma_wait3A_705 : memref<100000x1024xf32, #tpu.memory_space<hbm>>) dst(%dma_wait3A_700 : memref<16x1024xf32, #tpu.memory_space<vmem>>)
    %add3A_706 = arith.constant 208 : i32
    %add3A_707 = arith.addi %mul3A_2, %add3A_706 : i32
    %dma_start3A_708 = arith.constant 6 : i32
    %dma_start3A_709 = arith.constant 0 : i32
    %dma_start3A_710 = arith.constant 0 : i32
    %dma_start3A_711 = tpu.memref_slice %arg6[%dma_start3A_708, %dma_start3A_709, %dma_start3A_710] : memref<7x16x1024xf32, #tpu.memory_space<vmem>> -> memref<1x16x1024xf32, #tpu.memory_space<vmem>>
    %dma_start3A_712 = tpu.memref_squeeze %dma_start3A_711 : memref<1x16x1024xf32, #tpu.memory_space<vmem>> -> memref<16x1024xf32, #tpu.memory_space<vmem>>
    %dma_start3A_713 = arith.constant 0 : i32
    %dma_start3A_714 = tpu.memref_slice %arg4[%add3A_707, %dma_start3A_713] : memref<16384x1024xf32, #tpu.memory_space<hbm>> -> memref<16x1024xf32, #tpu.memory_space<hbm>>
    %dma_start3A_715 = arith.constant 0 : i32
    %dma_start3A_716 = tpu.memref_slice %arg4[%add3A_707, %dma_start3A_715] : memref<16384x1024xf32, #tpu.memory_space<hbm>> -> memref<16x1024xf32, #tpu.memory_space<hbm>>
    %dma_start3A_717 = arith.constant 0 : i32
    %dma_start3A_718 = arith.constant 0 : i32
    %dma_start3A_719 = tpu.memref_slice %arg6[%dma_start3A_708, %dma_start3A_717, %dma_start3A_718] : memref<7x16x1024xf32, #tpu.memory_space<vmem>> -> memref<1x16x1024xf32, #tpu.memory_space<vmem>>
    %dma_start3A_720 = tpu.memref_squeeze %dma_start3A_719 : memref<1x16x1024xf32, #tpu.memory_space<vmem>> -> memref<16x1024xf32, #tpu.memory_space<vmem>>
    tpu.enqueue_dma source(%dma_start3A_720 : memref<16x1024xf32, #tpu.memory_space<vmem>>) target(%dma_start3A_716 : memref<16x1024xf32, #tpu.memory_space<hbm>>) target_semaphore(%arg20 : memref<!tpu.dma_semaphore, #tpu.memory_space<semaphore_mem>>)
    %add3A_721 = arith.constant 192 : i32
    %add3A_722 = arith.addi %mul3A_2, %add3A_721 : i32
    %dma_wait3A_723 = arith.constant 5 : i32
    %dma_wait3A_724 = arith.constant 0 : i32
    %dma_wait3A_725 = arith.constant 0 : i32
    %dma_wait3A_726 = tpu.memref_slice %arg6[%dma_wait3A_723, %dma_wait3A_724, %dma_wait3A_725] : memref<7x16x1024xf32, #tpu.memory_space<vmem>> -> memref<1x16x1024xf32, #tpu.memory_space<vmem>>
    %dma_wait3A_727 = tpu.memref_squeeze %dma_wait3A_726 : memref<1x16x1024xf32, #tpu.memory_space<vmem>> -> memref<16x1024xf32, #tpu.memory_space<vmem>>
    %dma_wait3A_728 = arith.constant 0 : i32
    %dma_wait3A_729 = tpu.memref_slice %arg4[%add3A_722, %dma_wait3A_728] : memref<16384x1024xf32, #tpu.memory_space<hbm>> -> memref<16x1024xf32, #tpu.memory_space<hbm>>
    %dma_wait3A_730 = arith.constant 0 : i32
    %dma_wait3A_731 = tpu.memref_slice %arg4[%add3A_722, %dma_wait3A_730] : memref<16384x1024xf32, #tpu.memory_space<hbm>> -> memref<16x1024xf32, #tpu.memory_space<hbm>>
    %dma_wait3A_732 = arith.constant 0 : i32
    %dma_wait3A_733 = arith.constant 0 : i32
    %dma_wait3A_734 = tpu.memref_slice %arg6[%dma_wait3A_723, %dma_wait3A_732, %dma_wait3A_733] : memref<7x16x1024xf32, #tpu.memory_space<vmem>> -> memref<1x16x1024xf32, #tpu.memory_space<vmem>>
    %dma_wait3A_735 = tpu.memref_squeeze %dma_wait3A_734 : memref<1x16x1024xf32, #tpu.memory_space<vmem>> -> memref<16x1024xf32, #tpu.memory_space<vmem>>
    tpu.wait_dma2 semaphore(%arg19 : memref<!tpu.dma_semaphore, #tpu.memory_space<semaphore_mem>>) src(%dma_wait3A_735 : memref<16x1024xf32, #tpu.memory_space<vmem>>) dst(%dma_wait3A_731 : memref<16x1024xf32, #tpu.memory_space<hbm>>)
    %dma_start3A_736 = arith.constant 5 : i32
    %dma_start3A_737 = arith.constant 0 : i32
    %dma_start3A_738 = arith.constant 0 : i32
    %dma_start3A_739 = tpu.memref_slice %arg6[%dma_start3A_736, %dma_start3A_737, %dma_start3A_738] : memref<7x16x1024xf32, #tpu.memory_space<vmem>> -> memref<1x16x1024xf32, #tpu.memory_space<vmem>>
    %dma_start3A_740 = tpu.memref_squeeze %dma_start3A_739 : memref<1x16x1024xf32, #tpu.memory_space<vmem>> -> memref<16x1024xf32, #tpu.memory_space<vmem>>
    %dma_start3A_741 = arith.constant 304 : i32
    %dma_start3A_742 = tpu.memref_slice %arg5[%dma_start3A_741] : memref<512xi32, #tpu.memory_space<vmem>> -> memref<16xi32, #tpu.memory_space<vmem>>
    %dma_start3A_743 = arith.constant 0 : i32
    %dma_start3A_744 = arith.constant 0 : i32
    %dma_start3A_745 = tpu.memref_slice %arg3[%dma_start3A_743, %dma_start3A_744] : memref<100000x1024xf32, #tpu.memory_space<hbm>> -> memref<100000x1024xf32, #tpu.memory_space<hbm>>
    tpu.enqueue_indirect_dma source(%dma_start3A_745 : memref<100000x1024xf32, #tpu.memory_space<hbm>>) target(%dma_start3A_740 : memref<16x1024xf32, #tpu.memory_space<vmem>>) offsets(%dma_start3A_742 : memref<16xi32, #tpu.memory_space<vmem>>) semaphore(%arg12 : memref<!tpu.dma_semaphore, #tpu.memory_space<semaphore_mem>>)
    %dma_wait3A_746 = arith.constant 0 : i32
    %dma_wait3A_747 = arith.constant 0 : i32
    %dma_wait3A_748 = arith.constant 0 : i32
    %dma_wait3A_749 = tpu.memref_slice %arg6[%dma_wait3A_746, %dma_wait3A_747, %dma_wait3A_748] : memref<7x16x1024xf32, #tpu.memory_space<vmem>> -> memref<1x16x1024xf32, #tpu.memory_space<vmem>>
    %dma_wait3A_750 = tpu.memref_squeeze %dma_wait3A_749 : memref<1x16x1024xf32, #tpu.memory_space<vmem>> -> memref<16x1024xf32, #tpu.memory_space<vmem>>
    %dma_wait3A_751 = arith.constant 224 : i32
    %dma_wait3A_752 = tpu.memref_slice %arg5[%dma_wait3A_751] : memref<512xi32, #tpu.memory_space<vmem>> -> memref<16xi32, #tpu.memory_space<vmem>>
    %dma_wait3A_753 = arith.constant 0 : i32
    %dma_wait3A_754 = arith.constant 0 : i32
    %dma_wait3A_755 = tpu.memref_slice %arg3[%dma_wait3A_753, %dma_wait3A_754] : memref<100000x1024xf32, #tpu.memory_space<hbm>> -> memref<100000x1024xf32, #tpu.memory_space<hbm>>
    tpu.wait_indirect_dma semaphore(%arg7 : memref<!tpu.dma_semaphore, #tpu.memory_space<semaphore_mem>>) src(%dma_wait3A_755 : memref<100000x1024xf32, #tpu.memory_space<hbm>>) dst(%dma_wait3A_750 : memref<16x1024xf32, #tpu.memory_space<vmem>>)
    %add3A_756 = arith.constant 224 : i32
    %add3A_757 = arith.addi %mul3A_2, %add3A_756 : i32
    %dma_start3A_758 = arith.constant 0 : i32
    %dma_start3A_759 = arith.constant 0 : i32
    %dma_start3A_760 = arith.constant 0 : i32
    %dma_start3A_761 = tpu.memref_slice %arg6[%dma_start3A_758, %dma_start3A_759, %dma_start3A_760] : memref<7x16x1024xf32, #tpu.memory_space<vmem>> -> memref<1x16x1024xf32, #tpu.memory_space<vmem>>
    %dma_start3A_762 = tpu.memref_squeeze %dma_start3A_761 : memref<1x16x1024xf32, #tpu.memory_space<vmem>> -> memref<16x1024xf32, #tpu.memory_space<vmem>>
    %dma_start3A_763 = arith.constant 0 : i32
    %dma_start3A_764 = tpu.memref_slice %arg4[%add3A_757, %dma_start3A_763] : memref<16384x1024xf32, #tpu.memory_space<hbm>> -> memref<16x1024xf32, #tpu.memory_space<hbm>>
    %dma_start3A_765 = arith.constant 0 : i32
    %dma_start3A_766 = tpu.memref_slice %arg4[%add3A_757, %dma_start3A_765] : memref<16384x1024xf32, #tpu.memory_space<hbm>> -> memref<16x1024xf32, #tpu.memory_space<hbm>>
    %dma_start3A_767 = arith.constant 0 : i32
    %dma_start3A_768 = arith.constant 0 : i32
    %dma_start3A_769 = tpu.memref_slice %arg6[%dma_start3A_758, %dma_start3A_767, %dma_start3A_768] : memref<7x16x1024xf32, #tpu.memory_space<vmem>> -> memref<1x16x1024xf32, #tpu.memory_space<vmem>>
    %dma_start3A_770 = tpu.memref_squeeze %dma_start3A_769 : memref<1x16x1024xf32, #tpu.memory_space<vmem>> -> memref<16x1024xf32, #tpu.memory_space<vmem>>
    tpu.enqueue_dma source(%dma_start3A_770 : memref<16x1024xf32, #tpu.memory_space<vmem>>) target(%dma_start3A_766 : memref<16x1024xf32, #tpu.memory_space<hbm>>) target_semaphore(%arg14 : memref<!tpu.dma_semaphore, #tpu.memory_space<semaphore_mem>>)
    %add3A_771 = arith.constant 208 : i32
    %add3A_772 = arith.addi %mul3A_2, %add3A_771 : i32
    %dma_wait3A_773 = arith.constant 6 : i32
    %dma_wait3A_774 = arith.constant 0 : i32
    %dma_wait3A_775 = arith.constant 0 : i32
    %dma_wait3A_776 = tpu.memref_slice %arg6[%dma_wait3A_773, %dma_wait3A_774, %dma_wait3A_775] : memref<7x16x1024xf32, #tpu.memory_space<vmem>> -> memref<1x16x1024xf32, #tpu.memory_space<vmem>>
    %dma_wait3A_777 = tpu.memref_squeeze %dma_wait3A_776 : memref<1x16x1024xf32, #tpu.memory_space<vmem>> -> memref<16x1024xf32, #tpu.memory_space<vmem>>
    %dma_wait3A_778 = arith.constant 0 : i32
    %dma_wait3A_779 = tpu.memref_slice %arg4[%add3A_772, %dma_wait3A_778] : memref<16384x1024xf32, #tpu.memory_space<hbm>> -> memref<16x1024xf32, #tpu.memory_space<hbm>>
    %dma_wait3A_780 = arith.constant 0 : i32
    %dma_wait3A_781 = tpu.memref_slice %arg4[%add3A_772, %dma_wait3A_780] : memref<16384x1024xf32, #tpu.memory_space<hbm>> -> memref<16x1024xf32, #tpu.memory_space<hbm>>
    %dma_wait3A_782 = arith.constant 0 : i32
    %dma_wait3A_783 = arith.constant 0 : i32
    %dma_wait3A_784 = tpu.memref_slice %arg6[%dma_wait3A_773, %dma_wait3A_782, %dma_wait3A_783] : memref<7x16x1024xf32, #tpu.memory_space<vmem>> -> memref<1x16x1024xf32, #tpu.memory_space<vmem>>
    %dma_wait3A_785 = tpu.memref_squeeze %dma_wait3A_784 : memref<1x16x1024xf32, #tpu.memory_space<vmem>> -> memref<16x1024xf32, #tpu.memory_space<vmem>>
    tpu.wait_dma2 semaphore(%arg20 : memref<!tpu.dma_semaphore, #tpu.memory_space<semaphore_mem>>) src(%dma_wait3A_785 : memref<16x1024xf32, #tpu.memory_space<vmem>>) dst(%dma_wait3A_781 : memref<16x1024xf32, #tpu.memory_space<hbm>>)
    %dma_start3A_786 = arith.constant 6 : i32
    %dma_start3A_787 = arith.constant 0 : i32
    %dma_start3A_788 = arith.constant 0 : i32
    %dma_start3A_789 = tpu.memref_slice %arg6[%dma_start3A_786, %dma_start3A_787, %dma_start3A_788] : memref<7x16x1024xf32, #tpu.memory_space<vmem>> -> memref<1x16x1024xf32, #tpu.memory_space<vmem>>
    %dma_start3A_790 = tpu.memref_squeeze %dma_start3A_789 : memref<1x16x1024xf32, #tpu.memory_space<vmem>> -> memref<16x1024xf32, #tpu.memory_space<vmem>>
    %dma_start3A_791 = arith.constant 320 : i32
    %dma_start3A_792 = tpu.memref_slice %arg5[%dma_start3A_791] : memref<512xi32, #tpu.memory_space<vmem>> -> memref<16xi32, #tpu.memory_space<vmem>>
    %dma_start3A_793 = arith.constant 0 : i32
    %dma_start3A_794 = arith.constant 0 : i32
    %dma_start3A_795 = tpu.memref_slice %arg3[%dma_start3A_793, %dma_start3A_794] : memref<100000x1024xf32, #tpu.memory_space<hbm>> -> memref<100000x1024xf32, #tpu.memory_space<hbm>>
    tpu.enqueue_indirect_dma source(%dma_start3A_795 : memref<100000x1024xf32, #tpu.memory_space<hbm>>) target(%dma_start3A_790 : memref<16x1024xf32, #tpu.memory_space<vmem>>) offsets(%dma_start3A_792 : memref<16xi32, #tpu.memory_space<vmem>>) semaphore(%arg13 : memref<!tpu.dma_semaphore, #tpu.memory_space<semaphore_mem>>)
    %dma_wait3A_796 = arith.constant 1 : i32
    %dma_wait3A_797 = arith.constant 0 : i32
    %dma_wait3A_798 = arith.constant 0 : i32
    %dma_wait3A_799 = tpu.memref_slice %arg6[%dma_wait3A_796, %dma_wait3A_797, %dma_wait3A_798] : memref<7x16x1024xf32, #tpu.memory_space<vmem>> -> memref<1x16x1024xf32, #tpu.memory_space<vmem>>
    %dma_wait3A_800 = tpu.memref_squeeze %dma_wait3A_799 : memref<1x16x1024xf32, #tpu.memory_space<vmem>> -> memref<16x1024xf32, #tpu.memory_space<vmem>>
    %dma_wait3A_801 = arith.constant 240 : i32
    %dma_wait3A_802 = tpu.memref_slice %arg5[%dma_wait3A_801] : memref<512xi32, #tpu.memory_space<vmem>> -> memref<16xi32, #tpu.memory_space<vmem>>
    %dma_wait3A_803 = arith.constant 0 : i32
    %dma_wait3A_804 = arith.constant 0 : i32
    %dma_wait3A_805 = tpu.memref_slice %arg3[%dma_wait3A_803, %dma_wait3A_804] : memref<100000x1024xf32, #tpu.memory_space<hbm>> -> memref<100000x1024xf32, #tpu.memory_space<hbm>>
    tpu.wait_indirect_dma semaphore(%arg8 : memref<!tpu.dma_semaphore, #tpu.memory_space<semaphore_mem>>) src(%dma_wait3A_805 : memref<100000x1024xf32, #tpu.memory_space<hbm>>) dst(%dma_wait3A_800 : memref<16x1024xf32, #tpu.memory_space<vmem>>)
    %add3A_806 = arith.constant 240 : i32
    %add3A_807 = arith.addi %mul3A_2, %add3A_806 : i32
    %dma_start3A_808 = arith.constant 1 : i32
    %dma_start3A_809 = arith.constant 0 : i32
    %dma_start3A_810 = arith.constant 0 : i32
    %dma_start3A_811 = tpu.memref_slice %arg6[%dma_start3A_808, %dma_start3A_809, %dma_start3A_810] : memref<7x16x1024xf32, #tpu.memory_space<vmem>> -> memref<1x16x1024xf32, #tpu.memory_space<vmem>>
    %dma_start3A_812 = tpu.memref_squeeze %dma_start3A_811 : memref<1x16x1024xf32, #tpu.memory_space<vmem>> -> memref<16x1024xf32, #tpu.memory_space<vmem>>
    %dma_start3A_813 = arith.constant 0 : i32
    %dma_start3A_814 = tpu.memref_slice %arg4[%add3A_807, %dma_start3A_813] : memref<16384x1024xf32, #tpu.memory_space<hbm>> -> memref<16x1024xf32, #tpu.memory_space<hbm>>
    %dma_start3A_815 = arith.constant 0 : i32
    %dma_start3A_816 = tpu.memref_slice %arg4[%add3A_807, %dma_start3A_815] : memref<16384x1024xf32, #tpu.memory_space<hbm>> -> memref<16x1024xf32, #tpu.memory_space<hbm>>
    %dma_start3A_817 = arith.constant 0 : i32
    %dma_start3A_818 = arith.constant 0 : i32
    %dma_start3A_819 = tpu.memref_slice %arg6[%dma_start3A_808, %dma_start3A_817, %dma_start3A_818] : memref<7x16x1024xf32, #tpu.memory_space<vmem>> -> memref<1x16x1024xf32, #tpu.memory_space<vmem>>
    %dma_start3A_820 = tpu.memref_squeeze %dma_start3A_819 : memref<1x16x1024xf32, #tpu.memory_space<vmem>> -> memref<16x1024xf32, #tpu.memory_space<vmem>>
    tpu.enqueue_dma source(%dma_start3A_820 : memref<16x1024xf32, #tpu.memory_space<vmem>>) target(%dma_start3A_816 : memref<16x1024xf32, #tpu.memory_space<hbm>>) target_semaphore(%arg15 : memref<!tpu.dma_semaphore, #tpu.memory_space<semaphore_mem>>)
    %add3A_821 = arith.constant 224 : i32
    %add3A_822 = arith.addi %mul3A_2, %add3A_821 : i32
    %dma_wait3A_823 = arith.constant 0 : i32
    %dma_wait3A_824 = arith.constant 0 : i32
    %dma_wait3A_825 = arith.constant 0 : i32
    %dma_wait3A_826 = tpu.memref_slice %arg6[%dma_wait3A_823, %dma_wait3A_824, %dma_wait3A_825] : memref<7x16x1024xf32, #tpu.memory_space<vmem>> -> memref<1x16x1024xf32, #tpu.memory_space<vmem>>
    %dma_wait3A_827 = tpu.memref_squeeze %dma_wait3A_826 : memref<1x16x1024xf32, #tpu.memory_space<vmem>> -> memref<16x1024xf32, #tpu.memory_space<vmem>>
    %dma_wait3A_828 = arith.constant 0 : i32
    %dma_wait3A_829 = tpu.memref_slice %arg4[%add3A_822, %dma_wait3A_828] : memref<16384x1024xf32, #tpu.memory_space<hbm>> -> memref<16x1024xf32, #tpu.memory_space<hbm>>
    %dma_wait3A_830 = arith.constant 0 : i32
    %dma_wait3A_831 = tpu.memref_slice %arg4[%add3A_822, %dma_wait3A_830] : memref<16384x1024xf32, #tpu.memory_space<hbm>> -> memref<16x1024xf32, #tpu.memory_space<hbm>>
    %dma_wait3A_832 = arith.constant 0 : i32
    %dma_wait3A_833 = arith.constant 0 : i32
    %dma_wait3A_834 = tpu.memref_slice %arg6[%dma_wait3A_823, %dma_wait3A_832, %dma_wait3A_833] : memref<7x16x1024xf32, #tpu.memory_space<vmem>> -> memref<1x16x1024xf32, #tpu.memory_space<vmem>>
    %dma_wait3A_835 = tpu.memref_squeeze %dma_wait3A_834 : memref<1x16x1024xf32, #tpu.memory_space<vmem>> -> memref<16x1024xf32, #tpu.memory_space<vmem>>
    tpu.wait_dma2 semaphore(%arg14 : memref<!tpu.dma_semaphore, #tpu.memory_space<semaphore_mem>>) src(%dma_wait3A_835 : memref<16x1024xf32, #tpu.memory_space<vmem>>) dst(%dma_wait3A_831 : memref<16x1024xf32, #tpu.memory_space<hbm>>)
    %dma_start3A_836 = arith.constant 0 : i32
    %dma_start3A_837 = arith.constant 0 : i32
    %dma_start3A_838 = arith.constant 0 : i32
    %dma_start3A_839 = tpu.memref_slice %arg6[%dma_start3A_836, %dma_start3A_837, %dma_start3A_838] : memref<7x16x1024xf32, #tpu.memory_space<vmem>> -> memref<1x16x1024xf32, #tpu.memory_space<vmem>>
    %dma_start3A_840 = tpu.memref_squeeze %dma_start3A_839 : memref<1x16x1024xf32, #tpu.memory_space<vmem>> -> memref<16x1024xf32, #tpu.memory_space<vmem>>
    %dma_start3A_841 = arith.constant 336 : i32
    %dma_start3A_842 = tpu.memref_slice %arg5[%dma_start3A_841] : memref<512xi32, #tpu.memory_space<vmem>> -> memref<16xi32, #tpu.memory_space<vmem>>
    %dma_start3A_843 = arith.constant 0 : i32
    %dma_start3A_844 = arith.constant 0 : i32
    %dma_start3A_845 = tpu.memref_slice %arg3[%dma_start3A_843, %dma_start3A_844] : memref<100000x1024xf32, #tpu.memory_space<hbm>> -> memref<100000x1024xf32, #tpu.memory_space<hbm>>
    tpu.enqueue_indirect_dma source(%dma_start3A_845 : memref<100000x1024xf32, #tpu.memory_space<hbm>>) target(%dma_start3A_840 : memref<16x1024xf32, #tpu.memory_space<vmem>>) offsets(%dma_start3A_842 : memref<16xi32, #tpu.memory_space<vmem>>) semaphore(%arg7 : memref<!tpu.dma_semaphore, #tpu.memory_space<semaphore_mem>>)
    %dma_wait3A_846 = arith.constant 2 : i32
    %dma_wait3A_847 = arith.constant 0 : i32
    %dma_wait3A_848 = arith.constant 0 : i32
    %dma_wait3A_849 = tpu.memref_slice %arg6[%dma_wait3A_846, %dma_wait3A_847, %dma_wait3A_848] : memref<7x16x1024xf32, #tpu.memory_space<vmem>> -> memref<1x16x1024xf32, #tpu.memory_space<vmem>>
    %dma_wait3A_850 = tpu.memref_squeeze %dma_wait3A_849 : memref<1x16x1024xf32, #tpu.memory_space<vmem>> -> memref<16x1024xf32, #tpu.memory_space<vmem>>
    %dma_wait3A_851 = arith.constant 256 : i32
    %dma_wait3A_852 = tpu.memref_slice %arg5[%dma_wait3A_851] : memref<512xi32, #tpu.memory_space<vmem>> -> memref<16xi32, #tpu.memory_space<vmem>>
    %dma_wait3A_853 = arith.constant 0 : i32
    %dma_wait3A_854 = arith.constant 0 : i32
    %dma_wait3A_855 = tpu.memref_slice %arg3[%dma_wait3A_853, %dma_wait3A_854] : memref<100000x1024xf32, #tpu.memory_space<hbm>> -> memref<100000x1024xf32, #tpu.memory_space<hbm>>
    tpu.wait_indirect_dma semaphore(%arg9 : memref<!tpu.dma_semaphore, #tpu.memory_space<semaphore_mem>>) src(%dma_wait3A_855 : memref<100000x1024xf32, #tpu.memory_space<hbm>>) dst(%dma_wait3A_850 : memref<16x1024xf32, #tpu.memory_space<vmem>>)
    %add3A_856 = arith.constant 256 : i32
    %add3A_857 = arith.addi %mul3A_2, %add3A_856 : i32
    %dma_start3A_858 = arith.constant 2 : i32
    %dma_start3A_859 = arith.constant 0 : i32
    %dma_start3A_860 = arith.constant 0 : i32
    %dma_start3A_861 = tpu.memref_slice %arg6[%dma_start3A_858, %dma_start3A_859, %dma_start3A_860] : memref<7x16x1024xf32, #tpu.memory_space<vmem>> -> memref<1x16x1024xf32, #tpu.memory_space<vmem>>
    %dma_start3A_862 = tpu.memref_squeeze %dma_start3A_861 : memref<1x16x1024xf32, #tpu.memory_space<vmem>> -> memref<16x1024xf32, #tpu.memory_space<vmem>>
    %dma_start3A_863 = arith.constant 0 : i32
    %dma_start3A_864 = tpu.memref_slice %arg4[%add3A_857, %dma_start3A_863] : memref<16384x1024xf32, #tpu.memory_space<hbm>> -> memref<16x1024xf32, #tpu.memory_space<hbm>>
    %dma_start3A_865 = arith.constant 0 : i32
    %dma_start3A_866 = tpu.memref_slice %arg4[%add3A_857, %dma_start3A_865] : memref<16384x1024xf32, #tpu.memory_space<hbm>> -> memref<16x1024xf32, #tpu.memory_space<hbm>>
    %dma_start3A_867 = arith.constant 0 : i32
    %dma_start3A_868 = arith.constant 0 : i32
    %dma_start3A_869 = tpu.memref_slice %arg6[%dma_start3A_858, %dma_start3A_867, %dma_start3A_868] : memref<7x16x1024xf32, #tpu.memory_space<vmem>> -> memref<1x16x1024xf32, #tpu.memory_space<vmem>>
    %dma_start3A_870 = tpu.memref_squeeze %dma_start3A_869 : memref<1x16x1024xf32, #tpu.memory_space<vmem>> -> memref<16x1024xf32, #tpu.memory_space<vmem>>
    tpu.enqueue_dma source(%dma_start3A_870 : memref<16x1024xf32, #tpu.memory_space<vmem>>) target(%dma_start3A_866 : memref<16x1024xf32, #tpu.memory_space<hbm>>) target_semaphore(%arg16 : memref<!tpu.dma_semaphore, #tpu.memory_space<semaphore_mem>>)
    %add3A_871 = arith.constant 240 : i32
    %add3A_872 = arith.addi %mul3A_2, %add3A_871 : i32
    %dma_wait3A_873 = arith.constant 1 : i32
    %dma_wait3A_874 = arith.constant 0 : i32
    %dma_wait3A_875 = arith.constant 0 : i32
    %dma_wait3A_876 = tpu.memref_slice %arg6[%dma_wait3A_873, %dma_wait3A_874, %dma_wait3A_875] : memref<7x16x1024xf32, #tpu.memory_space<vmem>> -> memref<1x16x1024xf32, #tpu.memory_space<vmem>>
    %dma_wait3A_877 = tpu.memref_squeeze %dma_wait3A_876 : memref<1x16x1024xf32, #tpu.memory_space<vmem>> -> memref<16x1024xf32, #tpu.memory_space<vmem>>
    %dma_wait3A_878 = arith.constant 0 : i32
    %dma_wait3A_879 = tpu.memref_slice %arg4[%add3A_872, %dma_wait3A_878] : memref<16384x1024xf32, #tpu.memory_space<hbm>> -> memref<16x1024xf32, #tpu.memory_space<hbm>>
    %dma_wait3A_880 = arith.constant 0 : i32
    %dma_wait3A_881 = tpu.memref_slice %arg4[%add3A_872, %dma_wait3A_880] : memref<16384x1024xf32, #tpu.memory_space<hbm>> -> memref<16x1024xf32, #tpu.memory_space<hbm>>
    %dma_wait3A_882 = arith.constant 0 : i32
    %dma_wait3A_883 = arith.constant 0 : i32
    %dma_wait3A_884 = tpu.memref_slice %arg6[%dma_wait3A_873, %dma_wait3A_882, %dma_wait3A_883] : memref<7x16x1024xf32, #tpu.memory_space<vmem>> -> memref<1x16x1024xf32, #tpu.memory_space<vmem>>
    %dma_wait3A_885 = tpu.memref_squeeze %dma_wait3A_884 : memref<1x16x1024xf32, #tpu.memory_space<vmem>> -> memref<16x1024xf32, #tpu.memory_space<vmem>>
    tpu.wait_dma2 semaphore(%arg15 : memref<!tpu.dma_semaphore, #tpu.memory_space<semaphore_mem>>) src(%dma_wait3A_885 : memref<16x1024xf32, #tpu.memory_space<vmem>>) dst(%dma_wait3A_881 : memref<16x1024xf32, #tpu.memory_space<hbm>>)
    %dma_start3A_886 = arith.constant 1 : i32
    %dma_start3A_887 = arith.constant 0 : i32
    %dma_start3A_888 = arith.constant 0 : i32
    %dma_start3A_889 = tpu.memref_slice %arg6[%dma_start3A_886, %dma_start3A_887, %dma_start3A_888] : memref<7x16x1024xf32, #tpu.memory_space<vmem>> -> memref<1x16x1024xf32, #tpu.memory_space<vmem>>
    %dma_start3A_890 = tpu.memref_squeeze %dma_start3A_889 : memref<1x16x1024xf32, #tpu.memory_space<vmem>> -> memref<16x1024xf32, #tpu.memory_space<vmem>>
    %dma_start3A_891 = arith.constant 352 : i32
    %dma_start3A_892 = tpu.memref_slice %arg5[%dma_start3A_891] : memref<512xi32, #tpu.memory_space<vmem>> -> memref<16xi32, #tpu.memory_space<vmem>>
    %dma_start3A_893 = arith.constant 0 : i32
    %dma_start3A_894 = arith.constant 0 : i32
    %dma_start3A_895 = tpu.memref_slice %arg3[%dma_start3A_893, %dma_start3A_894] : memref<100000x1024xf32, #tpu.memory_space<hbm>> -> memref<100000x1024xf32, #tpu.memory_space<hbm>>
    tpu.enqueue_indirect_dma source(%dma_start3A_895 : memref<100000x1024xf32, #tpu.memory_space<hbm>>) target(%dma_start3A_890 : memref<16x1024xf32, #tpu.memory_space<vmem>>) offsets(%dma_start3A_892 : memref<16xi32, #tpu.memory_space<vmem>>) semaphore(%arg8 : memref<!tpu.dma_semaphore, #tpu.memory_space<semaphore_mem>>)
    %dma_wait3A_896 = arith.constant 3 : i32
    %dma_wait3A_897 = arith.constant 0 : i32
    %dma_wait3A_898 = arith.constant 0 : i32
    %dma_wait3A_899 = tpu.memref_slice %arg6[%dma_wait3A_896, %dma_wait3A_897, %dma_wait3A_898] : memref<7x16x1024xf32, #tpu.memory_space<vmem>> -> memref<1x16x1024xf32, #tpu.memory_space<vmem>>
    %dma_wait3A_900 = tpu.memref_squeeze %dma_wait3A_899 : memref<1x16x1024xf32, #tpu.memory_space<vmem>> -> memref<16x1024xf32, #tpu.memory_space<vmem>>
    %dma_wait3A_901 = arith.constant 272 : i32
    %dma_wait3A_902 = tpu.memref_slice %arg5[%dma_wait3A_901] : memref<512xi32, #tpu.memory_space<vmem>> -> memref<16xi32, #tpu.memory_space<vmem>>
    %dma_wait3A_903 = arith.constant 0 : i32
    %dma_wait3A_904 = arith.constant 0 : i32
    %dma_wait3A_905 = tpu.memref_slice %arg3[%dma_wait3A_903, %dma_wait3A_904] : memref<100000x1024xf32, #tpu.memory_space<hbm>> -> memref<100000x1024xf32, #tpu.memory_space<hbm>>
    tpu.wait_indirect_dma semaphore(%arg10 : memref<!tpu.dma_semaphore, #tpu.memory_space<semaphore_mem>>) src(%dma_wait3A_905 : memref<100000x1024xf32, #tpu.memory_space<hbm>>) dst(%dma_wait3A_900 : memref<16x1024xf32, #tpu.memory_space<vmem>>)
    %add3A_906 = arith.constant 272 : i32
    %add3A_907 = arith.addi %mul3A_2, %add3A_906 : i32
    %dma_start3A_908 = arith.constant 3 : i32
    %dma_start3A_909 = arith.constant 0 : i32
    %dma_start3A_910 = arith.constant 0 : i32
    %dma_start3A_911 = tpu.memref_slice %arg6[%dma_start3A_908, %dma_start3A_909, %dma_start3A_910] : memref<7x16x1024xf32, #tpu.memory_space<vmem>> -> memref<1x16x1024xf32, #tpu.memory_space<vmem>>
    %dma_start3A_912 = tpu.memref_squeeze %dma_start3A_911 : memref<1x16x1024xf32, #tpu.memory_space<vmem>> -> memref<16x1024xf32, #tpu.memory_space<vmem>>
    %dma_start3A_913 = arith.constant 0 : i32
    %dma_start3A_914 = tpu.memref_slice %arg4[%add3A_907, %dma_start3A_913] : memref<16384x1024xf32, #tpu.memory_space<hbm>> -> memref<16x1024xf32, #tpu.memory_space<hbm>>
    %dma_start3A_915 = arith.constant 0 : i32
    %dma_start3A_916 = tpu.memref_slice %arg4[%add3A_907, %dma_start3A_915] : memref<16384x1024xf32, #tpu.memory_space<hbm>> -> memref<16x1024xf32, #tpu.memory_space<hbm>>
    %dma_start3A_917 = arith.constant 0 : i32
    %dma_start3A_918 = arith.constant 0 : i32
    %dma_start3A_919 = tpu.memref_slice %arg6[%dma_start3A_908, %dma_start3A_917, %dma_start3A_918] : memref<7x16x1024xf32, #tpu.memory_space<vmem>> -> memref<1x16x1024xf32, #tpu.memory_space<vmem>>
    %dma_start3A_920 = tpu.memref_squeeze %dma_start3A_919 : memref<1x16x1024xf32, #tpu.memory_space<vmem>> -> memref<16x1024xf32, #tpu.memory_space<vmem>>
    tpu.enqueue_dma source(%dma_start3A_920 : memref<16x1024xf32, #tpu.memory_space<vmem>>) target(%dma_start3A_916 : memref<16x1024xf32, #tpu.memory_space<hbm>>) target_semaphore(%arg17 : memref<!tpu.dma_semaphore, #tpu.memory_space<semaphore_mem>>)
    %add3A_921 = arith.constant 256 : i32
    %add3A_922 = arith.addi %mul3A_2, %add3A_921 : i32
    %dma_wait3A_923 = arith.constant 2 : i32
    %dma_wait3A_924 = arith.constant 0 : i32
    %dma_wait3A_925 = arith.constant 0 : i32
    %dma_wait3A_926 = tpu.memref_slice %arg6[%dma_wait3A_923, %dma_wait3A_924, %dma_wait3A_925] : memref<7x16x1024xf32, #tpu.memory_space<vmem>> -> memref<1x16x1024xf32, #tpu.memory_space<vmem>>
    %dma_wait3A_927 = tpu.memref_squeeze %dma_wait3A_926 : memref<1x16x1024xf32, #tpu.memory_space<vmem>> -> memref<16x1024xf32, #tpu.memory_space<vmem>>
    %dma_wait3A_928 = arith.constant 0 : i32
    %dma_wait3A_929 = tpu.memref_slice %arg4[%add3A_922, %dma_wait3A_928] : memref<16384x1024xf32, #tpu.memory_space<hbm>> -> memref<16x1024xf32, #tpu.memory_space<hbm>>
    %dma_wait3A_930 = arith.constant 0 : i32
    %dma_wait3A_931 = tpu.memref_slice %arg4[%add3A_922, %dma_wait3A_930] : memref<16384x1024xf32, #tpu.memory_space<hbm>> -> memref<16x1024xf32, #tpu.memory_space<hbm>>
    %dma_wait3A_932 = arith.constant 0 : i32
    %dma_wait3A_933 = arith.constant 0 : i32
    %dma_wait3A_934 = tpu.memref_slice %arg6[%dma_wait3A_923, %dma_wait3A_932, %dma_wait3A_933] : memref<7x16x1024xf32, #tpu.memory_space<vmem>> -> memref<1x16x1024xf32, #tpu.memory_space<vmem>>
    %dma_wait3A_935 = tpu.memref_squeeze %dma_wait3A_934 : memref<1x16x1024xf32, #tpu.memory_space<vmem>> -> memref<16x1024xf32, #tpu.memory_space<vmem>>
    tpu.wait_dma2 semaphore(%arg16 : memref<!tpu.dma_semaphore, #tpu.memory_space<semaphore_mem>>) src(%dma_wait3A_935 : memref<16x1024xf32, #tpu.memory_space<vmem>>) dst(%dma_wait3A_931 : memref<16x1024xf32, #tpu.memory_space<hbm>>)
    %dma_start3A_936 = arith.constant 2 : i32
    %dma_start3A_937 = arith.constant 0 : i32
    %dma_start3A_938 = arith.constant 0 : i32
    %dma_start3A_939 = tpu.memref_slice %arg6[%dma_start3A_936, %dma_start3A_937, %dma_start3A_938] : memref<7x16x1024xf32, #tpu.memory_space<vmem>> -> memref<1x16x1024xf32, #tpu.memory_space<vmem>>
    %dma_start3A_940 = tpu.memref_squeeze %dma_start3A_939 : memref<1x16x1024xf32, #tpu.memory_space<vmem>> -> memref<16x1024xf32, #tpu.memory_space<vmem>>
    %dma_start3A_941 = arith.constant 368 : i32
    %dma_start3A_942 = tpu.memref_slice %arg5[%dma_start3A_941] : memref<512xi32, #tpu.memory_space<vmem>> -> memref<16xi32, #tpu.memory_space<vmem>>
    %dma_start3A_943 = arith.constant 0 : i32
    %dma_start3A_944 = arith.constant 0 : i32
    %dma_start3A_945 = tpu.memref_slice %arg3[%dma_start3A_943, %dma_start3A_944] : memref<100000x1024xf32, #tpu.memory_space<hbm>> -> memref<100000x1024xf32, #tpu.memory_space<hbm>>
    tpu.enqueue_indirect_dma source(%dma_start3A_945 : memref<100000x1024xf32, #tpu.memory_space<hbm>>) target(%dma_start3A_940 : memref<16x1024xf32, #tpu.memory_space<vmem>>) offsets(%dma_start3A_942 : memref<16xi32, #tpu.memory_space<vmem>>) semaphore(%arg9 : memref<!tpu.dma_semaphore, #tpu.memory_space<semaphore_mem>>)
    %dma_wait3A_946 = arith.constant 4 : i32
    %dma_wait3A_947 = arith.constant 0 : i32
    %dma_wait3A_948 = arith.constant 0 : i32
    %dma_wait3A_949 = tpu.memref_slice %arg6[%dma_wait3A_946, %dma_wait3A_947, %dma_wait3A_948] : memref<7x16x1024xf32, #tpu.memory_space<vmem>> -> memref<1x16x1024xf32, #tpu.memory_space<vmem>>
    %dma_wait3A_950 = tpu.memref_squeeze %dma_wait3A_949 : memref<1x16x1024xf32, #tpu.memory_space<vmem>> -> memref<16x1024xf32, #tpu.memory_space<vmem>>
    %dma_wait3A_951 = arith.constant 288 : i32
    %dma_wait3A_952 = tpu.memref_slice %arg5[%dma_wait3A_951] : memref<512xi32, #tpu.memory_space<vmem>> -> memref<16xi32, #tpu.memory_space<vmem>>
    %dma_wait3A_953 = arith.constant 0 : i32
    %dma_wait3A_954 = arith.constant 0 : i32
    %dma_wait3A_955 = tpu.memref_slice %arg3[%dma_wait3A_953, %dma_wait3A_954] : memref<100000x1024xf32, #tpu.memory_space<hbm>> -> memref<100000x1024xf32, #tpu.memory_space<hbm>>
    tpu.wait_indirect_dma semaphore(%arg11 : memref<!tpu.dma_semaphore, #tpu.memory_space<semaphore_mem>>) src(%dma_wait3A_955 : memref<100000x1024xf32, #tpu.memory_space<hbm>>) dst(%dma_wait3A_950 : memref<16x1024xf32, #tpu.memory_space<vmem>>)
    %add3A_956 = arith.constant 288 : i32
    %add3A_957 = arith.addi %mul3A_2, %add3A_956 : i32
    %dma_start3A_958 = arith.constant 4 : i32
    %dma_start3A_959 = arith.constant 0 : i32
    %dma_start3A_960 = arith.constant 0 : i32
    %dma_start3A_961 = tpu.memref_slice %arg6[%dma_start3A_958, %dma_start3A_959, %dma_start3A_960] : memref<7x16x1024xf32, #tpu.memory_space<vmem>> -> memref<1x16x1024xf32, #tpu.memory_space<vmem>>
    %dma_start3A_962 = tpu.memref_squeeze %dma_start3A_961 : memref<1x16x1024xf32, #tpu.memory_space<vmem>> -> memref<16x1024xf32, #tpu.memory_space<vmem>>
    %dma_start3A_963 = arith.constant 0 : i32
    %dma_start3A_964 = tpu.memref_slice %arg4[%add3A_957, %dma_start3A_963] : memref<16384x1024xf32, #tpu.memory_space<hbm>> -> memref<16x1024xf32, #tpu.memory_space<hbm>>
    %dma_start3A_965 = arith.constant 0 : i32
    %dma_start3A_966 = tpu.memref_slice %arg4[%add3A_957, %dma_start3A_965] : memref<16384x1024xf32, #tpu.memory_space<hbm>> -> memref<16x1024xf32, #tpu.memory_space<hbm>>
    %dma_start3A_967 = arith.constant 0 : i32
    %dma_start3A_968 = arith.constant 0 : i32
    %dma_start3A_969 = tpu.memref_slice %arg6[%dma_start3A_958, %dma_start3A_967, %dma_start3A_968] : memref<7x16x1024xf32, #tpu.memory_space<vmem>> -> memref<1x16x1024xf32, #tpu.memory_space<vmem>>
    %dma_start3A_970 = tpu.memref_squeeze %dma_start3A_969 : memref<1x16x1024xf32, #tpu.memory_space<vmem>> -> memref<16x1024xf32, #tpu.memory_space<vmem>>
    tpu.enqueue_dma source(%dma_start3A_970 : memref<16x1024xf32, #tpu.memory_space<vmem>>) target(%dma_start3A_966 : memref<16x1024xf32, #tpu.memory_space<hbm>>) target_semaphore(%arg18 : memref<!tpu.dma_semaphore, #tpu.memory_space<semaphore_mem>>)
    %add3A_971 = arith.constant 272 : i32
    %add3A_972 = arith.addi %mul3A_2, %add3A_971 : i32
    %dma_wait3A_973 = arith.constant 3 : i32
    %dma_wait3A_974 = arith.constant 0 : i32
    %dma_wait3A_975 = arith.constant 0 : i32
    %dma_wait3A_976 = tpu.memref_slice %arg6[%dma_wait3A_973, %dma_wait3A_974, %dma_wait3A_975] : memref<7x16x1024xf32, #tpu.memory_space<vmem>> -> memref<1x16x1024xf32, #tpu.memory_space<vmem>>
    %dma_wait3A_977 = tpu.memref_squeeze %dma_wait3A_976 : memref<1x16x1024xf32, #tpu.memory_space<vmem>> -> memref<16x1024xf32, #tpu.memory_space<vmem>>
    %dma_wait3A_978 = arith.constant 0 : i32
    %dma_wait3A_979 = tpu.memref_slice %arg4[%add3A_972, %dma_wait3A_978] : memref<16384x1024xf32, #tpu.memory_space<hbm>> -> memref<16x1024xf32, #tpu.memory_space<hbm>>
    %dma_wait3A_980 = arith.constant 0 : i32
    %dma_wait3A_981 = tpu.memref_slice %arg4[%add3A_972, %dma_wait3A_980] : memref<16384x1024xf32, #tpu.memory_space<hbm>> -> memref<16x1024xf32, #tpu.memory_space<hbm>>
    %dma_wait3A_982 = arith.constant 0 : i32
    %dma_wait3A_983 = arith.constant 0 : i32
    %dma_wait3A_984 = tpu.memref_slice %arg6[%dma_wait3A_973, %dma_wait3A_982, %dma_wait3A_983] : memref<7x16x1024xf32, #tpu.memory_space<vmem>> -> memref<1x16x1024xf32, #tpu.memory_space<vmem>>
    %dma_wait3A_985 = tpu.memref_squeeze %dma_wait3A_984 : memref<1x16x1024xf32, #tpu.memory_space<vmem>> -> memref<16x1024xf32, #tpu.memory_space<vmem>>
    tpu.wait_dma2 semaphore(%arg17 : memref<!tpu.dma_semaphore, #tpu.memory_space<semaphore_mem>>) src(%dma_wait3A_985 : memref<16x1024xf32, #tpu.memory_space<vmem>>) dst(%dma_wait3A_981 : memref<16x1024xf32, #tpu.memory_space<hbm>>)
    %dma_start3A_986 = arith.constant 3 : i32
    %dma_start3A_987 = arith.constant 0 : i32
    %dma_start3A_988 = arith.constant 0 : i32
    %dma_start3A_989 = tpu.memref_slice %arg6[%dma_start3A_986, %dma_start3A_987, %dma_start3A_988] : memref<7x16x1024xf32, #tpu.memory_space<vmem>> -> memref<1x16x1024xf32, #tpu.memory_space<vmem>>
    %dma_start3A_990 = tpu.memref_squeeze %dma_start3A_989 : memref<1x16x1024xf32, #tpu.memory_space<vmem>> -> memref<16x1024xf32, #tpu.memory_space<vmem>>
    %dma_start3A_991 = arith.constant 384 : i32
    %dma_start3A_992 = tpu.memref_slice %arg5[%dma_start3A_991] : memref<512xi32, #tpu.memory_space<vmem>> -> memref<16xi32, #tpu.memory_space<vmem>>
    %dma_start3A_993 = arith.constant 0 : i32
    %dma_start3A_994 = arith.constant 0 : i32
    %dma_start3A_995 = tpu.memref_slice %arg3[%dma_start3A_993, %dma_start3A_994] : memref<100000x1024xf32, #tpu.memory_space<hbm>> -> memref<100000x1024xf32, #tpu.memory_space<hbm>>
    tpu.enqueue_indirect_dma source(%dma_start3A_995 : memref<100000x1024xf32, #tpu.memory_space<hbm>>) target(%dma_start3A_990 : memref<16x1024xf32, #tpu.memory_space<vmem>>) offsets(%dma_start3A_992 : memref<16xi32, #tpu.memory_space<vmem>>) semaphore(%arg10 : memref<!tpu.dma_semaphore, #tpu.memory_space<semaphore_mem>>)
    %dma_wait3A_996 = arith.constant 5 : i32
    %dma_wait3A_997 = arith.constant 0 : i32
    %dma_wait3A_998 = arith.constant 0 : i32
    %dma_wait3A_999 = tpu.memref_slice %arg6[%dma_wait3A_996, %dma_wait3A_997, %dma_wait3A_998] : memref<7x16x1024xf32, #tpu.memory_space<vmem>> -> memref<1x16x1024xf32, #tpu.memory_space<vmem>>
    %dma_wait3A_1000 = tpu.memref_squeeze %dma_wait3A_999 : memref<1x16x1024xf32, #tpu.memory_space<vmem>> -> memref<16x1024xf32, #tpu.memory_space<vmem>>
    %dma_wait3A_1001 = arith.constant 304 : i32
    %dma_wait3A_1002 = tpu.memref_slice %arg5[%dma_wait3A_1001] : memref<512xi32, #tpu.memory_space<vmem>> -> memref<16xi32, #tpu.memory_space<vmem>>
    %dma_wait3A_1003 = arith.constant 0 : i32
    %dma_wait3A_1004 = arith.constant 0 : i32
    %dma_wait3A_1005 = tpu.memref_slice %arg3[%dma_wait3A_1003, %dma_wait3A_1004] : memref<100000x1024xf32, #tpu.memory_space<hbm>> -> memref<100000x1024xf32, #tpu.memory_space<hbm>>
    tpu.wait_indirect_dma semaphore(%arg12 : memref<!tpu.dma_semaphore, #tpu.memory_space<semaphore_mem>>) src(%dma_wait3A_1005 : memref<100000x1024xf32, #tpu.memory_space<hbm>>) dst(%dma_wait3A_1000 : memref<16x1024xf32, #tpu.memory_space<vmem>>)
    %add3A_1006 = arith.constant 304 : i32
    %add3A_1007 = arith.addi %mul3A_2, %add3A_1006 : i32
    %dma_start3A_1008 = arith.constant 5 : i32
    %dma_start3A_1009 = arith.constant 0 : i32
    %dma_start3A_1010 = arith.constant 0 : i32
    %dma_start3A_1011 = tpu.memref_slice %arg6[%dma_start3A_1008, %dma_start3A_1009, %dma_start3A_1010] : memref<7x16x1024xf32, #tpu.memory_space<vmem>> -> memref<1x16x1024xf32, #tpu.memory_space<vmem>>
    %dma_start3A_1012 = tpu.memref_squeeze %dma_start3A_1011 : memref<1x16x1024xf32, #tpu.memory_space<vmem>> -> memref<16x1024xf32, #tpu.memory_space<vmem>>
    %dma_start3A_1013 = arith.constant 0 : i32
    %dma_start3A_1014 = tpu.memref_slice %arg4[%add3A_1007, %dma_start3A_1013] : memref<16384x1024xf32, #tpu.memory_space<hbm>> -> memref<16x1024xf32, #tpu.memory_space<hbm>>
    %dma_start3A_1015 = arith.constant 0 : i32
    %dma_start3A_1016 = tpu.memref_slice %arg4[%add3A_1007, %dma_start3A_1015] : memref<16384x1024xf32, #tpu.memory_space<hbm>> -> memref<16x1024xf32, #tpu.memory_space<hbm>>
    %dma_start3A_1017 = arith.constant 0 : i32
    %dma_start3A_1018 = arith.constant 0 : i32
    %dma_start3A_1019 = tpu.memref_slice %arg6[%dma_start3A_1008, %dma_start3A_1017, %dma_start3A_1018] : memref<7x16x1024xf32, #tpu.memory_space<vmem>> -> memref<1x16x1024xf32, #tpu.memory_space<vmem>>
    %dma_start3A_1020 = tpu.memref_squeeze %dma_start3A_1019 : memref<1x16x1024xf32, #tpu.memory_space<vmem>> -> memref<16x1024xf32, #tpu.memory_space<vmem>>
    tpu.enqueue_dma source(%dma_start3A_1020 : memref<16x1024xf32, #tpu.memory_space<vmem>>) target(%dma_start3A_1016 : memref<16x1024xf32, #tpu.memory_space<hbm>>) target_semaphore(%arg19 : memref<!tpu.dma_semaphore, #tpu.memory_space<semaphore_mem>>)
    %add3A_1021 = arith.constant 288 : i32
    %add3A_1022 = arith.addi %mul3A_2, %add3A_1021 : i32
    %dma_wait3A_1023 = arith.constant 4 : i32
    %dma_wait3A_1024 = arith.constant 0 : i32
    %dma_wait3A_1025 = arith.constant 0 : i32
    %dma_wait3A_1026 = tpu.memref_slice %arg6[%dma_wait3A_1023, %dma_wait3A_1024, %dma_wait3A_1025] : memref<7x16x1024xf32, #tpu.memory_space<vmem>> -> memref<1x16x1024xf32, #tpu.memory_space<vmem>>
    %dma_wait3A_1027 = tpu.memref_squeeze %dma_wait3A_1026 : memref<1x16x1024xf32, #tpu.memory_space<vmem>> -> memref<16x1024xf32, #tpu.memory_space<vmem>>
    %dma_wait3A_1028 = arith.constant 0 : i32
    %dma_wait3A_1029 = tpu.memref_slice %arg4[%add3A_1022, %dma_wait3A_1028] : memref<16384x1024xf32, #tpu.memory_space<hbm>> -> memref<16x1024xf32, #tpu.memory_space<hbm>>
    %dma_wait3A_1030 = arith.constant 0 : i32
    %dma_wait3A_1031 = tpu.memref_slice %arg4[%add3A_1022, %dma_wait3A_1030] : memref<16384x1024xf32, #tpu.memory_space<hbm>> -> memref<16x1024xf32, #tpu.memory_space<hbm>>
    %dma_wait3A_1032 = arith.constant 0 : i32
    %dma_wait3A_1033 = arith.constant 0 : i32
    %dma_wait3A_1034 = tpu.memref_slice %arg6[%dma_wait3A_1023, %dma_wait3A_1032, %dma_wait3A_1033] : memref<7x16x1024xf32, #tpu.memory_space<vmem>> -> memref<1x16x1024xf32, #tpu.memory_space<vmem>>
    %dma_wait3A_1035 = tpu.memref_squeeze %dma_wait3A_1034 : memref<1x16x1024xf32, #tpu.memory_space<vmem>> -> memref<16x1024xf32, #tpu.memory_space<vmem>>
    tpu.wait_dma2 semaphore(%arg18 : memref<!tpu.dma_semaphore, #tpu.memory_space<semaphore_mem>>) src(%dma_wait3A_1035 : memref<16x1024xf32, #tpu.memory_space<vmem>>) dst(%dma_wait3A_1031 : memref<16x1024xf32, #tpu.memory_space<hbm>>)
    %dma_start3A_1036 = arith.constant 4 : i32
    %dma_start3A_1037 = arith.constant 0 : i32
    %dma_start3A_1038 = arith.constant 0 : i32
    %dma_start3A_1039 = tpu.memref_slice %arg6[%dma_start3A_1036, %dma_start3A_1037, %dma_start3A_1038] : memref<7x16x1024xf32, #tpu.memory_space<vmem>> -> memref<1x16x1024xf32, #tpu.memory_space<vmem>>
    %dma_start3A_1040 = tpu.memref_squeeze %dma_start3A_1039 : memref<1x16x1024xf32, #tpu.memory_space<vmem>> -> memref<16x1024xf32, #tpu.memory_space<vmem>>
    %dma_start3A_1041 = arith.constant 400 : i32
    %dma_start3A_1042 = tpu.memref_slice %arg5[%dma_start3A_1041] : memref<512xi32, #tpu.memory_space<vmem>> -> memref<16xi32, #tpu.memory_space<vmem>>
    %dma_start3A_1043 = arith.constant 0 : i32
    %dma_start3A_1044 = arith.constant 0 : i32
    %dma_start3A_1045 = tpu.memref_slice %arg3[%dma_start3A_1043, %dma_start3A_1044] : memref<100000x1024xf32, #tpu.memory_space<hbm>> -> memref<100000x1024xf32, #tpu.memory_space<hbm>>
    tpu.enqueue_indirect_dma source(%dma_start3A_1045 : memref<100000x1024xf32, #tpu.memory_space<hbm>>) target(%dma_start3A_1040 : memref<16x1024xf32, #tpu.memory_space<vmem>>) offsets(%dma_start3A_1042 : memref<16xi32, #tpu.memory_space<vmem>>) semaphore(%arg11 : memref<!tpu.dma_semaphore, #tpu.memory_space<semaphore_mem>>)
    %dma_wait3A_1046 = arith.constant 6 : i32
    %dma_wait3A_1047 = arith.constant 0 : i32
    %dma_wait3A_1048 = arith.constant 0 : i32
    %dma_wait3A_1049 = tpu.memref_slice %arg6[%dma_wait3A_1046, %dma_wait3A_1047, %dma_wait3A_1048] : memref<7x16x1024xf32, #tpu.memory_space<vmem>> -> memref<1x16x1024xf32, #tpu.memory_space<vmem>>
    %dma_wait3A_1050 = tpu.memref_squeeze %dma_wait3A_1049 : memref<1x16x1024xf32, #tpu.memory_space<vmem>> -> memref<16x1024xf32, #tpu.memory_space<vmem>>
    %dma_wait3A_1051 = arith.constant 320 : i32
    %dma_wait3A_1052 = tpu.memref_slice %arg5[%dma_wait3A_1051] : memref<512xi32, #tpu.memory_space<vmem>> -> memref<16xi32, #tpu.memory_space<vmem>>
    %dma_wait3A_1053 = arith.constant 0 : i32
    %dma_wait3A_1054 = arith.constant 0 : i32
    %dma_wait3A_1055 = tpu.memref_slice %arg3[%dma_wait3A_1053, %dma_wait3A_1054] : memref<100000x1024xf32, #tpu.memory_space<hbm>> -> memref<100000x1024xf32, #tpu.memory_space<hbm>>
    tpu.wait_indirect_dma semaphore(%arg13 : memref<!tpu.dma_semaphore, #tpu.memory_space<semaphore_mem>>) src(%dma_wait3A_1055 : memref<100000x1024xf32, #tpu.memory_space<hbm>>) dst(%dma_wait3A_1050 : memref<16x1024xf32, #tpu.memory_space<vmem>>)
    %add3A_1056 = arith.constant 320 : i32
    %add3A_1057 = arith.addi %mul3A_2, %add3A_1056 : i32
    %dma_start3A_1058 = arith.constant 6 : i32
    %dma_start3A_1059 = arith.constant 0 : i32
    %dma_start3A_1060 = arith.constant 0 : i32
    %dma_start3A_1061 = tpu.memref_slice %arg6[%dma_start3A_1058, %dma_start3A_1059, %dma_start3A_1060] : memref<7x16x1024xf32, #tpu.memory_space<vmem>> -> memref<1x16x1024xf32, #tpu.memory_space<vmem>>
    %dma_start3A_1062 = tpu.memref_squeeze %dma_start3A_1061 : memref<1x16x1024xf32, #tpu.memory_space<vmem>> -> memref<16x1024xf32, #tpu.memory_space<vmem>>
    %dma_start3A_1063 = arith.constant 0 : i32
    %dma_start3A_1064 = tpu.memref_slice %arg4[%add3A_1057, %dma_start3A_1063] : memref<16384x1024xf32, #tpu.memory_space<hbm>> -> memref<16x1024xf32, #tpu.memory_space<hbm>>
    %dma_start3A_1065 = arith.constant 0 : i32
    %dma_start3A_1066 = tpu.memref_slice %arg4[%add3A_1057, %dma_start3A_1065] : memref<16384x1024xf32, #tpu.memory_space<hbm>> -> memref<16x1024xf32, #tpu.memory_space<hbm>>
    %dma_start3A_1067 = arith.constant 0 : i32
    %dma_start3A_1068 = arith.constant 0 : i32
    %dma_start3A_1069 = tpu.memref_slice %arg6[%dma_start3A_1058, %dma_start3A_1067, %dma_start3A_1068] : memref<7x16x1024xf32, #tpu.memory_space<vmem>> -> memref<1x16x1024xf32, #tpu.memory_space<vmem>>
    %dma_start3A_1070 = tpu.memref_squeeze %dma_start3A_1069 : memref<1x16x1024xf32, #tpu.memory_space<vmem>> -> memref<16x1024xf32, #tpu.memory_space<vmem>>
    tpu.enqueue_dma source(%dma_start3A_1070 : memref<16x1024xf32, #tpu.memory_space<vmem>>) target(%dma_start3A_1066 : memref<16x1024xf32, #tpu.memory_space<hbm>>) target_semaphore(%arg20 : memref<!tpu.dma_semaphore, #tpu.memory_space<semaphore_mem>>)
    %add3A_1071 = arith.constant 304 : i32
    %add3A_1072 = arith.addi %mul3A_2, %add3A_1071 : i32
    %dma_wait3A_1073 = arith.constant 5 : i32
    %dma_wait3A_1074 = arith.constant 0 : i32
    %dma_wait3A_1075 = arith.constant 0 : i32
    %dma_wait3A_1076 = tpu.memref_slice %arg6[%dma_wait3A_1073, %dma_wait3A_1074, %dma_wait3A_1075] : memref<7x16x1024xf32, #tpu.memory_space<vmem>> -> memref<1x16x1024xf32, #tpu.memory_space<vmem>>
    %dma_wait3A_1077 = tpu.memref_squeeze %dma_wait3A_1076 : memref<1x16x1024xf32, #tpu.memory_space<vmem>> -> memref<16x1024xf32, #tpu.memory_space<vmem>>
    %dma_wait3A_1078 = arith.constant 0 : i32
    %dma_wait3A_1079 = tpu.memref_slice %arg4[%add3A_1072, %dma_wait3A_1078] : memref<16384x1024xf32, #tpu.memory_space<hbm>> -> memref<16x1024xf32, #tpu.memory_space<hbm>>
    %dma_wait3A_1080 = arith.constant 0 : i32
    %dma_wait3A_1081 = tpu.memref_slice %arg4[%add3A_1072, %dma_wait3A_1080] : memref<16384x1024xf32, #tpu.memory_space<hbm>> -> memref<16x1024xf32, #tpu.memory_space<hbm>>
    %dma_wait3A_1082 = arith.constant 0 : i32
    %dma_wait3A_1083 = arith.constant 0 : i32
    %dma_wait3A_1084 = tpu.memref_slice %arg6[%dma_wait3A_1073, %dma_wait3A_1082, %dma_wait3A_1083] : memref<7x16x1024xf32, #tpu.memory_space<vmem>> -> memref<1x16x1024xf32, #tpu.memory_space<vmem>>
    %dma_wait3A_1085 = tpu.memref_squeeze %dma_wait3A_1084 : memref<1x16x1024xf32, #tpu.memory_space<vmem>> -> memref<16x1024xf32, #tpu.memory_space<vmem>>
    tpu.wait_dma2 semaphore(%arg19 : memref<!tpu.dma_semaphore, #tpu.memory_space<semaphore_mem>>) src(%dma_wait3A_1085 : memref<16x1024xf32, #tpu.memory_space<vmem>>) dst(%dma_wait3A_1081 : memref<16x1024xf32, #tpu.memory_space<hbm>>)
    %dma_start3A_1086 = arith.constant 5 : i32
    %dma_start3A_1087 = arith.constant 0 : i32
    %dma_start3A_1088 = arith.constant 0 : i32
    %dma_start3A_1089 = tpu.memref_slice %arg6[%dma_start3A_1086, %dma_start3A_1087, %dma_start3A_1088] : memref<7x16x1024xf32, #tpu.memory_space<vmem>> -> memref<1x16x1024xf32, #tpu.memory_space<vmem>>
    %dma_start3A_1090 = tpu.memref_squeeze %dma_start3A_1089 : memref<1x16x1024xf32, #tpu.memory_space<vmem>> -> memref<16x1024xf32, #tpu.memory_space<vmem>>
    %dma_start3A_1091 = arith.constant 416 : i32
    %dma_start3A_1092 = tpu.memref_slice %arg5[%dma_start3A_1091] : memref<512xi32, #tpu.memory_space<vmem>> -> memref<16xi32, #tpu.memory_space<vmem>>
    %dma_start3A_1093 = arith.constant 0 : i32
    %dma_start3A_1094 = arith.constant 0 : i32
    %dma_start3A_1095 = tpu.memref_slice %arg3[%dma_start3A_1093, %dma_start3A_1094] : memref<100000x1024xf32, #tpu.memory_space<hbm>> -> memref<100000x1024xf32, #tpu.memory_space<hbm>>
    tpu.enqueue_indirect_dma source(%dma_start3A_1095 : memref<100000x1024xf32, #tpu.memory_space<hbm>>) target(%dma_start3A_1090 : memref<16x1024xf32, #tpu.memory_space<vmem>>) offsets(%dma_start3A_1092 : memref<16xi32, #tpu.memory_space<vmem>>) semaphore(%arg12 : memref<!tpu.dma_semaphore, #tpu.memory_space<semaphore_mem>>)
    %dma_wait3A_1096 = arith.constant 0 : i32
    %dma_wait3A_1097 = arith.constant 0 : i32
    %dma_wait3A_1098 = arith.constant 0 : i32
    %dma_wait3A_1099 = tpu.memref_slice %arg6[%dma_wait3A_1096, %dma_wait3A_1097, %dma_wait3A_1098] : memref<7x16x1024xf32, #tpu.memory_space<vmem>> -> memref<1x16x1024xf32, #tpu.memory_space<vmem>>
    %dma_wait3A_1100 = tpu.memref_squeeze %dma_wait3A_1099 : memref<1x16x1024xf32, #tpu.memory_space<vmem>> -> memref<16x1024xf32, #tpu.memory_space<vmem>>
    %dma_wait3A_1101 = arith.constant 336 : i32
    %dma_wait3A_1102 = tpu.memref_slice %arg5[%dma_wait3A_1101] : memref<512xi32, #tpu.memory_space<vmem>> -> memref<16xi32, #tpu.memory_space<vmem>>
    %dma_wait3A_1103 = arith.constant 0 : i32
    %dma_wait3A_1104 = arith.constant 0 : i32
    %dma_wait3A_1105 = tpu.memref_slice %arg3[%dma_wait3A_1103, %dma_wait3A_1104] : memref<100000x1024xf32, #tpu.memory_space<hbm>> -> memref<100000x1024xf32, #tpu.memory_space<hbm>>
    tpu.wait_indirect_dma semaphore(%arg7 : memref<!tpu.dma_semaphore, #tpu.memory_space<semaphore_mem>>) src(%dma_wait3A_1105 : memref<100000x1024xf32, #tpu.memory_space<hbm>>) dst(%dma_wait3A_1100 : memref<16x1024xf32, #tpu.memory_space<vmem>>)
    %add3A_1106 = arith.constant 336 : i32
    %add3A_1107 = arith.addi %mul3A_2, %add3A_1106 : i32
    %dma_start3A_1108 = arith.constant 0 : i32
    %dma_start3A_1109 = arith.constant 0 : i32
    %dma_start3A_1110 = arith.constant 0 : i32
    %dma_start3A_1111 = tpu.memref_slice %arg6[%dma_start3A_1108, %dma_start3A_1109, %dma_start3A_1110] : memref<7x16x1024xf32, #tpu.memory_space<vmem>> -> memref<1x16x1024xf32, #tpu.memory_space<vmem>>
    %dma_start3A_1112 = tpu.memref_squeeze %dma_start3A_1111 : memref<1x16x1024xf32, #tpu.memory_space<vmem>> -> memref<16x1024xf32, #tpu.memory_space<vmem>>
    %dma_start3A_1113 = arith.constant 0 : i32
    %dma_start3A_1114 = tpu.memref_slice %arg4[%add3A_1107, %dma_start3A_1113] : memref<16384x1024xf32, #tpu.memory_space<hbm>> -> memref<16x1024xf32, #tpu.memory_space<hbm>>
    %dma_start3A_1115 = arith.constant 0 : i32
    %dma_start3A_1116 = tpu.memref_slice %arg4[%add3A_1107, %dma_start3A_1115] : memref<16384x1024xf32, #tpu.memory_space<hbm>> -> memref<16x1024xf32, #tpu.memory_space<hbm>>
    %dma_start3A_1117 = arith.constant 0 : i32
    %dma_start3A_1118 = arith.constant 0 : i32
    %dma_start3A_1119 = tpu.memref_slice %arg6[%dma_start3A_1108, %dma_start3A_1117, %dma_start3A_1118] : memref<7x16x1024xf32, #tpu.memory_space<vmem>> -> memref<1x16x1024xf32, #tpu.memory_space<vmem>>
    %dma_start3A_1120 = tpu.memref_squeeze %dma_start3A_1119 : memref<1x16x1024xf32, #tpu.memory_space<vmem>> -> memref<16x1024xf32, #tpu.memory_space<vmem>>
    tpu.enqueue_dma source(%dma_start3A_1120 : memref<16x1024xf32, #tpu.memory_space<vmem>>) target(%dma_start3A_1116 : memref<16x1024xf32, #tpu.memory_space<hbm>>) target_semaphore(%arg14 : memref<!tpu.dma_semaphore, #tpu.memory_space<semaphore_mem>>)
    %add3A_1121 = arith.constant 320 : i32
    %add3A_1122 = arith.addi %mul3A_2, %add3A_1121 : i32
    %dma_wait3A_1123 = arith.constant 6 : i32
    %dma_wait3A_1124 = arith.constant 0 : i32
    %dma_wait3A_1125 = arith.constant 0 : i32
    %dma_wait3A_1126 = tpu.memref_slice %arg6[%dma_wait3A_1123, %dma_wait3A_1124, %dma_wait3A_1125] : memref<7x16x1024xf32, #tpu.memory_space<vmem>> -> memref<1x16x1024xf32, #tpu.memory_space<vmem>>
    %dma_wait3A_1127 = tpu.memref_squeeze %dma_wait3A_1126 : memref<1x16x1024xf32, #tpu.memory_space<vmem>> -> memref<16x1024xf32, #tpu.memory_space<vmem>>
    %dma_wait3A_1128 = arith.constant 0 : i32
    %dma_wait3A_1129 = tpu.memref_slice %arg4[%add3A_1122, %dma_wait3A_1128] : memref<16384x1024xf32, #tpu.memory_space<hbm>> -> memref<16x1024xf32, #tpu.memory_space<hbm>>
    %dma_wait3A_1130 = arith.constant 0 : i32
    %dma_wait3A_1131 = tpu.memref_slice %arg4[%add3A_1122, %dma_wait3A_1130] : memref<16384x1024xf32, #tpu.memory_space<hbm>> -> memref<16x1024xf32, #tpu.memory_space<hbm>>
    %dma_wait3A_1132 = arith.constant 0 : i32
    %dma_wait3A_1133 = arith.constant 0 : i32
    %dma_wait3A_1134 = tpu.memref_slice %arg6[%dma_wait3A_1123, %dma_wait3A_1132, %dma_wait3A_1133] : memref<7x16x1024xf32, #tpu.memory_space<vmem>> -> memref<1x16x1024xf32, #tpu.memory_space<vmem>>
    %dma_wait3A_1135 = tpu.memref_squeeze %dma_wait3A_1134 : memref<1x16x1024xf32, #tpu.memory_space<vmem>> -> memref<16x1024xf32, #tpu.memory_space<vmem>>
    tpu.wait_dma2 semaphore(%arg20 : memref<!tpu.dma_semaphore, #tpu.memory_space<semaphore_mem>>) src(%dma_wait3A_1135 : memref<16x1024xf32, #tpu.memory_space<vmem>>) dst(%dma_wait3A_1131 : memref<16x1024xf32, #tpu.memory_space<hbm>>)
    %dma_start3A_1136 = arith.constant 6 : i32
    %dma_start3A_1137 = arith.constant 0 : i32
    %dma_start3A_1138 = arith.constant 0 : i32
    %dma_start3A_1139 = tpu.memref_slice %arg6[%dma_start3A_1136, %dma_start3A_1137, %dma_start3A_1138] : memref<7x16x1024xf32, #tpu.memory_space<vmem>> -> memref<1x16x1024xf32, #tpu.memory_space<vmem>>
    %dma_start3A_1140 = tpu.memref_squeeze %dma_start3A_1139 : memref<1x16x1024xf32, #tpu.memory_space<vmem>> -> memref<16x1024xf32, #tpu.memory_space<vmem>>
    %dma_start3A_1141 = arith.constant 432 : i32
    %dma_start3A_1142 = tpu.memref_slice %arg5[%dma_start3A_1141] : memref<512xi32, #tpu.memory_space<vmem>> -> memref<16xi32, #tpu.memory_space<vmem>>
    %dma_start3A_1143 = arith.constant 0 : i32
    %dma_start3A_1144 = arith.constant 0 : i32
    %dma_start3A_1145 = tpu.memref_slice %arg3[%dma_start3A_1143, %dma_start3A_1144] : memref<100000x1024xf32, #tpu.memory_space<hbm>> -> memref<100000x1024xf32, #tpu.memory_space<hbm>>
    tpu.enqueue_indirect_dma source(%dma_start3A_1145 : memref<100000x1024xf32, #tpu.memory_space<hbm>>) target(%dma_start3A_1140 : memref<16x1024xf32, #tpu.memory_space<vmem>>) offsets(%dma_start3A_1142 : memref<16xi32, #tpu.memory_space<vmem>>) semaphore(%arg13 : memref<!tpu.dma_semaphore, #tpu.memory_space<semaphore_mem>>)
    %dma_wait3A_1146 = arith.constant 1 : i32
    %dma_wait3A_1147 = arith.constant 0 : i32
    %dma_wait3A_1148 = arith.constant 0 : i32
    %dma_wait3A_1149 = tpu.memref_slice %arg6[%dma_wait3A_1146, %dma_wait3A_1147, %dma_wait3A_1148] : memref<7x16x1024xf32, #tpu.memory_space<vmem>> -> memref<1x16x1024xf32, #tpu.memory_space<vmem>>
    %dma_wait3A_1150 = tpu.memref_squeeze %dma_wait3A_1149 : memref<1x16x1024xf32, #tpu.memory_space<vmem>> -> memref<16x1024xf32, #tpu.memory_space<vmem>>
    %dma_wait3A_1151 = arith.constant 352 : i32
    %dma_wait3A_1152 = tpu.memref_slice %arg5[%dma_wait3A_1151] : memref<512xi32, #tpu.memory_space<vmem>> -> memref<16xi32, #tpu.memory_space<vmem>>
    %dma_wait3A_1153 = arith.constant 0 : i32
    %dma_wait3A_1154 = arith.constant 0 : i32
    %dma_wait3A_1155 = tpu.memref_slice %arg3[%dma_wait3A_1153, %dma_wait3A_1154] : memref<100000x1024xf32, #tpu.memory_space<hbm>> -> memref<100000x1024xf32, #tpu.memory_space<hbm>>
    tpu.wait_indirect_dma semaphore(%arg8 : memref<!tpu.dma_semaphore, #tpu.memory_space<semaphore_mem>>) src(%dma_wait3A_1155 : memref<100000x1024xf32, #tpu.memory_space<hbm>>) dst(%dma_wait3A_1150 : memref<16x1024xf32, #tpu.memory_space<vmem>>)
    %add3A_1156 = arith.constant 352 : i32
    %add3A_1157 = arith.addi %mul3A_2, %add3A_1156 : i32
    %dma_start3A_1158 = arith.constant 1 : i32
    %dma_start3A_1159 = arith.constant 0 : i32
    %dma_start3A_1160 = arith.constant 0 : i32
    %dma_start3A_1161 = tpu.memref_slice %arg6[%dma_start3A_1158, %dma_start3A_1159, %dma_start3A_1160] : memref<7x16x1024xf32, #tpu.memory_space<vmem>> -> memref<1x16x1024xf32, #tpu.memory_space<vmem>>
    %dma_start3A_1162 = tpu.memref_squeeze %dma_start3A_1161 : memref<1x16x1024xf32, #tpu.memory_space<vmem>> -> memref<16x1024xf32, #tpu.memory_space<vmem>>
    %dma_start3A_1163 = arith.constant 0 : i32
    %dma_start3A_1164 = tpu.memref_slice %arg4[%add3A_1157, %dma_start3A_1163] : memref<16384x1024xf32, #tpu.memory_space<hbm>> -> memref<16x1024xf32, #tpu.memory_space<hbm>>
    %dma_start3A_1165 = arith.constant 0 : i32
    %dma_start3A_1166 = tpu.memref_slice %arg4[%add3A_1157, %dma_start3A_1165] : memref<16384x1024xf32, #tpu.memory_space<hbm>> -> memref<16x1024xf32, #tpu.memory_space<hbm>>
    %dma_start3A_1167 = arith.constant 0 : i32
    %dma_start3A_1168 = arith.constant 0 : i32
    %dma_start3A_1169 = tpu.memref_slice %arg6[%dma_start3A_1158, %dma_start3A_1167, %dma_start3A_1168] : memref<7x16x1024xf32, #tpu.memory_space<vmem>> -> memref<1x16x1024xf32, #tpu.memory_space<vmem>>
    %dma_start3A_1170 = tpu.memref_squeeze %dma_start3A_1169 : memref<1x16x1024xf32, #tpu.memory_space<vmem>> -> memref<16x1024xf32, #tpu.memory_space<vmem>>
    tpu.enqueue_dma source(%dma_start3A_1170 : memref<16x1024xf32, #tpu.memory_space<vmem>>) target(%dma_start3A_1166 : memref<16x1024xf32, #tpu.memory_space<hbm>>) target_semaphore(%arg15 : memref<!tpu.dma_semaphore, #tpu.memory_space<semaphore_mem>>)
    %add3A_1171 = arith.constant 336 : i32
    %add3A_1172 = arith.addi %mul3A_2, %add3A_1171 : i32
    %dma_wait3A_1173 = arith.constant 0 : i32
    %dma_wait3A_1174 = arith.constant 0 : i32
    %dma_wait3A_1175 = arith.constant 0 : i32
    %dma_wait3A_1176 = tpu.memref_slice %arg6[%dma_wait3A_1173, %dma_wait3A_1174, %dma_wait3A_1175] : memref<7x16x1024xf32, #tpu.memory_space<vmem>> -> memref<1x16x1024xf32, #tpu.memory_space<vmem>>
    %dma_wait3A_1177 = tpu.memref_squeeze %dma_wait3A_1176 : memref<1x16x1024xf32, #tpu.memory_space<vmem>> -> memref<16x1024xf32, #tpu.memory_space<vmem>>
    %dma_wait3A_1178 = arith.constant 0 : i32
    %dma_wait3A_1179 = tpu.memref_slice %arg4[%add3A_1172, %dma_wait3A_1178] : memref<16384x1024xf32, #tpu.memory_space<hbm>> -> memref<16x1024xf32, #tpu.memory_space<hbm>>
    %dma_wait3A_1180 = arith.constant 0 : i32
    %dma_wait3A_1181 = tpu.memref_slice %arg4[%add3A_1172, %dma_wait3A_1180] : memref<16384x1024xf32, #tpu.memory_space<hbm>> -> memref<16x1024xf32, #tpu.memory_space<hbm>>
    %dma_wait3A_1182 = arith.constant 0 : i32
    %dma_wait3A_1183 = arith.constant 0 : i32
    %dma_wait3A_1184 = tpu.memref_slice %arg6[%dma_wait3A_1173, %dma_wait3A_1182, %dma_wait3A_1183] : memref<7x16x1024xf32, #tpu.memory_space<vmem>> -> memref<1x16x1024xf32, #tpu.memory_space<vmem>>
    %dma_wait3A_1185 = tpu.memref_squeeze %dma_wait3A_1184 : memref<1x16x1024xf32, #tpu.memory_space<vmem>> -> memref<16x1024xf32, #tpu.memory_space<vmem>>
    tpu.wait_dma2 semaphore(%arg14 : memref<!tpu.dma_semaphore, #tpu.memory_space<semaphore_mem>>) src(%dma_wait3A_1185 : memref<16x1024xf32, #tpu.memory_space<vmem>>) dst(%dma_wait3A_1181 : memref<16x1024xf32, #tpu.memory_space<hbm>>)
    %dma_start3A_1186 = arith.constant 0 : i32
    %dma_start3A_1187 = arith.constant 0 : i32
    %dma_start3A_1188 = arith.constant 0 : i32
    %dma_start3A_1189 = tpu.memref_slice %arg6[%dma_start3A_1186, %dma_start3A_1187, %dma_start3A_1188] : memref<7x16x1024xf32, #tpu.memory_space<vmem>> -> memref<1x16x1024xf32, #tpu.memory_space<vmem>>
    %dma_start3A_1190 = tpu.memref_squeeze %dma_start3A_1189 : memref<1x16x1024xf32, #tpu.memory_space<vmem>> -> memref<16x1024xf32, #tpu.memory_space<vmem>>
    %dma_start3A_1191 = arith.constant 448 : i32
    %dma_start3A_1192 = tpu.memref_slice %arg5[%dma_start3A_1191] : memref<512xi32, #tpu.memory_space<vmem>> -> memref<16xi32, #tpu.memory_space<vmem>>
    %dma_start3A_1193 = arith.constant 0 : i32
    %dma_start3A_1194 = arith.constant 0 : i32
    %dma_start3A_1195 = tpu.memref_slice %arg3[%dma_start3A_1193, %dma_start3A_1194] : memref<100000x1024xf32, #tpu.memory_space<hbm>> -> memref<100000x1024xf32, #tpu.memory_space<hbm>>
    tpu.enqueue_indirect_dma source(%dma_start3A_1195 : memref<100000x1024xf32, #tpu.memory_space<hbm>>) target(%dma_start3A_1190 : memref<16x1024xf32, #tpu.memory_space<vmem>>) offsets(%dma_start3A_1192 : memref<16xi32, #tpu.memory_space<vmem>>) semaphore(%arg7 : memref<!tpu.dma_semaphore, #tpu.memory_space<semaphore_mem>>)
    %dma_wait3A_1196 = arith.constant 2 : i32
    %dma_wait3A_1197 = arith.constant 0 : i32
    %dma_wait3A_1198 = arith.constant 0 : i32
    %dma_wait3A_1199 = tpu.memref_slice %arg6[%dma_wait3A_1196, %dma_wait3A_1197, %dma_wait3A_1198] : memref<7x16x1024xf32, #tpu.memory_space<vmem>> -> memref<1x16x1024xf32, #tpu.memory_space<vmem>>
    %dma_wait3A_1200 = tpu.memref_squeeze %dma_wait3A_1199 : memref<1x16x1024xf32, #tpu.memory_space<vmem>> -> memref<16x1024xf32, #tpu.memory_space<vmem>>
    %dma_wait3A_1201 = arith.constant 368 : i32
    %dma_wait3A_1202 = tpu.memref_slice %arg5[%dma_wait3A_1201] : memref<512xi32, #tpu.memory_space<vmem>> -> memref<16xi32, #tpu.memory_space<vmem>>
    %dma_wait3A_1203 = arith.constant 0 : i32
    %dma_wait3A_1204 = arith.constant 0 : i32
    %dma_wait3A_1205 = tpu.memref_slice %arg3[%dma_wait3A_1203, %dma_wait3A_1204] : memref<100000x1024xf32, #tpu.memory_space<hbm>> -> memref<100000x1024xf32, #tpu.memory_space<hbm>>
    tpu.wait_indirect_dma semaphore(%arg9 : memref<!tpu.dma_semaphore, #tpu.memory_space<semaphore_mem>>) src(%dma_wait3A_1205 : memref<100000x1024xf32, #tpu.memory_space<hbm>>) dst(%dma_wait3A_1200 : memref<16x1024xf32, #tpu.memory_space<vmem>>)
    %add3A_1206 = arith.constant 368 : i32
    %add3A_1207 = arith.addi %mul3A_2, %add3A_1206 : i32
    %dma_start3A_1208 = arith.constant 2 : i32
    %dma_start3A_1209 = arith.constant 0 : i32
    %dma_start3A_1210 = arith.constant 0 : i32
    %dma_start3A_1211 = tpu.memref_slice %arg6[%dma_start3A_1208, %dma_start3A_1209, %dma_start3A_1210] : memref<7x16x1024xf32, #tpu.memory_space<vmem>> -> memref<1x16x1024xf32, #tpu.memory_space<vmem>>
    %dma_start3A_1212 = tpu.memref_squeeze %dma_start3A_1211 : memref<1x16x1024xf32, #tpu.memory_space<vmem>> -> memref<16x1024xf32, #tpu.memory_space<vmem>>
    %dma_start3A_1213 = arith.constant 0 : i32
    %dma_start3A_1214 = tpu.memref_slice %arg4[%add3A_1207, %dma_start3A_1213] : memref<16384x1024xf32, #tpu.memory_space<hbm>> -> memref<16x1024xf32, #tpu.memory_space<hbm>>
    %dma_start3A_1215 = arith.constant 0 : i32
    %dma_start3A_1216 = tpu.memref_slice %arg4[%add3A_1207, %dma_start3A_1215] : memref<16384x1024xf32, #tpu.memory_space<hbm>> -> memref<16x1024xf32, #tpu.memory_space<hbm>>
    %dma_start3A_1217 = arith.constant 0 : i32
    %dma_start3A_1218 = arith.constant 0 : i32
    %dma_start3A_1219 = tpu.memref_slice %arg6[%dma_start3A_1208, %dma_start3A_1217, %dma_start3A_1218] : memref<7x16x1024xf32, #tpu.memory_space<vmem>> -> memref<1x16x1024xf32, #tpu.memory_space<vmem>>
    %dma_start3A_1220 = tpu.memref_squeeze %dma_start3A_1219 : memref<1x16x1024xf32, #tpu.memory_space<vmem>> -> memref<16x1024xf32, #tpu.memory_space<vmem>>
    tpu.enqueue_dma source(%dma_start3A_1220 : memref<16x1024xf32, #tpu.memory_space<vmem>>) target(%dma_start3A_1216 : memref<16x1024xf32, #tpu.memory_space<hbm>>) target_semaphore(%arg16 : memref<!tpu.dma_semaphore, #tpu.memory_space<semaphore_mem>>)
    %add3A_1221 = arith.constant 352 : i32
    %add3A_1222 = arith.addi %mul3A_2, %add3A_1221 : i32
    %dma_wait3A_1223 = arith.constant 1 : i32
    %dma_wait3A_1224 = arith.constant 0 : i32
    %dma_wait3A_1225 = arith.constant 0 : i32
    %dma_wait3A_1226 = tpu.memref_slice %arg6[%dma_wait3A_1223, %dma_wait3A_1224, %dma_wait3A_1225] : memref<7x16x1024xf32, #tpu.memory_space<vmem>> -> memref<1x16x1024xf32, #tpu.memory_space<vmem>>
    %dma_wait3A_1227 = tpu.memref_squeeze %dma_wait3A_1226 : memref<1x16x1024xf32, #tpu.memory_space<vmem>> -> memref<16x1024xf32, #tpu.memory_space<vmem>>
    %dma_wait3A_1228 = arith.constant 0 : i32
    %dma_wait3A_1229 = tpu.memref_slice %arg4[%add3A_1222, %dma_wait3A_1228] : memref<16384x1024xf32, #tpu.memory_space<hbm>> -> memref<16x1024xf32, #tpu.memory_space<hbm>>
    %dma_wait3A_1230 = arith.constant 0 : i32
    %dma_wait3A_1231 = tpu.memref_slice %arg4[%add3A_1222, %dma_wait3A_1230] : memref<16384x1024xf32, #tpu.memory_space<hbm>> -> memref<16x1024xf32, #tpu.memory_space<hbm>>
    %dma_wait3A_1232 = arith.constant 0 : i32
    %dma_wait3A_1233 = arith.constant 0 : i32
    %dma_wait3A_1234 = tpu.memref_slice %arg6[%dma_wait3A_1223, %dma_wait3A_1232, %dma_wait3A_1233] : memref<7x16x1024xf32, #tpu.memory_space<vmem>> -> memref<1x16x1024xf32, #tpu.memory_space<vmem>>
    %dma_wait3A_1235 = tpu.memref_squeeze %dma_wait3A_1234 : memref<1x16x1024xf32, #tpu.memory_space<vmem>> -> memref<16x1024xf32, #tpu.memory_space<vmem>>
    tpu.wait_dma2 semaphore(%arg15 : memref<!tpu.dma_semaphore, #tpu.memory_space<semaphore_mem>>) src(%dma_wait3A_1235 : memref<16x1024xf32, #tpu.memory_space<vmem>>) dst(%dma_wait3A_1231 : memref<16x1024xf32, #tpu.memory_space<hbm>>)
    %dma_start3A_1236 = arith.constant 1 : i32
    %dma_start3A_1237 = arith.constant 0 : i32
    %dma_start3A_1238 = arith.constant 0 : i32
    %dma_start3A_1239 = tpu.memref_slice %arg6[%dma_start3A_1236, %dma_start3A_1237, %dma_start3A_1238] : memref<7x16x1024xf32, #tpu.memory_space<vmem>> -> memref<1x16x1024xf32, #tpu.memory_space<vmem>>
    %dma_start3A_1240 = tpu.memref_squeeze %dma_start3A_1239 : memref<1x16x1024xf32, #tpu.memory_space<vmem>> -> memref<16x1024xf32, #tpu.memory_space<vmem>>
    %dma_start3A_1241 = arith.constant 464 : i32
    %dma_start3A_1242 = tpu.memref_slice %arg5[%dma_start3A_1241] : memref<512xi32, #tpu.memory_space<vmem>> -> memref<16xi32, #tpu.memory_space<vmem>>
    %dma_start3A_1243 = arith.constant 0 : i32
    %dma_start3A_1244 = arith.constant 0 : i32
    %dma_start3A_1245 = tpu.memref_slice %arg3[%dma_start3A_1243, %dma_start3A_1244] : memref<100000x1024xf32, #tpu.memory_space<hbm>> -> memref<100000x1024xf32, #tpu.memory_space<hbm>>
    tpu.enqueue_indirect_dma source(%dma_start3A_1245 : memref<100000x1024xf32, #tpu.memory_space<hbm>>) target(%dma_start3A_1240 : memref<16x1024xf32, #tpu.memory_space<vmem>>) offsets(%dma_start3A_1242 : memref<16xi32, #tpu.memory_space<vmem>>) semaphore(%arg8 : memref<!tpu.dma_semaphore, #tpu.memory_space<semaphore_mem>>)
    %dma_wait3A_1246 = arith.constant 3 : i32
    %dma_wait3A_1247 = arith.constant 0 : i32
    %dma_wait3A_1248 = arith.constant 0 : i32
    %dma_wait3A_1249 = tpu.memref_slice %arg6[%dma_wait3A_1246, %dma_wait3A_1247, %dma_wait3A_1248] : memref<7x16x1024xf32, #tpu.memory_space<vmem>> -> memref<1x16x1024xf32, #tpu.memory_space<vmem>>
    %dma_wait3A_1250 = tpu.memref_squeeze %dma_wait3A_1249 : memref<1x16x1024xf32, #tpu.memory_space<vmem>> -> memref<16x1024xf32, #tpu.memory_space<vmem>>
    %dma_wait3A_1251 = arith.constant 384 : i32
    %dma_wait3A_1252 = tpu.memref_slice %arg5[%dma_wait3A_1251] : memref<512xi32, #tpu.memory_space<vmem>> -> memref<16xi32, #tpu.memory_space<vmem>>
    %dma_wait3A_1253 = arith.constant 0 : i32
    %dma_wait3A_1254 = arith.constant 0 : i32
    %dma_wait3A_1255 = tpu.memref_slice %arg3[%dma_wait3A_1253, %dma_wait3A_1254] : memref<100000x1024xf32, #tpu.memory_space<hbm>> -> memref<100000x1024xf32, #tpu.memory_space<hbm>>
    tpu.wait_indirect_dma semaphore(%arg10 : memref<!tpu.dma_semaphore, #tpu.memory_space<semaphore_mem>>) src(%dma_wait3A_1255 : memref<100000x1024xf32, #tpu.memory_space<hbm>>) dst(%dma_wait3A_1250 : memref<16x1024xf32, #tpu.memory_space<vmem>>)
    %add3A_1256 = arith.constant 384 : i32
    %add3A_1257 = arith.addi %mul3A_2, %add3A_1256 : i32
    %dma_start3A_1258 = arith.constant 3 : i32
    %dma_start3A_1259 = arith.constant 0 : i32
    %dma_start3A_1260 = arith.constant 0 : i32
    %dma_start3A_1261 = tpu.memref_slice %arg6[%dma_start3A_1258, %dma_start3A_1259, %dma_start3A_1260] : memref<7x16x1024xf32, #tpu.memory_space<vmem>> -> memref<1x16x1024xf32, #tpu.memory_space<vmem>>
    %dma_start3A_1262 = tpu.memref_squeeze %dma_start3A_1261 : memref<1x16x1024xf32, #tpu.memory_space<vmem>> -> memref<16x1024xf32, #tpu.memory_space<vmem>>
    %dma_start3A_1263 = arith.constant 0 : i32
    %dma_start3A_1264 = tpu.memref_slice %arg4[%add3A_1257, %dma_start3A_1263] : memref<16384x1024xf32, #tpu.memory_space<hbm>> -> memref<16x1024xf32, #tpu.memory_space<hbm>>
    %dma_start3A_1265 = arith.constant 0 : i32
    %dma_start3A_1266 = tpu.memref_slice %arg4[%add3A_1257, %dma_start3A_1265] : memref<16384x1024xf32, #tpu.memory_space<hbm>> -> memref<16x1024xf32, #tpu.memory_space<hbm>>
    %dma_start3A_1267 = arith.constant 0 : i32
    %dma_start3A_1268 = arith.constant 0 : i32
    %dma_start3A_1269 = tpu.memref_slice %arg6[%dma_start3A_1258, %dma_start3A_1267, %dma_start3A_1268] : memref<7x16x1024xf32, #tpu.memory_space<vmem>> -> memref<1x16x1024xf32, #tpu.memory_space<vmem>>
    %dma_start3A_1270 = tpu.memref_squeeze %dma_start3A_1269 : memref<1x16x1024xf32, #tpu.memory_space<vmem>> -> memref<16x1024xf32, #tpu.memory_space<vmem>>
    tpu.enqueue_dma source(%dma_start3A_1270 : memref<16x1024xf32, #tpu.memory_space<vmem>>) target(%dma_start3A_1266 : memref<16x1024xf32, #tpu.memory_space<hbm>>) target_semaphore(%arg17 : memref<!tpu.dma_semaphore, #tpu.memory_space<semaphore_mem>>)
    %add3A_1271 = arith.constant 368 : i32
    %add3A_1272 = arith.addi %mul3A_2, %add3A_1271 : i32
    %dma_wait3A_1273 = arith.constant 2 : i32
    %dma_wait3A_1274 = arith.constant 0 : i32
    %dma_wait3A_1275 = arith.constant 0 : i32
    %dma_wait3A_1276 = tpu.memref_slice %arg6[%dma_wait3A_1273, %dma_wait3A_1274, %dma_wait3A_1275] : memref<7x16x1024xf32, #tpu.memory_space<vmem>> -> memref<1x16x1024xf32, #tpu.memory_space<vmem>>
    %dma_wait3A_1277 = tpu.memref_squeeze %dma_wait3A_1276 : memref<1x16x1024xf32, #tpu.memory_space<vmem>> -> memref<16x1024xf32, #tpu.memory_space<vmem>>
    %dma_wait3A_1278 = arith.constant 0 : i32
    %dma_wait3A_1279 = tpu.memref_slice %arg4[%add3A_1272, %dma_wait3A_1278] : memref<16384x1024xf32, #tpu.memory_space<hbm>> -> memref<16x1024xf32, #tpu.memory_space<hbm>>
    %dma_wait3A_1280 = arith.constant 0 : i32
    %dma_wait3A_1281 = tpu.memref_slice %arg4[%add3A_1272, %dma_wait3A_1280] : memref<16384x1024xf32, #tpu.memory_space<hbm>> -> memref<16x1024xf32, #tpu.memory_space<hbm>>
    %dma_wait3A_1282 = arith.constant 0 : i32
    %dma_wait3A_1283 = arith.constant 0 : i32
    %dma_wait3A_1284 = tpu.memref_slice %arg6[%dma_wait3A_1273, %dma_wait3A_1282, %dma_wait3A_1283] : memref<7x16x1024xf32, #tpu.memory_space<vmem>> -> memref<1x16x1024xf32, #tpu.memory_space<vmem>>
    %dma_wait3A_1285 = tpu.memref_squeeze %dma_wait3A_1284 : memref<1x16x1024xf32, #tpu.memory_space<vmem>> -> memref<16x1024xf32, #tpu.memory_space<vmem>>
    tpu.wait_dma2 semaphore(%arg16 : memref<!tpu.dma_semaphore, #tpu.memory_space<semaphore_mem>>) src(%dma_wait3A_1285 : memref<16x1024xf32, #tpu.memory_space<vmem>>) dst(%dma_wait3A_1281 : memref<16x1024xf32, #tpu.memory_space<hbm>>)
    %dma_start3A_1286 = arith.constant 2 : i32
    %dma_start3A_1287 = arith.constant 0 : i32
    %dma_start3A_1288 = arith.constant 0 : i32
    %dma_start3A_1289 = tpu.memref_slice %arg6[%dma_start3A_1286, %dma_start3A_1287, %dma_start3A_1288] : memref<7x16x1024xf32, #tpu.memory_space<vmem>> -> memref<1x16x1024xf32, #tpu.memory_space<vmem>>
    %dma_start3A_1290 = tpu.memref_squeeze %dma_start3A_1289 : memref<1x16x1024xf32, #tpu.memory_space<vmem>> -> memref<16x1024xf32, #tpu.memory_space<vmem>>
    %dma_start3A_1291 = arith.constant 480 : i32
    %dma_start3A_1292 = tpu.memref_slice %arg5[%dma_start3A_1291] : memref<512xi32, #tpu.memory_space<vmem>> -> memref<16xi32, #tpu.memory_space<vmem>>
    %dma_start3A_1293 = arith.constant 0 : i32
    %dma_start3A_1294 = arith.constant 0 : i32
    %dma_start3A_1295 = tpu.memref_slice %arg3[%dma_start3A_1293, %dma_start3A_1294] : memref<100000x1024xf32, #tpu.memory_space<hbm>> -> memref<100000x1024xf32, #tpu.memory_space<hbm>>
    tpu.enqueue_indirect_dma source(%dma_start3A_1295 : memref<100000x1024xf32, #tpu.memory_space<hbm>>) target(%dma_start3A_1290 : memref<16x1024xf32, #tpu.memory_space<vmem>>) offsets(%dma_start3A_1292 : memref<16xi32, #tpu.memory_space<vmem>>) semaphore(%arg9 : memref<!tpu.dma_semaphore, #tpu.memory_space<semaphore_mem>>)
    %dma_wait3A_1296 = arith.constant 4 : i32
    %dma_wait3A_1297 = arith.constant 0 : i32
    %dma_wait3A_1298 = arith.constant 0 : i32
    %dma_wait3A_1299 = tpu.memref_slice %arg6[%dma_wait3A_1296, %dma_wait3A_1297, %dma_wait3A_1298] : memref<7x16x1024xf32, #tpu.memory_space<vmem>> -> memref<1x16x1024xf32, #tpu.memory_space<vmem>>
    %dma_wait3A_1300 = tpu.memref_squeeze %dma_wait3A_1299 : memref<1x16x1024xf32, #tpu.memory_space<vmem>> -> memref<16x1024xf32, #tpu.memory_space<vmem>>
    %dma_wait3A_1301 = arith.constant 400 : i32
    %dma_wait3A_1302 = tpu.memref_slice %arg5[%dma_wait3A_1301] : memref<512xi32, #tpu.memory_space<vmem>> -> memref<16xi32, #tpu.memory_space<vmem>>
    %dma_wait3A_1303 = arith.constant 0 : i32
    %dma_wait3A_1304 = arith.constant 0 : i32
    %dma_wait3A_1305 = tpu.memref_slice %arg3[%dma_wait3A_1303, %dma_wait3A_1304] : memref<100000x1024xf32, #tpu.memory_space<hbm>> -> memref<100000x1024xf32, #tpu.memory_space<hbm>>
    tpu.wait_indirect_dma semaphore(%arg11 : memref<!tpu.dma_semaphore, #tpu.memory_space<semaphore_mem>>) src(%dma_wait3A_1305 : memref<100000x1024xf32, #tpu.memory_space<hbm>>) dst(%dma_wait3A_1300 : memref<16x1024xf32, #tpu.memory_space<vmem>>)
    %add3A_1306 = arith.constant 400 : i32
    %add3A_1307 = arith.addi %mul3A_2, %add3A_1306 : i32
    %dma_start3A_1308 = arith.constant 4 : i32
    %dma_start3A_1309 = arith.constant 0 : i32
    %dma_start3A_1310 = arith.constant 0 : i32
    %dma_start3A_1311 = tpu.memref_slice %arg6[%dma_start3A_1308, %dma_start3A_1309, %dma_start3A_1310] : memref<7x16x1024xf32, #tpu.memory_space<vmem>> -> memref<1x16x1024xf32, #tpu.memory_space<vmem>>
    %dma_start3A_1312 = tpu.memref_squeeze %dma_start3A_1311 : memref<1x16x1024xf32, #tpu.memory_space<vmem>> -> memref<16x1024xf32, #tpu.memory_space<vmem>>
    %dma_start3A_1313 = arith.constant 0 : i32
    %dma_start3A_1314 = tpu.memref_slice %arg4[%add3A_1307, %dma_start3A_1313] : memref<16384x1024xf32, #tpu.memory_space<hbm>> -> memref<16x1024xf32, #tpu.memory_space<hbm>>
    %dma_start3A_1315 = arith.constant 0 : i32
    %dma_start3A_1316 = tpu.memref_slice %arg4[%add3A_1307, %dma_start3A_1315] : memref<16384x1024xf32, #tpu.memory_space<hbm>> -> memref<16x1024xf32, #tpu.memory_space<hbm>>
    %dma_start3A_1317 = arith.constant 0 : i32
    %dma_start3A_1318 = arith.constant 0 : i32
    %dma_start3A_1319 = tpu.memref_slice %arg6[%dma_start3A_1308, %dma_start3A_1317, %dma_start3A_1318] : memref<7x16x1024xf32, #tpu.memory_space<vmem>> -> memref<1x16x1024xf32, #tpu.memory_space<vmem>>
    %dma_start3A_1320 = tpu.memref_squeeze %dma_start3A_1319 : memref<1x16x1024xf32, #tpu.memory_space<vmem>> -> memref<16x1024xf32, #tpu.memory_space<vmem>>
    tpu.enqueue_dma source(%dma_start3A_1320 : memref<16x1024xf32, #tpu.memory_space<vmem>>) target(%dma_start3A_1316 : memref<16x1024xf32, #tpu.memory_space<hbm>>) target_semaphore(%arg18 : memref<!tpu.dma_semaphore, #tpu.memory_space<semaphore_mem>>)
    %add3A_1321 = arith.constant 384 : i32
    %add3A_1322 = arith.addi %mul3A_2, %add3A_1321 : i32
    %dma_wait3A_1323 = arith.constant 3 : i32
    %dma_wait3A_1324 = arith.constant 0 : i32
    %dma_wait3A_1325 = arith.constant 0 : i32
    %dma_wait3A_1326 = tpu.memref_slice %arg6[%dma_wait3A_1323, %dma_wait3A_1324, %dma_wait3A_1325] : memref<7x16x1024xf32, #tpu.memory_space<vmem>> -> memref<1x16x1024xf32, #tpu.memory_space<vmem>>
    %dma_wait3A_1327 = tpu.memref_squeeze %dma_wait3A_1326 : memref<1x16x1024xf32, #tpu.memory_space<vmem>> -> memref<16x1024xf32, #tpu.memory_space<vmem>>
    %dma_wait3A_1328 = arith.constant 0 : i32
    %dma_wait3A_1329 = tpu.memref_slice %arg4[%add3A_1322, %dma_wait3A_1328] : memref<16384x1024xf32, #tpu.memory_space<hbm>> -> memref<16x1024xf32, #tpu.memory_space<hbm>>
    %dma_wait3A_1330 = arith.constant 0 : i32
    %dma_wait3A_1331 = tpu.memref_slice %arg4[%add3A_1322, %dma_wait3A_1330] : memref<16384x1024xf32, #tpu.memory_space<hbm>> -> memref<16x1024xf32, #tpu.memory_space<hbm>>
    %dma_wait3A_1332 = arith.constant 0 : i32
    %dma_wait3A_1333 = arith.constant 0 : i32
    %dma_wait3A_1334 = tpu.memref_slice %arg6[%dma_wait3A_1323, %dma_wait3A_1332, %dma_wait3A_1333] : memref<7x16x1024xf32, #tpu.memory_space<vmem>> -> memref<1x16x1024xf32, #tpu.memory_space<vmem>>
    %dma_wait3A_1335 = tpu.memref_squeeze %dma_wait3A_1334 : memref<1x16x1024xf32, #tpu.memory_space<vmem>> -> memref<16x1024xf32, #tpu.memory_space<vmem>>
    tpu.wait_dma2 semaphore(%arg17 : memref<!tpu.dma_semaphore, #tpu.memory_space<semaphore_mem>>) src(%dma_wait3A_1335 : memref<16x1024xf32, #tpu.memory_space<vmem>>) dst(%dma_wait3A_1331 : memref<16x1024xf32, #tpu.memory_space<hbm>>)
    %dma_start3A_1336 = arith.constant 3 : i32
    %dma_start3A_1337 = arith.constant 0 : i32
    %dma_start3A_1338 = arith.constant 0 : i32
    %dma_start3A_1339 = tpu.memref_slice %arg6[%dma_start3A_1336, %dma_start3A_1337, %dma_start3A_1338] : memref<7x16x1024xf32, #tpu.memory_space<vmem>> -> memref<1x16x1024xf32, #tpu.memory_space<vmem>>
    %dma_start3A_1340 = tpu.memref_squeeze %dma_start3A_1339 : memref<1x16x1024xf32, #tpu.memory_space<vmem>> -> memref<16x1024xf32, #tpu.memory_space<vmem>>
    %dma_start3A_1341 = arith.constant 496 : i32
    %dma_start3A_1342 = tpu.memref_slice %arg5[%dma_start3A_1341] : memref<512xi32, #tpu.memory_space<vmem>> -> memref<16xi32, #tpu.memory_space<vmem>>
    %dma_start3A_1343 = arith.constant 0 : i32
    %dma_start3A_1344 = arith.constant 0 : i32
    %dma_start3A_1345 = tpu.memref_slice %arg3[%dma_start3A_1343, %dma_start3A_1344] : memref<100000x1024xf32, #tpu.memory_space<hbm>> -> memref<100000x1024xf32, #tpu.memory_space<hbm>>
    tpu.enqueue_indirect_dma source(%dma_start3A_1345 : memref<100000x1024xf32, #tpu.memory_space<hbm>>) target(%dma_start3A_1340 : memref<16x1024xf32, #tpu.memory_space<vmem>>) offsets(%dma_start3A_1342 : memref<16xi32, #tpu.memory_space<vmem>>) semaphore(%arg10 : memref<!tpu.dma_semaphore, #tpu.memory_space<semaphore_mem>>)
    %dma_wait3A_1346 = arith.constant 5 : i32
    %dma_wait3A_1347 = arith.constant 0 : i32
    %dma_wait3A_1348 = arith.constant 0 : i32
    %dma_wait3A_1349 = tpu.memref_slice %arg6[%dma_wait3A_1346, %dma_wait3A_1347, %dma_wait3A_1348] : memref<7x16x1024xf32, #tpu.memory_space<vmem>> -> memref<1x16x1024xf32, #tpu.memory_space<vmem>>
    %dma_wait3A_1350 = tpu.memref_squeeze %dma_wait3A_1349 : memref<1x16x1024xf32, #tpu.memory_space<vmem>> -> memref<16x1024xf32, #tpu.memory_space<vmem>>
    %dma_wait3A_1351 = arith.constant 416 : i32
    %dma_wait3A_1352 = tpu.memref_slice %arg5[%dma_wait3A_1351] : memref<512xi32, #tpu.memory_space<vmem>> -> memref<16xi32, #tpu.memory_space<vmem>>
    %dma_wait3A_1353 = arith.constant 0 : i32
    %dma_wait3A_1354 = arith.constant 0 : i32
    %dma_wait3A_1355 = tpu.memref_slice %arg3[%dma_wait3A_1353, %dma_wait3A_1354] : memref<100000x1024xf32, #tpu.memory_space<hbm>> -> memref<100000x1024xf32, #tpu.memory_space<hbm>>
    tpu.wait_indirect_dma semaphore(%arg12 : memref<!tpu.dma_semaphore, #tpu.memory_space<semaphore_mem>>) src(%dma_wait3A_1355 : memref<100000x1024xf32, #tpu.memory_space<hbm>>) dst(%dma_wait3A_1350 : memref<16x1024xf32, #tpu.memory_space<vmem>>)
    %add3A_1356 = arith.constant 416 : i32
    %add3A_1357 = arith.addi %mul3A_2, %add3A_1356 : i32
    %dma_start3A_1358 = arith.constant 5 : i32
    %dma_start3A_1359 = arith.constant 0 : i32
    %dma_start3A_1360 = arith.constant 0 : i32
    %dma_start3A_1361 = tpu.memref_slice %arg6[%dma_start3A_1358, %dma_start3A_1359, %dma_start3A_1360] : memref<7x16x1024xf32, #tpu.memory_space<vmem>> -> memref<1x16x1024xf32, #tpu.memory_space<vmem>>
    %dma_start3A_1362 = tpu.memref_squeeze %dma_start3A_1361 : memref<1x16x1024xf32, #tpu.memory_space<vmem>> -> memref<16x1024xf32, #tpu.memory_space<vmem>>
    %dma_start3A_1363 = arith.constant 0 : i32
    %dma_start3A_1364 = tpu.memref_slice %arg4[%add3A_1357, %dma_start3A_1363] : memref<16384x1024xf32, #tpu.memory_space<hbm>> -> memref<16x1024xf32, #tpu.memory_space<hbm>>
    %dma_start3A_1365 = arith.constant 0 : i32
    %dma_start3A_1366 = tpu.memref_slice %arg4[%add3A_1357, %dma_start3A_1365] : memref<16384x1024xf32, #tpu.memory_space<hbm>> -> memref<16x1024xf32, #tpu.memory_space<hbm>>
    %dma_start3A_1367 = arith.constant 0 : i32
    %dma_start3A_1368 = arith.constant 0 : i32
    %dma_start3A_1369 = tpu.memref_slice %arg6[%dma_start3A_1358, %dma_start3A_1367, %dma_start3A_1368] : memref<7x16x1024xf32, #tpu.memory_space<vmem>> -> memref<1x16x1024xf32, #tpu.memory_space<vmem>>
    %dma_start3A_1370 = tpu.memref_squeeze %dma_start3A_1369 : memref<1x16x1024xf32, #tpu.memory_space<vmem>> -> memref<16x1024xf32, #tpu.memory_space<vmem>>
    tpu.enqueue_dma source(%dma_start3A_1370 : memref<16x1024xf32, #tpu.memory_space<vmem>>) target(%dma_start3A_1366 : memref<16x1024xf32, #tpu.memory_space<hbm>>) target_semaphore(%arg19 : memref<!tpu.dma_semaphore, #tpu.memory_space<semaphore_mem>>)
    %dma_wait3A_1371 = arith.constant 6 : i32
    %dma_wait3A_1372 = arith.constant 0 : i32
    %dma_wait3A_1373 = arith.constant 0 : i32
    %dma_wait3A_1374 = tpu.memref_slice %arg6[%dma_wait3A_1371, %dma_wait3A_1372, %dma_wait3A_1373] : memref<7x16x1024xf32, #tpu.memory_space<vmem>> -> memref<1x16x1024xf32, #tpu.memory_space<vmem>>
    %dma_wait3A_1375 = tpu.memref_squeeze %dma_wait3A_1374 : memref<1x16x1024xf32, #tpu.memory_space<vmem>> -> memref<16x1024xf32, #tpu.memory_space<vmem>>
    %dma_wait3A_1376 = arith.constant 432 : i32
    %dma_wait3A_1377 = tpu.memref_slice %arg5[%dma_wait3A_1376] : memref<512xi32, #tpu.memory_space<vmem>> -> memref<16xi32, #tpu.memory_space<vmem>>
    %dma_wait3A_1378 = arith.constant 0 : i32
    %dma_wait3A_1379 = arith.constant 0 : i32
    %dma_wait3A_1380 = tpu.memref_slice %arg3[%dma_wait3A_1378, %dma_wait3A_1379] : memref<100000x1024xf32, #tpu.memory_space<hbm>> -> memref<100000x1024xf32, #tpu.memory_space<hbm>>
    tpu.wait_indirect_dma semaphore(%arg13 : memref<!tpu.dma_semaphore, #tpu.memory_space<semaphore_mem>>) src(%dma_wait3A_1380 : memref<100000x1024xf32, #tpu.memory_space<hbm>>) dst(%dma_wait3A_1375 : memref<16x1024xf32, #tpu.memory_space<vmem>>)
    %add3A_1381 = arith.constant 432 : i32
    %add3A_1382 = arith.addi %mul3A_2, %add3A_1381 : i32
    %dma_start3A_1383 = arith.constant 6 : i32
    %dma_start3A_1384 = arith.constant 0 : i32
    %dma_start3A_1385 = arith.constant 0 : i32
    %dma_start3A_1386 = tpu.memref_slice %arg6[%dma_start3A_1383, %dma_start3A_1384, %dma_start3A_1385] : memref<7x16x1024xf32, #tpu.memory_space<vmem>> -> memref<1x16x1024xf32, #tpu.memory_space<vmem>>
    %dma_start3A_1387 = tpu.memref_squeeze %dma_start3A_1386 : memref<1x16x1024xf32, #tpu.memory_space<vmem>> -> memref<16x1024xf32, #tpu.memory_space<vmem>>
    %dma_start3A_1388 = arith.constant 0 : i32
    %dma_start3A_1389 = tpu.memref_slice %arg4[%add3A_1382, %dma_start3A_1388] : memref<16384x1024xf32, #tpu.memory_space<hbm>> -> memref<16x1024xf32, #tpu.memory_space<hbm>>
    %dma_start3A_1390 = arith.constant 0 : i32
    %dma_start3A_1391 = tpu.memref_slice %arg4[%add3A_1382, %dma_start3A_1390] : memref<16384x1024xf32, #tpu.memory_space<hbm>> -> memref<16x1024xf32, #tpu.memory_space<hbm>>
    %dma_start3A_1392 = arith.constant 0 : i32
    %dma_start3A_1393 = arith.constant 0 : i32
    %dma_start3A_1394 = tpu.memref_slice %arg6[%dma_start3A_1383, %dma_start3A_1392, %dma_start3A_1393] : memref<7x16x1024xf32, #tpu.memory_space<vmem>> -> memref<1x16x1024xf32, #tpu.memory_space<vmem>>
    %dma_start3A_1395 = tpu.memref_squeeze %dma_start3A_1394 : memref<1x16x1024xf32, #tpu.memory_space<vmem>> -> memref<16x1024xf32, #tpu.memory_space<vmem>>
    tpu.enqueue_dma source(%dma_start3A_1395 : memref<16x1024xf32, #tpu.memory_space<vmem>>) target(%dma_start3A_1391 : memref<16x1024xf32, #tpu.memory_space<hbm>>) target_semaphore(%arg20 : memref<!tpu.dma_semaphore, #tpu.memory_space<semaphore_mem>>)
    %dma_wait3A_1396 = arith.constant 0 : i32
    %dma_wait3A_1397 = arith.constant 0 : i32
    %dma_wait3A_1398 = arith.constant 0 : i32
    %dma_wait3A_1399 = tpu.memref_slice %arg6[%dma_wait3A_1396, %dma_wait3A_1397, %dma_wait3A_1398] : memref<7x16x1024xf32, #tpu.memory_space<vmem>> -> memref<1x16x1024xf32, #tpu.memory_space<vmem>>
    %dma_wait3A_1400 = tpu.memref_squeeze %dma_wait3A_1399 : memref<1x16x1024xf32, #tpu.memory_space<vmem>> -> memref<16x1024xf32, #tpu.memory_space<vmem>>
    %dma_wait3A_1401 = arith.constant 448 : i32
    %dma_wait3A_1402 = tpu.memref_slice %arg5[%dma_wait3A_1401] : memref<512xi32, #tpu.memory_space<vmem>> -> memref<16xi32, #tpu.memory_space<vmem>>
    %dma_wait3A_1403 = arith.constant 0 : i32
    %dma_wait3A_1404 = arith.constant 0 : i32
    %dma_wait3A_1405 = tpu.memref_slice %arg3[%dma_wait3A_1403, %dma_wait3A_1404] : memref<100000x1024xf32, #tpu.memory_space<hbm>> -> memref<100000x1024xf32, #tpu.memory_space<hbm>>
    tpu.wait_indirect_dma semaphore(%arg7 : memref<!tpu.dma_semaphore, #tpu.memory_space<semaphore_mem>>) src(%dma_wait3A_1405 : memref<100000x1024xf32, #tpu.memory_space<hbm>>) dst(%dma_wait3A_1400 : memref<16x1024xf32, #tpu.memory_space<vmem>>)
    %add3A_1406 = arith.constant 448 : i32
    %add3A_1407 = arith.addi %mul3A_2, %add3A_1406 : i32
    %dma_start3A_1408 = arith.constant 0 : i32
    %dma_start3A_1409 = arith.constant 0 : i32
    %dma_start3A_1410 = arith.constant 0 : i32
    %dma_start3A_1411 = tpu.memref_slice %arg6[%dma_start3A_1408, %dma_start3A_1409, %dma_start3A_1410] : memref<7x16x1024xf32, #tpu.memory_space<vmem>> -> memref<1x16x1024xf32, #tpu.memory_space<vmem>>
    %dma_start3A_1412 = tpu.memref_squeeze %dma_start3A_1411 : memref<1x16x1024xf32, #tpu.memory_space<vmem>> -> memref<16x1024xf32, #tpu.memory_space<vmem>>
    %dma_start3A_1413 = arith.constant 0 : i32
    %dma_start3A_1414 = tpu.memref_slice %arg4[%add3A_1407, %dma_start3A_1413] : memref<16384x1024xf32, #tpu.memory_space<hbm>> -> memref<16x1024xf32, #tpu.memory_space<hbm>>
    %dma_start3A_1415 = arith.constant 0 : i32
    %dma_start3A_1416 = tpu.memref_slice %arg4[%add3A_1407, %dma_start3A_1415] : memref<16384x1024xf32, #tpu.memory_space<hbm>> -> memref<16x1024xf32, #tpu.memory_space<hbm>>
    %dma_start3A_1417 = arith.constant 0 : i32
    %dma_start3A_1418 = arith.constant 0 : i32
    %dma_start3A_1419 = tpu.memref_slice %arg6[%dma_start3A_1408, %dma_start3A_1417, %dma_start3A_1418] : memref<7x16x1024xf32, #tpu.memory_space<vmem>> -> memref<1x16x1024xf32, #tpu.memory_space<vmem>>
    %dma_start3A_1420 = tpu.memref_squeeze %dma_start3A_1419 : memref<1x16x1024xf32, #tpu.memory_space<vmem>> -> memref<16x1024xf32, #tpu.memory_space<vmem>>
    tpu.enqueue_dma source(%dma_start3A_1420 : memref<16x1024xf32, #tpu.memory_space<vmem>>) target(%dma_start3A_1416 : memref<16x1024xf32, #tpu.memory_space<hbm>>) target_semaphore(%arg14 : memref<!tpu.dma_semaphore, #tpu.memory_space<semaphore_mem>>)
    %dma_wait3A_1421 = arith.constant 1 : i32
    %dma_wait3A_1422 = arith.constant 0 : i32
    %dma_wait3A_1423 = arith.constant 0 : i32
    %dma_wait3A_1424 = tpu.memref_slice %arg6[%dma_wait3A_1421, %dma_wait3A_1422, %dma_wait3A_1423] : memref<7x16x1024xf32, #tpu.memory_space<vmem>> -> memref<1x16x1024xf32, #tpu.memory_space<vmem>>
    %dma_wait3A_1425 = tpu.memref_squeeze %dma_wait3A_1424 : memref<1x16x1024xf32, #tpu.memory_space<vmem>> -> memref<16x1024xf32, #tpu.memory_space<vmem>>
    %dma_wait3A_1426 = arith.constant 464 : i32
    %dma_wait3A_1427 = tpu.memref_slice %arg5[%dma_wait3A_1426] : memref<512xi32, #tpu.memory_space<vmem>> -> memref<16xi32, #tpu.memory_space<vmem>>
    %dma_wait3A_1428 = arith.constant 0 : i32
    %dma_wait3A_1429 = arith.constant 0 : i32
    %dma_wait3A_1430 = tpu.memref_slice %arg3[%dma_wait3A_1428, %dma_wait3A_1429] : memref<100000x1024xf32, #tpu.memory_space<hbm>> -> memref<100000x1024xf32, #tpu.memory_space<hbm>>
    tpu.wait_indirect_dma semaphore(%arg8 : memref<!tpu.dma_semaphore, #tpu.memory_space<semaphore_mem>>) src(%dma_wait3A_1430 : memref<100000x1024xf32, #tpu.memory_space<hbm>>) dst(%dma_wait3A_1425 : memref<16x1024xf32, #tpu.memory_space<vmem>>)
    %add3A_1431 = arith.constant 464 : i32
    %add3A_1432 = arith.addi %mul3A_2, %add3A_1431 : i32
    %dma_start3A_1433 = arith.constant 1 : i32
    %dma_start3A_1434 = arith.constant 0 : i32
    %dma_start3A_1435 = arith.constant 0 : i32
    %dma_start3A_1436 = tpu.memref_slice %arg6[%dma_start3A_1433, %dma_start3A_1434, %dma_start3A_1435] : memref<7x16x1024xf32, #tpu.memory_space<vmem>> -> memref<1x16x1024xf32, #tpu.memory_space<vmem>>
    %dma_start3A_1437 = tpu.memref_squeeze %dma_start3A_1436 : memref<1x16x1024xf32, #tpu.memory_space<vmem>> -> memref<16x1024xf32, #tpu.memory_space<vmem>>
    %dma_start3A_1438 = arith.constant 0 : i32
    %dma_start3A_1439 = tpu.memref_slice %arg4[%add3A_1432, %dma_start3A_1438] : memref<16384x1024xf32, #tpu.memory_space<hbm>> -> memref<16x1024xf32, #tpu.memory_space<hbm>>
    %dma_start3A_1440 = arith.constant 0 : i32
    %dma_start3A_1441 = tpu.memref_slice %arg4[%add3A_1432, %dma_start3A_1440] : memref<16384x1024xf32, #tpu.memory_space<hbm>> -> memref<16x1024xf32, #tpu.memory_space<hbm>>
    %dma_start3A_1442 = arith.constant 0 : i32
    %dma_start3A_1443 = arith.constant 0 : i32
    %dma_start3A_1444 = tpu.memref_slice %arg6[%dma_start3A_1433, %dma_start3A_1442, %dma_start3A_1443] : memref<7x16x1024xf32, #tpu.memory_space<vmem>> -> memref<1x16x1024xf32, #tpu.memory_space<vmem>>
    %dma_start3A_1445 = tpu.memref_squeeze %dma_start3A_1444 : memref<1x16x1024xf32, #tpu.memory_space<vmem>> -> memref<16x1024xf32, #tpu.memory_space<vmem>>
    tpu.enqueue_dma source(%dma_start3A_1445 : memref<16x1024xf32, #tpu.memory_space<vmem>>) target(%dma_start3A_1441 : memref<16x1024xf32, #tpu.memory_space<hbm>>) target_semaphore(%arg15 : memref<!tpu.dma_semaphore, #tpu.memory_space<semaphore_mem>>)
    %dma_wait3A_1446 = arith.constant 2 : i32
    %dma_wait3A_1447 = arith.constant 0 : i32
    %dma_wait3A_1448 = arith.constant 0 : i32
    %dma_wait3A_1449 = tpu.memref_slice %arg6[%dma_wait3A_1446, %dma_wait3A_1447, %dma_wait3A_1448] : memref<7x16x1024xf32, #tpu.memory_space<vmem>> -> memref<1x16x1024xf32, #tpu.memory_space<vmem>>
    %dma_wait3A_1450 = tpu.memref_squeeze %dma_wait3A_1449 : memref<1x16x1024xf32, #tpu.memory_space<vmem>> -> memref<16x1024xf32, #tpu.memory_space<vmem>>
    %dma_wait3A_1451 = arith.constant 480 : i32
    %dma_wait3A_1452 = tpu.memref_slice %arg5[%dma_wait3A_1451] : memref<512xi32, #tpu.memory_space<vmem>> -> memref<16xi32, #tpu.memory_space<vmem>>
    %dma_wait3A_1453 = arith.constant 0 : i32
    %dma_wait3A_1454 = arith.constant 0 : i32
    %dma_wait3A_1455 = tpu.memref_slice %arg3[%dma_wait3A_1453, %dma_wait3A_1454] : memref<100000x1024xf32, #tpu.memory_space<hbm>> -> memref<100000x1024xf32, #tpu.memory_space<hbm>>
    tpu.wait_indirect_dma semaphore(%arg9 : memref<!tpu.dma_semaphore, #tpu.memory_space<semaphore_mem>>) src(%dma_wait3A_1455 : memref<100000x1024xf32, #tpu.memory_space<hbm>>) dst(%dma_wait3A_1450 : memref<16x1024xf32, #tpu.memory_space<vmem>>)
    %add3A_1456 = arith.constant 480 : i32
    %add3A_1457 = arith.addi %mul3A_2, %add3A_1456 : i32
    %dma_start3A_1458 = arith.constant 2 : i32
    %dma_start3A_1459 = arith.constant 0 : i32
    %dma_start3A_1460 = arith.constant 0 : i32
    %dma_start3A_1461 = tpu.memref_slice %arg6[%dma_start3A_1458, %dma_start3A_1459, %dma_start3A_1460] : memref<7x16x1024xf32, #tpu.memory_space<vmem>> -> memref<1x16x1024xf32, #tpu.memory_space<vmem>>
    %dma_start3A_1462 = tpu.memref_squeeze %dma_start3A_1461 : memref<1x16x1024xf32, #tpu.memory_space<vmem>> -> memref<16x1024xf32, #tpu.memory_space<vmem>>
    %dma_start3A_1463 = arith.constant 0 : i32
    %dma_start3A_1464 = tpu.memref_slice %arg4[%add3A_1457, %dma_start3A_1463] : memref<16384x1024xf32, #tpu.memory_space<hbm>> -> memref<16x1024xf32, #tpu.memory_space<hbm>>
    %dma_start3A_1465 = arith.constant 0 : i32
    %dma_start3A_1466 = tpu.memref_slice %arg4[%add3A_1457, %dma_start3A_1465] : memref<16384x1024xf32, #tpu.memory_space<hbm>> -> memref<16x1024xf32, #tpu.memory_space<hbm>>
    %dma_start3A_1467 = arith.constant 0 : i32
    %dma_start3A_1468 = arith.constant 0 : i32
    %dma_start3A_1469 = tpu.memref_slice %arg6[%dma_start3A_1458, %dma_start3A_1467, %dma_start3A_1468] : memref<7x16x1024xf32, #tpu.memory_space<vmem>> -> memref<1x16x1024xf32, #tpu.memory_space<vmem>>
    %dma_start3A_1470 = tpu.memref_squeeze %dma_start3A_1469 : memref<1x16x1024xf32, #tpu.memory_space<vmem>> -> memref<16x1024xf32, #tpu.memory_space<vmem>>
    tpu.enqueue_dma source(%dma_start3A_1470 : memref<16x1024xf32, #tpu.memory_space<vmem>>) target(%dma_start3A_1466 : memref<16x1024xf32, #tpu.memory_space<hbm>>) target_semaphore(%arg16 : memref<!tpu.dma_semaphore, #tpu.memory_space<semaphore_mem>>)
    %dma_wait3A_1471 = arith.constant 3 : i32
    %dma_wait3A_1472 = arith.constant 0 : i32
    %dma_wait3A_1473 = arith.constant 0 : i32
    %dma_wait3A_1474 = tpu.memref_slice %arg6[%dma_wait3A_1471, %dma_wait3A_1472, %dma_wait3A_1473] : memref<7x16x1024xf32, #tpu.memory_space<vmem>> -> memref<1x16x1024xf32, #tpu.memory_space<vmem>>
    %dma_wait3A_1475 = tpu.memref_squeeze %dma_wait3A_1474 : memref<1x16x1024xf32, #tpu.memory_space<vmem>> -> memref<16x1024xf32, #tpu.memory_space<vmem>>
    %dma_wait3A_1476 = arith.constant 496 : i32
    %dma_wait3A_1477 = tpu.memref_slice %arg5[%dma_wait3A_1476] : memref<512xi32, #tpu.memory_space<vmem>> -> memref<16xi32, #tpu.memory_space<vmem>>
    %dma_wait3A_1478 = arith.constant 0 : i32
    %dma_wait3A_1479 = arith.constant 0 : i32
    %dma_wait3A_1480 = tpu.memref_slice %arg3[%dma_wait3A_1478, %dma_wait3A_1479] : memref<100000x1024xf32, #tpu.memory_space<hbm>> -> memref<100000x1024xf32, #tpu.memory_space<hbm>>
    tpu.wait_indirect_dma semaphore(%arg10 : memref<!tpu.dma_semaphore, #tpu.memory_space<semaphore_mem>>) src(%dma_wait3A_1480 : memref<100000x1024xf32, #tpu.memory_space<hbm>>) dst(%dma_wait3A_1475 : memref<16x1024xf32, #tpu.memory_space<vmem>>)
    %add3A_1481 = arith.constant 496 : i32
    %add3A_1482 = arith.addi %mul3A_2, %add3A_1481 : i32
    %dma_start3A_1483 = arith.constant 3 : i32
    %dma_start3A_1484 = arith.constant 0 : i32
    %dma_start3A_1485 = arith.constant 0 : i32
    %dma_start3A_1486 = tpu.memref_slice %arg6[%dma_start3A_1483, %dma_start3A_1484, %dma_start3A_1485] : memref<7x16x1024xf32, #tpu.memory_space<vmem>> -> memref<1x16x1024xf32, #tpu.memory_space<vmem>>
    %dma_start3A_1487 = tpu.memref_squeeze %dma_start3A_1486 : memref<1x16x1024xf32, #tpu.memory_space<vmem>> -> memref<16x1024xf32, #tpu.memory_space<vmem>>
    %dma_start3A_1488 = arith.constant 0 : i32
    %dma_start3A_1489 = tpu.memref_slice %arg4[%add3A_1482, %dma_start3A_1488] : memref<16384x1024xf32, #tpu.memory_space<hbm>> -> memref<16x1024xf32, #tpu.memory_space<hbm>>
    %dma_start3A_1490 = arith.constant 0 : i32
    %dma_start3A_1491 = tpu.memref_slice %arg4[%add3A_1482, %dma_start3A_1490] : memref<16384x1024xf32, #tpu.memory_space<hbm>> -> memref<16x1024xf32, #tpu.memory_space<hbm>>
    %dma_start3A_1492 = arith.constant 0 : i32
    %dma_start3A_1493 = arith.constant 0 : i32
    %dma_start3A_1494 = tpu.memref_slice %arg6[%dma_start3A_1483, %dma_start3A_1492, %dma_start3A_1493] : memref<7x16x1024xf32, #tpu.memory_space<vmem>> -> memref<1x16x1024xf32, #tpu.memory_space<vmem>>
    %dma_start3A_1495 = tpu.memref_squeeze %dma_start3A_1494 : memref<1x16x1024xf32, #tpu.memory_space<vmem>> -> memref<16x1024xf32, #tpu.memory_space<vmem>>
    tpu.enqueue_dma source(%dma_start3A_1495 : memref<16x1024xf32, #tpu.memory_space<vmem>>) target(%dma_start3A_1491 : memref<16x1024xf32, #tpu.memory_space<hbm>>) target_semaphore(%arg17 : memref<!tpu.dma_semaphore, #tpu.memory_space<semaphore_mem>>)
    %add3A_1496 = arith.constant 400 : i32
    %add3A_1497 = arith.addi %mul3A_2, %add3A_1496 : i32
    %dma_wait3A_1498 = arith.constant 4 : i32
    %dma_wait3A_1499 = arith.constant 0 : i32
    %dma_wait3A_1500 = arith.constant 0 : i32
    %dma_wait3A_1501 = tpu.memref_slice %arg6[%dma_wait3A_1498, %dma_wait3A_1499, %dma_wait3A_1500] : memref<7x16x1024xf32, #tpu.memory_space<vmem>> -> memref<1x16x1024xf32, #tpu.memory_space<vmem>>
    %dma_wait3A_1502 = tpu.memref_squeeze %dma_wait3A_1501 : memref<1x16x1024xf32, #tpu.memory_space<vmem>> -> memref<16x1024xf32, #tpu.memory_space<vmem>>
    %dma_wait3A_1503 = arith.constant 0 : i32
    %dma_wait3A_1504 = tpu.memref_slice %arg4[%add3A_1497, %dma_wait3A_1503] : memref<16384x1024xf32, #tpu.memory_space<hbm>> -> memref<16x1024xf32, #tpu.memory_space<hbm>>
    %dma_wait3A_1505 = arith.constant 0 : i32
    %dma_wait3A_1506 = tpu.memref_slice %arg4[%add3A_1497, %dma_wait3A_1505] : memref<16384x1024xf32, #tpu.memory_space<hbm>> -> memref<16x1024xf32, #tpu.memory_space<hbm>>
    %dma_wait3A_1507 = arith.constant 0 : i32
    %dma_wait3A_1508 = arith.constant 0 : i32
    %dma_wait3A_1509 = tpu.memref_slice %arg6[%dma_wait3A_1498, %dma_wait3A_1507, %dma_wait3A_1508] : memref<7x16x1024xf32, #tpu.memory_space<vmem>> -> memref<1x16x1024xf32, #tpu.memory_space<vmem>>
    %dma_wait3A_1510 = tpu.memref_squeeze %dma_wait3A_1509 : memref<1x16x1024xf32, #tpu.memory_space<vmem>> -> memref<16x1024xf32, #tpu.memory_space<vmem>>
    tpu.wait_dma2 semaphore(%arg18 : memref<!tpu.dma_semaphore, #tpu.memory_space<semaphore_mem>>) src(%dma_wait3A_1510 : memref<16x1024xf32, #tpu.memory_space<vmem>>) dst(%dma_wait3A_1506 : memref<16x1024xf32, #tpu.memory_space<hbm>>)
    %add3A_1511 = arith.constant 416 : i32
    %add3A_1512 = arith.addi %mul3A_2, %add3A_1511 : i32
    %dma_wait3A_1513 = arith.constant 5 : i32
    %dma_wait3A_1514 = arith.constant 0 : i32
    %dma_wait3A_1515 = arith.constant 0 : i32
    %dma_wait3A_1516 = tpu.memref_slice %arg6[%dma_wait3A_1513, %dma_wait3A_1514, %dma_wait3A_1515] : memref<7x16x1024xf32, #tpu.memory_space<vmem>> -> memref<1x16x1024xf32, #tpu.memory_space<vmem>>
    %dma_wait3A_1517 = tpu.memref_squeeze %dma_wait3A_1516 : memref<1x16x1024xf32, #tpu.memory_space<vmem>> -> memref<16x1024xf32, #tpu.memory_space<vmem>>
    %dma_wait3A_1518 = arith.constant 0 : i32
    %dma_wait3A_1519 = tpu.memref_slice %arg4[%add3A_1512, %dma_wait3A_1518] : memref<16384x1024xf32, #tpu.memory_space<hbm>> -> memref<16x1024xf32, #tpu.memory_space<hbm>>
    %dma_wait3A_1520 = arith.constant 0 : i32
    %dma_wait3A_1521 = tpu.memref_slice %arg4[%add3A_1512, %dma_wait3A_1520] : memref<16384x1024xf32, #tpu.memory_space<hbm>> -> memref<16x1024xf32, #tpu.memory_space<hbm>>
    %dma_wait3A_1522 = arith.constant 0 : i32
    %dma_wait3A_1523 = arith.constant 0 : i32
    %dma_wait3A_1524 = tpu.memref_slice %arg6[%dma_wait3A_1513, %dma_wait3A_1522, %dma_wait3A_1523] : memref<7x16x1024xf32, #tpu.memory_space<vmem>> -> memref<1x16x1024xf32, #tpu.memory_space<vmem>>
    %dma_wait3A_1525 = tpu.memref_squeeze %dma_wait3A_1524 : memref<1x16x1024xf32, #tpu.memory_space<vmem>> -> memref<16x1024xf32, #tpu.memory_space<vmem>>
    tpu.wait_dma2 semaphore(%arg19 : memref<!tpu.dma_semaphore, #tpu.memory_space<semaphore_mem>>) src(%dma_wait3A_1525 : memref<16x1024xf32, #tpu.memory_space<vmem>>) dst(%dma_wait3A_1521 : memref<16x1024xf32, #tpu.memory_space<hbm>>)
    %add3A_1526 = arith.constant 432 : i32
    %add3A_1527 = arith.addi %mul3A_2, %add3A_1526 : i32
    %dma_wait3A_1528 = arith.constant 6 : i32
    %dma_wait3A_1529 = arith.constant 0 : i32
    %dma_wait3A_1530 = arith.constant 0 : i32
    %dma_wait3A_1531 = tpu.memref_slice %arg6[%dma_wait3A_1528, %dma_wait3A_1529, %dma_wait3A_1530] : memref<7x16x1024xf32, #tpu.memory_space<vmem>> -> memref<1x16x1024xf32, #tpu.memory_space<vmem>>
    %dma_wait3A_1532 = tpu.memref_squeeze %dma_wait3A_1531 : memref<1x16x1024xf32, #tpu.memory_space<vmem>> -> memref<16x1024xf32, #tpu.memory_space<vmem>>
    %dma_wait3A_1533 = arith.constant 0 : i32
    %dma_wait3A_1534 = tpu.memref_slice %arg4[%add3A_1527, %dma_wait3A_1533] : memref<16384x1024xf32, #tpu.memory_space<hbm>> -> memref<16x1024xf32, #tpu.memory_space<hbm>>
    %dma_wait3A_1535 = arith.constant 0 : i32
    %dma_wait3A_1536 = tpu.memref_slice %arg4[%add3A_1527, %dma_wait3A_1535] : memref<16384x1024xf32, #tpu.memory_space<hbm>> -> memref<16x1024xf32, #tpu.memory_space<hbm>>
    %dma_wait3A_1537 = arith.constant 0 : i32
    %dma_wait3A_1538 = arith.constant 0 : i32
    %dma_wait3A_1539 = tpu.memref_slice %arg6[%dma_wait3A_1528, %dma_wait3A_1537, %dma_wait3A_1538] : memref<7x16x1024xf32, #tpu.memory_space<vmem>> -> memref<1x16x1024xf32, #tpu.memory_space<vmem>>
    %dma_wait3A_1540 = tpu.memref_squeeze %dma_wait3A_1539 : memref<1x16x1024xf32, #tpu.memory_space<vmem>> -> memref<16x1024xf32, #tpu.memory_space<vmem>>
    tpu.wait_dma2 semaphore(%arg20 : memref<!tpu.dma_semaphore, #tpu.memory_space<semaphore_mem>>) src(%dma_wait3A_1540 : memref<16x1024xf32, #tpu.memory_space<vmem>>) dst(%dma_wait3A_1536 : memref<16x1024xf32, #tpu.memory_space<hbm>>)
    %add3A_1541 = arith.constant 448 : i32
    %add3A_1542 = arith.addi %mul3A_2, %add3A_1541 : i32
    %dma_wait3A_1543 = arith.constant 0 : i32
    %dma_wait3A_1544 = arith.constant 0 : i32
    %dma_wait3A_1545 = arith.constant 0 : i32
    %dma_wait3A_1546 = tpu.memref_slice %arg6[%dma_wait3A_1543, %dma_wait3A_1544, %dma_wait3A_1545] : memref<7x16x1024xf32, #tpu.memory_space<vmem>> -> memref<1x16x1024xf32, #tpu.memory_space<vmem>>
    %dma_wait3A_1547 = tpu.memref_squeeze %dma_wait3A_1546 : memref<1x16x1024xf32, #tpu.memory_space<vmem>> -> memref<16x1024xf32, #tpu.memory_space<vmem>>
    %dma_wait3A_1548 = arith.constant 0 : i32
    %dma_wait3A_1549 = tpu.memref_slice %arg4[%add3A_1542, %dma_wait3A_1548] : memref<16384x1024xf32, #tpu.memory_space<hbm>> -> memref<16x1024xf32, #tpu.memory_space<hbm>>
    %dma_wait3A_1550 = arith.constant 0 : i32
    %dma_wait3A_1551 = tpu.memref_slice %arg4[%add3A_1542, %dma_wait3A_1550] : memref<16384x1024xf32, #tpu.memory_space<hbm>> -> memref<16x1024xf32, #tpu.memory_space<hbm>>
    %dma_wait3A_1552 = arith.constant 0 : i32
    %dma_wait3A_1553 = arith.constant 0 : i32
    %dma_wait3A_1554 = tpu.memref_slice %arg6[%dma_wait3A_1543, %dma_wait3A_1552, %dma_wait3A_1553] : memref<7x16x1024xf32, #tpu.memory_space<vmem>> -> memref<1x16x1024xf32, #tpu.memory_space<vmem>>
    %dma_wait3A_1555 = tpu.memref_squeeze %dma_wait3A_1554 : memref<1x16x1024xf32, #tpu.memory_space<vmem>> -> memref<16x1024xf32, #tpu.memory_space<vmem>>
    tpu.wait_dma2 semaphore(%arg14 : memref<!tpu.dma_semaphore, #tpu.memory_space<semaphore_mem>>) src(%dma_wait3A_1555 : memref<16x1024xf32, #tpu.memory_space<vmem>>) dst(%dma_wait3A_1551 : memref<16x1024xf32, #tpu.memory_space<hbm>>)
    %add3A_1556 = arith.constant 464 : i32
    %add3A_1557 = arith.addi %mul3A_2, %add3A_1556 : i32
    %dma_wait3A_1558 = arith.constant 1 : i32
    %dma_wait3A_1559 = arith.constant 0 : i32
    %dma_wait3A_1560 = arith.constant 0 : i32
    %dma_wait3A_1561 = tpu.memref_slice %arg6[%dma_wait3A_1558, %dma_wait3A_1559, %dma_wait3A_1560] : memref<7x16x1024xf32, #tpu.memory_space<vmem>> -> memref<1x16x1024xf32, #tpu.memory_space<vmem>>
    %dma_wait3A_1562 = tpu.memref_squeeze %dma_wait3A_1561 : memref<1x16x1024xf32, #tpu.memory_space<vmem>> -> memref<16x1024xf32, #tpu.memory_space<vmem>>
    %dma_wait3A_1563 = arith.constant 0 : i32
    %dma_wait3A_1564 = tpu.memref_slice %arg4[%add3A_1557, %dma_wait3A_1563] : memref<16384x1024xf32, #tpu.memory_space<hbm>> -> memref<16x1024xf32, #tpu.memory_space<hbm>>
    %dma_wait3A_1565 = arith.constant 0 : i32
    %dma_wait3A_1566 = tpu.memref_slice %arg4[%add3A_1557, %dma_wait3A_1565] : memref<16384x1024xf32, #tpu.memory_space<hbm>> -> memref<16x1024xf32, #tpu.memory_space<hbm>>
    %dma_wait3A_1567 = arith.constant 0 : i32
    %dma_wait3A_1568 = arith.constant 0 : i32
    %dma_wait3A_1569 = tpu.memref_slice %arg6[%dma_wait3A_1558, %dma_wait3A_1567, %dma_wait3A_1568] : memref<7x16x1024xf32, #tpu.memory_space<vmem>> -> memref<1x16x1024xf32, #tpu.memory_space<vmem>>
    %dma_wait3A_1570 = tpu.memref_squeeze %dma_wait3A_1569 : memref<1x16x1024xf32, #tpu.memory_space<vmem>> -> memref<16x1024xf32, #tpu.memory_space<vmem>>
    tpu.wait_dma2 semaphore(%arg15 : memref<!tpu.dma_semaphore, #tpu.memory_space<semaphore_mem>>) src(%dma_wait3A_1570 : memref<16x1024xf32, #tpu.memory_space<vmem>>) dst(%dma_wait3A_1566 : memref<16x1024xf32, #tpu.memory_space<hbm>>)
    %add3A_1571 = arith.constant 480 : i32
    %add3A_1572 = arith.addi %mul3A_2, %add3A_1571 : i32
    %dma_wait3A_1573 = arith.constant 2 : i32
    %dma_wait3A_1574 = arith.constant 0 : i32
    %dma_wait3A_1575 = arith.constant 0 : i32
    %dma_wait3A_1576 = tpu.memref_slice %arg6[%dma_wait3A_1573, %dma_wait3A_1574, %dma_wait3A_1575] : memref<7x16x1024xf32, #tpu.memory_space<vmem>> -> memref<1x16x1024xf32, #tpu.memory_space<vmem>>
    %dma_wait3A_1577 = tpu.memref_squeeze %dma_wait3A_1576 : memref<1x16x1024xf32, #tpu.memory_space<vmem>> -> memref<16x1024xf32, #tpu.memory_space<vmem>>
    %dma_wait3A_1578 = arith.constant 0 : i32
    %dma_wait3A_1579 = tpu.memref_slice %arg4[%add3A_1572, %dma_wait3A_1578] : memref<16384x1024xf32, #tpu.memory_space<hbm>> -> memref<16x1024xf32, #tpu.memory_space<hbm>>
    %dma_wait3A_1580 = arith.constant 0 : i32
    %dma_wait3A_1581 = tpu.memref_slice %arg4[%add3A_1572, %dma_wait3A_1580] : memref<16384x1024xf32, #tpu.memory_space<hbm>> -> memref<16x1024xf32, #tpu.memory_space<hbm>>
    %dma_wait3A_1582 = arith.constant 0 : i32
    %dma_wait3A_1583 = arith.constant 0 : i32
    %dma_wait3A_1584 = tpu.memref_slice %arg6[%dma_wait3A_1573, %dma_wait3A_1582, %dma_wait3A_1583] : memref<7x16x1024xf32, #tpu.memory_space<vmem>> -> memref<1x16x1024xf32, #tpu.memory_space<vmem>>
    %dma_wait3A_1585 = tpu.memref_squeeze %dma_wait3A_1584 : memref<1x16x1024xf32, #tpu.memory_space<vmem>> -> memref<16x1024xf32, #tpu.memory_space<vmem>>
    tpu.wait_dma2 semaphore(%arg16 : memref<!tpu.dma_semaphore, #tpu.memory_space<semaphore_mem>>) src(%dma_wait3A_1585 : memref<16x1024xf32, #tpu.memory_space<vmem>>) dst(%dma_wait3A_1581 : memref<16x1024xf32, #tpu.memory_space<hbm>>)
    %add3A_1586 = arith.constant 496 : i32
    %add3A_1587 = arith.addi %mul3A_2, %add3A_1586 : i32
    %dma_wait3A_1588 = arith.constant 3 : i32
    %dma_wait3A_1589 = arith.constant 0 : i32
    %dma_wait3A_1590 = arith.constant 0 : i32
    %dma_wait3A_1591 = tpu.memref_slice %arg6[%dma_wait3A_1588, %dma_wait3A_1589, %dma_wait3A_1590] : memref<7x16x1024xf32, #tpu.memory_space<vmem>> -> memref<1x16x1024xf32, #tpu.memory_space<vmem>>
    %dma_wait3A_1592 = tpu.memref_squeeze %dma_wait3A_1591 : memref<1x16x1024xf32, #tpu.memory_space<vmem>> -> memref<16x1024xf32, #tpu.memory_space<vmem>>
    %dma_wait3A_1593 = arith.constant 0 : i32
    %dma_wait3A_1594 = tpu.memref_slice %arg4[%add3A_1587, %dma_wait3A_1593] : memref<16384x1024xf32, #tpu.memory_space<hbm>> -> memref<16x1024xf32, #tpu.memory_space<hbm>>
    %dma_wait3A_1595 = arith.constant 0 : i32
    %dma_wait3A_1596 = tpu.memref_slice %arg4[%add3A_1587, %dma_wait3A_1595] : memref<16384x1024xf32, #tpu.memory_space<hbm>> -> memref<16x1024xf32, #tpu.memory_space<hbm>>
    %dma_wait3A_1597 = arith.constant 0 : i32
    %dma_wait3A_1598 = arith.constant 0 : i32
    %dma_wait3A_1599 = tpu.memref_slice %arg6[%dma_wait3A_1588, %dma_wait3A_1597, %dma_wait3A_1598] : memref<7x16x1024xf32, #tpu.memory_space<vmem>> -> memref<1x16x1024xf32, #tpu.memory_space<vmem>>
    %dma_wait3A_1600 = tpu.memref_squeeze %dma_wait3A_1599 : memref<1x16x1024xf32, #tpu.memory_space<vmem>> -> memref<16x1024xf32, #tpu.memory_space<vmem>>
    tpu.wait_dma2 semaphore(%arg17 : memref<!tpu.dma_semaphore, #tpu.memory_space<semaphore_mem>>) src(%dma_wait3A_1600 : memref<16x1024xf32, #tpu.memory_space<vmem>>) dst(%dma_wait3A_1596 : memref<16x1024xf32, #tpu.memory_space<hbm>>)
    return
  }
}

</mosaic_0001>

<sc_bundles>
// kernel: kernel.3.cloned.1.call-start
scs
__scs_entry_jumppad:
0x0: {  	(pc) =	sbr.rel $0x88, $3  }
0x1: {  	(tag) =	ssettag $0x0;
	lr =	simm.s32 $0x1  }
0x2: {  	[smem:$0x3F9F] =	sst lr;
	_ =	strace $0xD0000000  }
0x3: {  	_ = 	snop  }
0x4: {  	_ = 	snop  }
0x5: {  	_ = 	snop  }
0x6: {  	_ = 	snop  }
0x7: {  	_ = 	snop  }
__scs_overlays_trampoline_lowered:
0x8: {  	[smem:$0x3FAE] =	sst s0  }
0x9: {  	[smem:$0x3FAF] =	sst s1  }
0xa: {  	[smem:$0x3FB0] =	sst s2  }
0xb: {  	[smem:$0x3FB1] =	sst s3  }
0xc: {  	[smem:$0x3FB2] =	sst s4  }
0xd: {  	[smem:$0x3FB3] =	sst s5  }
0xe: {  	[smem:$0x3FB4] =	sst s6  }
0xf: {  	[smem:$0x3FB5] =	sst s7  }
0x10: {  	[smem:$0x3FB6] =	sst s8  }
0x11: {  	[smem:$0x3FB7] =	sst s9;
	s0 =	simm.s32 @!p0 $0x0  }
0x12: {  	s1 =	sld [smem:$0x3F9D];
	s0 =	simm.s32 @p0 $0x1  }
0x13: {  	[smem:$0x3FB8] =	sst s0;
	s0 =	simm.s32 @!p1 $0x0  }
0x14: {  	s2 =	sld [smem:$0x3F9C];
	s0 =	simm.s32 @p1 $0x1  }
0x15: {  	[smem:$0x3FB9] =	sst s0;
	s0 =	simm.s32 @!p2 $0x0  }
0x16: {  	s3 =	sld [smem:$0x3FDB];
	s0 =	simm.s32 @p2 $0x1  }
0x17: {  	s4 =	simm.s32 $0x1BF5;
	[smem:$0x3FBB] =	sst s0  }
0x18: {  	s0 =	sld [smem:$0x3F9E];
	_ =	swait.ge [sflag:s4], $0x0  }
0x19: {  	s7 =	sld [smem:$0x3F9F]  }
0x1a: {  	s8 =	sadd.s32 $0xFFFFE003, lr  }
0x1b: {  	s9 =	sadd.s32 $0xFFFFFEF7, lr;
	s5 =	simm.s32 $0xFFFFFFFF;
	p2 =	slt.u32 s8, $0xFFFFF086  }
0x1c: {  	p1 =	slt.u32 s9, $0xF7A;
	s5 =	simm.s32 @!p2 $0x0  }
0x1d: {  	s5 =	simm.s32 @p1 $0x1;
	p0 =	seq.s32 s7, s2  }
0x1e: {  	s7 =	smul.u32 @!p0 $0xF7A, s2;
	p2 =	seq.s32 @!p0 s5, $0x0  }
0x1f: {  	s9 =	smul.u32 $0xF7A, s1;
	s8 =	simm.s32 @!p0 $0x1BF5;
	p2 =	por !p2, p0  }
0x20: {  	[sflag:s8] =	ssyncset.s32 @!p0 $0xFFFFF086;
	s6 =	sadd.s32 @!p0 s3, s7;
	s7 =	simm.s32 @!p0 $0x108  }
0x21: {  	s3 =	sadd.s32 s3, s9;
	s6 =	sadd.s32 @!p0 $0x88, s6;
	s7 =	simm.s32 @p2 $0x1082  }
0x22: {  	[simem:s7], [sflag:s8] =	dma.local @!p0 [hbm:s6], $0xF7A  }
0x23: {  	s9 =	sor.u32 $0xD0000000, s2;
	s6 =	simm.s32 $0x108;
	_ =	swait.ge @!p0 [sflag:s8], $0x0  }
0x24: {  	s3 =	sadd.s32 $0x88, s3;
	s6 =	simm.s32 @!p1 $0x1082;
	[sflag:s4] =	ssyncset.s32 $0xFFFFF086  }
0x25: {  	[simem:s6], [sflag:s4] =	dma.local [hbm:s3], $0xF7A  }
0x26: {  	[smem:$0x3F9F] =	sst s1;
	(tag) =	ssettag s2;
	_ =	strace s9  }
0x27: {  	s1 =	sld [smem:$0x3FAF]  }
0x28: {  	s2 =	sld [smem:$0x3FB0]  }
0x29: {  	s4 =	sld [smem:$0x3FB2]  }
0x2a: {  	p0 =	seq.s32 s5, $0x0;
	s5 =	sld [smem:$0x3FB3]  }
0x2b: {  	s6 =	sld [smem:$0x3FB4]  }
0x2c: {  	s7 =	sld [smem:$0x3FB5]  }
0x2d: {  	s3 =	simm.s32 $0x108;
	s8 =	sld [smem:$0x3FB6]  }
0x2e: {  	s3 =	simm.s32 @!p0 $0x1082;
	s9 =	sld [smem:$0x3FB7]  }
0x2f: {  	lr =	sadd.s32 s0, s3;
	s0 =	sld [smem:$0x3FAE]  }
0x30: {  	s3 =	sld [smem:$0x3FB1]  }
0x31: {  	[smem:$0x3FBA] =	sst s10  }
0x32: {  	s10 =	sld [smem:$0x3FB8];
	_ =	sdelay $0x3  }
0x33: {  	p0 =	seq.s32 s10, $0x1;
	s10 =	sld [smem:$0x3FBA];
	_ =	sdelay $0x3  }
0x34: {  	[smem:$0x3FBA] =	sst s10  }
0x35: {  	s10 =	sld [smem:$0x3FB9];
	_ =	sdelay $0x3  }
0x36: {  	p1 =	seq.s32 s10, $0x1;
	s10 =	sld [smem:$0x3FBA];
	_ =	sdelay $0x3  }
0x37: {  	[smem:$0x3FBA] =	sst s10  }
0x38: {  	s10 =	sld [smem:$0x3FBB]  }
0x39: {  	_ = 	snop;
	(pc) =	sbr.ind lr, $3  }
0x3a: {  	_ = 	snop  }
0x3b: {  	_ = 	snop  }
0x3c: {  	p2 =	seq.s32 s10, $0x1;
	s10 =	sld [smem:$0x3FBA]  }
0x3d: {  	_ =	shalt  }
0x3e: {  	_ =	shalt  }
0x3f: {  	_ =	shalt  }
0x40: {  	_ =	shalt  }
0x41: {  	_ =	shalt  }
0x42: {  	_ =	shalt  }
0x43: {  	_ =	shalt  }
0x44: {  	_ =	shalt  }
0x45: {  	_ =	shalt  }
0x46: {  	_ =	shalt  }
0x47: {  	_ =	shalt  }
0x48: {  	_ =	shalt  }
0x49: {  	_ =	shalt  }
0x4a: {  	_ =	shalt  }
0x4b: {  	_ =	shalt  }
0x4c: {  	_ =	shalt  }
0x4d: {  	_ =	shalt  }
0x4e: {  	_ =	shalt  }
0x4f: {  	_ =	shalt  }
0x50: {  	_ =	shalt  }
0x51: {  	_ =	shalt  }
0x52: {  	_ =	shalt  }
0x53: {  	_ =	shalt  }
0x54: {  	_ =	shalt  }
0x55: {  	_ =	shalt  }
0x56: {  	_ =	shalt  }
0x57: {  	_ =	shalt  }
0x58: {  	_ =	shalt  }
0x59: {  	_ =	shalt  }
0x5a: {  	_ =	shalt  }
0x5b: {  	_ =	shalt  }
0x5c: {  	_ =	shalt  }
0x5d: {  	_ =	shalt  }
0x5e: {  	_ =	shalt  }
0x5f: {  	_ =	shalt  }
0x60: {  	_ =	shalt  }
0x61: {  	_ =	shalt  }
0x62: {  	_ =	shalt  }
0x63: {  	_ =	shalt  }
0x64: {  	_ =	shalt  }
0x65: {  	_ =	shalt  }
0x66: {  	_ =	shalt  }
0x67: {  	_ =	shalt  }
0x68: {  	_ =	shalt  }
0x69: {  	_ =	shalt  }
0x6a: {  	_ =	shalt  }
0x6b: {  	_ =	shalt  }
0x6c: {  	_ =	shalt  }
0x6d: {  	_ =	shalt  }
0x6e: {  	_ =	shalt  }
0x6f: {  	_ =	shalt  }
0x70: {  	_ =	shalt  }
0x71: {  	_ =	shalt  }
0x72: {  	_ =	shalt  }
0x73: {  	_ =	shalt  }
0x74: {  	_ =	shalt  }
0x75: {  	_ =	shalt  }
0x76: {  	_ =	shalt  }
0x77: {  	_ =	shalt  }
0x78: {  	_ =	shalt  }
0x79: {  	_ =	shalt  }
0x7a: {  	_ =	shalt  }
0x7b: {  	_ =	shalt  }
0x7c: {  	_ =	shalt  }
0x7d: {  	_ =	shalt  }
0x7e: {  	_ =	shalt  }
0x7f: {  	_ =	shalt  }
0x80: {  	_ =	shalt  }
0x81: {  	_ =	shalt  }
0x82: {  	_ =	shalt  }
0x83: {  	_ =	shalt  }
0x84: {  	_ =	shalt  }
0x85: {  	_ =	shalt  }
0x86: {  	_ =	shalt  }
0x87: {  	_ =	shalt  }
.Lfunc_end0:
.L_simem_size_0:
called_computation_lowered:
.L_overlay_start_0:
0x88: {  	s2 =	sld [smem:$0x3FD9]  }
0x89: {  	s3 =	sld [smem:$0x3FFE];
	_ =	sdelay $0x1  }
0x8a: {  	s1 =	srdreg.scid  }
0x8b: {  	s0 =	sand.u32 $0x1, s1  }
0x8c: {  	s17 =	sshll.u32 s0, $0xA;
	s2 =	sadd.s32 s3, s2  }
0x8d: {  	s2 =	sadd.s32 s2, s17  }
0x8e: {  	[smem:$0x3FC6] =	sst s2  }
0x8f: {  	_ = 	snop  }
0x90: {  	s2 =	sld [smem:$0x3FC8]  }
0x91: {  	s18 =	sld [smem:$0x3FD0];
	(tm) =	ssettm $0x1  }
0x92: {  	s4 =	sld [smem:$0x3FFB];
	_ =	sdelay $0x3  }
0x93: {  	_ =	strace s4  }
0x94: {  	s4 =	sld [smem:$0x3FFC];
	_ =	sdelay $0x3  }
0x95: {  	_ =	strace s4  }
0x96: {  	s4 =	sld [smem:$0x3FFD];
	_ =	sdelay $0x3  }
0x97: {  	_ =	strace s4  }
0x98: {  	_ =	strace $0x8FFFFFFF  }
0x99: {  	s19 =	sld [smem:$0x3FDB];
	_ =	sdelay $0x1  }
0x9a: {  	s5 =	simm.s32 $_scs_section_size  }
0x9b: {  	s6 =	simm.s32 $_size__tile_overlayer_lowered;
	s7 =	simm.s32 $_tile_overlayer_lowered  }
0x9c: {  	s22 =	simm.s32 $0x1BFF;
	s21 =	sshll.u32 s7, $0x1;
	s4 =	sadd.s32 s5, s19  }
0x9d: {  	s8 =	simm.s32 $0x0;
	s20 =	sshll.u32 s6, $0x1;
	s6 =	sadd.s32 s21, s4  }
0x9e: {  	[timem:s8], [sflag:s22] =	dma.local [hbm:s6], s20  }
0x9f: {  	_ =	swait.ge [sflag:s22], s20  }
0xa0: {  	s5 =	ssub.s32 $0x0, s20;
	[sflag:s22] =	ssyncset.done $0x0  }
0xa1: {  	[sflag:s22] =	ssyncadd.s32 s5;
	_ =	sdelay $0x1  }
0xa2: {  	s23 =	simm.s32 $0x1B8B  }
0xa3: {  	_ =	swait.ge [sflag:s23], $0x1  }
0xa4: {  	[sflag:s23] =	ssyncset.done $0x0  }
0xa5: {  	s25 =	simm.s32 $0x1B8E;
	s24 =	sld [smem:$0x3FFE];
	[sflag:s23] =	ssyncadd.s32 $0xFFFFFFFF  }
0xa6: {  	s26 =	simm.s32 $execute0_lowered;
	[smem:$0x3FD2] =	sst s25  }
0xa7: {  	s6 =	sshll.u32 s26, $0x1;
	_ =	strace $0x80000046;
	[dreg:$0x1] =	wrdreg $0xFFFFFFFF  }
0xa8: {  	s28 =	simm.s32 $_size_execute0_lowered;
	s4 =	sadd.s32 s4, s6;
	[dreg:$0x0] =	wrdreg $0x0  }
0xa9: {  	s6 =	sshll.u32 s28, $0x1;
	[dreg:$0x2] =	wrdreg s4  }
0xaa: {  	[dreg:$0x3] =	wrdreg s6  }
0xab: {  	[dreg:$0x4] =	wrdreg $0xC0  }
0xac: {  	_ =	task [dreg:s8], $0x5FFFF  }
0xad: {  	[dreg:$0x1] =	wrdreg $0xFFFFFFFF  }
0xae: {  	[dreg:$0x0] =	wrdreg $0x60  }
0xaf: {  	[dreg:$0x2] =	wrdreg s24  }
0xb0: {  	[dreg:$0x3] =	wrdreg s2  }
0xb1: {  	[dreg:$0x4] =	wrdreg s18  }
0xb2: {  	[dreg:$0x5] =	wrdreg $0x9  }
0xb3: {  	_ =	task.clear_ibuf [dreg:s8], $0x6FFFF;
	_ =	strace $0x90000046  }
0xb4: {  	s29 =	simm.s32 $0x9;
	_ =	strace $0x80000048  }
0xb5: {  	_ =	swait.ge [sflag:s29], $0x1  }
0xb6: {  	[sflag:s29] =	ssyncadd.s32 $0xFFFFFFFF  }
0xb7: {  	_ =	strace $0x90000048  }
0xb8: {  	_ =	sfence  }
0xb9: {  	s30 =	sld [smem:$0x0];
	_ =	sdelay $0x2  }
0xba: {  	s31 =	sshll.u32 s1, $0xD;
	s1 =	sshrl.u32 s1, $0x2  }
0xbb: {  	s3 =	sand.u32 $0x4000, s31;
	s1 =	sadd.s32 s1, s30  }
0xbc: {  	s0 =	sor.u32 s3, s0;
	s1 =	sshll.u32 s1, $0x11  }
0xbd: {  	s0 =	sor.u32 s1, s0  }
0xbe: {  	s0 =	sadd.s32 $0x8F2B, s0  }
0xbf: {  	[sflag:s0] =	ssyncadd.remote.s32 $0x1  }
0xc0: {  	_ =	sfence.sel $0xFFFF  }
0xc1: {  	[dreg:$0x0] =	wrdreg $0xFFFFFFFF;
	(pc) =	sbr.abs _section_cstart, $3  }
0xc2: {  	[dreg:$0x1] =	wrdreg $0xFFFFFFFF  }
0xc3: {  	_ =	task.clear_ibuf [dreg:s8], $0x2FFFF;
	_ =	strace $0x9FFFFFFF  }
0xc4: {  	(tm) =	ssettm $0x7FFFFFFF  }
0xc5: {  	_ =	shalt  }
tec
execute0_lowered:
.L_overlay_start_1:
0x0: {  	(tag) =	ssettag $0x1  }
0x1: {  	s0 =	srdreg.scid  }
0x2: {  	s1 =	rddreg [dreg:$0x0];
	s3 =	stileid.u32;
	s0 =	sand.u32 $0x1, s0  }
0x3: {  	s2 =	rddreg [dreg:$0x1];
	s3 =	sshll.u32 s3, $0xA;
	s4 =	sshll.u32 s0, $0x9  }
0x4: {  	s5 =	rddreg [dreg:$0x2];
	s4 =	sor.u32 s4, s3  }
0x5: {  	s3 =	simm.s32 $0x0;
	s6 =	sshrl.u32 s4, $0x3;
	s4 =	sshll.u32 s4, $0x7  }
0x6: {  	[smem:$0x7FF] =	sst s3;
	s1 =	sadd.s32 s6, s1;
	s6 =	sadd.s32 s5, s4  }
0x7: {  	_ =	strace $0x80000047;
	s1 =	sadd.s32 $0x400, s1;
	[smem:$0x7FC] =	sst s6  }
0x8: {  	s19 =	sadd.s32 $0x800, s6;
	[dreg:$0x4] =	wrdreg s1  }
0x9: {  	s20 =	sadd.s32 $0x1000, s6;
	[dreg:$0x5] =	wrdreg s19  }
0xa: {  	s21 =	sadd.s32 $0x1800, s6;
	[dreg:$0x6] =	wrdreg s20  }
0xb: {  	s22 =	sadd.s32 $0x2000, s6;
	[dreg:$0x7] =	wrdreg s21  }
0xc: {  	s23 =	sadd.s32 $0x2800, s6;
	[dreg:$0x8] =	wrdreg s22  }
0xd: {  	s24 =	sadd.s32 $0x3000, s6;
	[dreg:$0x9] =	wrdreg s23  }
0xe: {  	s25 =	sadd.s32 $0x3800, s6;
	[dreg:$0xa] =	wrdreg s24  }
0xf: {  	s26 =	sadd.s32 $0x4000, s6;
	[dreg:$0xb] =	wrdreg s25  }
0x10: {  	s31 =	sadd.s32 $0x4800, s6;
	[dreg:$0xc] =	wrdreg s26  }
0x11: {  	s4 =	sadd.s32 $0x5000, s6;
	[dreg:$0xd] =	wrdreg s31  }
0x12: {  	s5 =	sadd.s32 $0x5800, s6;
	[dreg:$0xe] =	wrdreg s4  }
0x13: {  	s7 =	sadd.s32 $0x6000, s6;
	[dreg:$0xf] =	wrdreg s5  }
0x14: {  	s8 =	sadd.s32 $0x6800, s6;
	[dreg:$0x10] =	wrdreg s7  }
0x15: {  	s9 =	sadd.s32 $0x7000, s6;
	[dreg:$0x11] =	wrdreg s8  }
0x16: {  	s10 =	sadd.s32 $0x7800, s6;
	[dreg:$0x12] =	wrdreg s9  }
0x17: {  	s11 =	sadd.s32 $0x8000, s6;
	[dreg:$0x13] =	wrdreg s10  }
0x18: {  	s12 =	sadd.s32 $0x8800, s6;
	[dreg:$0x14] =	wrdreg s11  }
0x19: {  	s13 =	sadd.s32 $0x9000, s6;
	[dreg:$0x15] =	wrdreg s12  }
0x1a: {  	s14 =	sadd.s32 $0x9800, s6;
	[dreg:$0x16] =	wrdreg s13  }
0x1b: {  	s15 =	sadd.s32 $0xA000, s6;
	[dreg:$0x17] =	wrdreg s14  }
0x1c: {  	s16 =	sadd.s32 $0xA800, s6;
	[dreg:$0x18] =	wrdreg s15  }
0x1d: {  	s28 =	simm.s32 $0x9;
	s17 =	sadd.s32 $0xB000, s6;
	[dreg:$0x19] =	wrdreg s16  }
0x1e: {  	s29 =	simm.s32 $0x4;
	s18 =	sadd.s32 $0xB800, s6;
	[dreg:$0x1a] =	wrdreg s17  }
0x1f: {  	s30 =	simm.s32 $0xA;
	[dreg:$0x1b] =	wrdreg s18;
	s19 =	sadd.s32 $0xC000, s6  }
0x20: {  	s0 =	ssub.s32 $0x2, s0;
	s20 =	sadd.s32 $0xC800, s6;
	[dreg:$0x1c] =	wrdreg s19  }
0x21: {  	s21 =	sadd.s32 $0xD000, s6;
	s22 =	sadd.s32 $0xD800, s6;
	[dreg:$0x1d] =	wrdreg s20  }
0x22: {  	s23 =	sadd.s32 $0xE000, s6;
	s24 =	sshrl.u32 s0, $0x1;
	[dreg:$0x1e] =	wrdreg s21  }
0x23: {  	s25 =	sadd.s32 $0xE800, s6;
	s26 =	sadd.s32 $0xF000, s6;
	[dreg:$0x1f] =	wrdreg s22  }
0x24: {  	s5 =	sadd.s32 $0x100, s2;
	s31 =	sadd.s32 $0xF800, s6;
	[smem:$0x7F9] =	sst s23  }
0x25: {  	s6 =	sadd.s32 $0x200, s2;
	s7 =	sadd.s32 $0x300, s2;
	[smem:$0x7FA] =	sst s25  }
0x26: {  	v2 =	vlaneseq.u32;
	s1 =	simm.s32 $0xB;
	s0 =	ssub.s32 s0, s24;
	[smem:$0x7FB] =	sst s26  }
0x27: {  	vm0 =	vmmov $0xffff;
	v1 =	vshrl.u32 v2, $0x3;
	[smem:$0x7FD] =	sst s31;
	s21 =	simm.s32 $0x1;
	s23 =	simm.s32 $0x2  }
0x28: {  	v0 =	vand.u32 $0x7, v2;
	v2 =	vor.u32 $0x8, v2;
	v1 =	vmul.u32 $0x8, v1;
	s24 =	simm.s32 $0x8;
	s25 =	simm.s32 $0x3;
	s22 =	smax.u32 s0, $0x1  }
.LBB2_1:
0x29: {  	s14 =	rddreg [dreg:$0x4];
	s26 =	simm.s32 $0xF  }
0x2a: {  	[tilespmem:s3], [sflag:$0xF] =	stream.linear.gather [hbm4b:s14+s3], $0x200, $0x38;
	[tilespmem:$0x1C200] =	vst v63  }
0x2b: {  	_ =	swait.ge [sflag:s26], $0x200  }
0x2c: {  	[sflag:s26] =	ssyncset.done $0x0  }
0x2d: {  	[sflag:s26] =	ssyncadd.s32 $0xFFFFFE00  }
0x2e: {  	v3 =	vld [tilespmem:$0x0];
	_ =	sdelay $0x4  }
0x2f: {  	v4 =	vshll.u32 v3, $0x3  }
0x30: {  	v3 =	vand.u32 $0x7, v3;
	v4 =	vand.u32 $0xFFFFFFC0, v4  }
0x31: {  	v3 =	vor.u32 v3, v4  }
0x32: {  	v4 =	vperm.xlane v3, v0;
	_ =	sdelay $0x1  }
0x33: {  	v4 =	vadd.s32 v1, v4;
	_ =	sdelay $0x3  }
0x34: {  	s4 =	simm.s32 $0x200  }
0x35: {  	[tilespmem:s4], [sflag:$0x1] =	stream.indirect_vreg.gather [hbm4b:s2+s3], $0x80, v4, vm0, $0xb8;
	[tilespmem:$0x1C200] =	vst v63  }
0x36: {  	s0 =	simm.s32 $0xA00;
	v3 =	vperm.xlane v3, v2  }
0x37: {  	[tilespmem:s0], [sflag:$0x1] =	stream.indirect_vreg.gather [hbm4b:s5+s3], $0x80, v4, vm0, $0xb8;
	[tilespmem:$0x1C200] =	vst v63  }
0x38: {  	s31 =	simm.s32 $0x1200;
	v3 =	vadd.s32 v1, v3  }
0x39: {  	[tilespmem:s31], [sflag:$0x1] =	stream.indirect_vreg.gather [hbm4b:s6+s3], $0x80, v4, vm0, $0xb8;
	[tilespmem:$0x1C200] =	vst v63  }
0x3a: {  	s4 =	simm.s32 $0x1A00  }
0x3b: {  	[tilespmem:s4], [sflag:$0x1] =	stream.indirect_vreg.gather [hbm4b:s7+s3], $0x80, v4, vm0, $0xb8;
	[tilespmem:$0x1C200] =	vst v63  }
0x3c: {  	s8 =	simm.s32 $0x2200  }
0x3d: {  	[tilespmem:s8], [sflag:$0x1] =	stream.indirect_vreg.gather [hbm4b:s2+s3], $0x80, v3, vm0, $0xb8;
	[tilespmem:$0x1C200] =	vst v63  }
0x3e: {  	s10 =	simm.s32 $0x2A00  }
0x3f: {  	[tilespmem:s10], [sflag:$0x1] =	stream.indirect_vreg.gather [hbm4b:s5+s3], $0x80, v3, vm0, $0xb8;
	[tilespmem:$0x1C200] =	vst v63  }
0x40: {  	s11 =	simm.s32 $0x3200  }
0x41: {  	[tilespmem:s11], [sflag:$0x1] =	stream.indirect_vreg.gather [hbm4b:s6+s3], $0x80, v3, vm0, $0xb8;
	[tilespmem:$0x1C200] =	vst v63  }
0x42: {  	s14 =	simm.s32 $0x3A00  }
0x43: {  	[tilespmem:s14], [sflag:$0x1] =	stream.indirect_vreg.gather [hbm4b:s7+s3], $0x80, v3, vm0, $0xb8;
	[tilespmem:$0x1C200] =	vst v63  }
0x44: {  	v3 =	vld [tilespmem:$0x10];
	_ =	sdelay $0x4  }
0x45: {  	v33 =	vshll.u32 v3, $0x3  }
0x46: {  	v3 =	vand.u32 $0x7, v3;
	v4 =	vand.u32 $0xFFFFFFC0, v33  }
0x47: {  	v3 =	vor.u32 v3, v4  }
0x48: {  	v4 =	vperm.xlane v3, v0;
	_ =	sdelay $0x1  }
0x49: {  	v4 =	vadd.s32 v1, v4;
	_ =	sdelay $0x3  }
0x4a: {  	s15 =	simm.s32 $0x4200  }
0x4b: {  	[tilespmem:s15], [sflag:$0x2] =	stream.indirect_vreg.gather [hbm4b:s2+s3], $0x80, v4, vm0, $0xb8;
	[tilespmem:$0x1C200] =	vst v63  }
0x4c: {  	s16 =	simm.s32 $0x4A00;
	v3 =	vperm.xlane v3, v2  }
0x4d: {  	[tilespmem:s16], [sflag:$0x2] =	stream.indirect_vreg.gather [hbm4b:s5+s3], $0x80, v4, vm0, $0xb8;
	[tilespmem:$0x1C200] =	vst v63  }
0x4e: {  	s17 =	simm.s32 $0x5200;
	v3 =	vadd.s32 v1, v3  }
0x4f: {  	[tilespmem:s17], [sflag:$0x2] =	stream.indirect_vreg.gather [hbm4b:s6+s3], $0x80, v4, vm0, $0xb8;
	[tilespmem:$0x1C200] =	vst v63  }
0x50: {  	s19 =	simm.s32 $0x5A00  }
0x51: {  	[tilespmem:s19], [sflag:$0x2] =	stream.indirect_vreg.gather [hbm4b:s7+s3], $0x80, v4, vm0, $0xb8;
	[tilespmem:$0x1C200] =	vst v63  }
0x52: {  	s20 =	simm.s32 $0x6200  }
0x53: {  	[tilespmem:s20], [sflag:$0x2] =	stream.indirect_vreg.gather [hbm4b:s2+s3], $0x80, v3, vm0, $0xb8;
	[tilespmem:$0x1C200] =	vst v63  }
0x54: {  	s0 =	simm.s32 $0x6A00  }
0x55: {  	[tilespmem:s0], [sflag:$0x2] =	stream.indirect_vreg.gather [hbm4b:s5+s3], $0x80, v3, vm0, $0xb8;
	[tilespmem:$0x1C200] =	vst v63  }
0x56: {  	s8 =	simm.s32 $0x7200  }
0x57: {  	[tilespmem:s8], [sflag:$0x2] =	stream.indirect_vreg.gather [hbm4b:s6+s3], $0x80, v3, vm0, $0xb8;
	[tilespmem:$0x1C200] =	vst v63  }
0x58: {  	s10 =	simm.s32 $0x7A00  }
0x59: {  	[tilespmem:s10], [sflag:$0x2] =	stream.indirect_vreg.gather [hbm4b:s7+s3], $0x80, v3, vm0, $0xb8;
	[tilespmem:$0x1C200] =	vst v63  }
0x5a: {  	v3 =	vld [tilespmem:$0x20];
	_ =	sdelay $0x4  }
0x5b: {  	v34 =	vshll.u32 v3, $0x3  }
0x5c: {  	v3 =	vand.u32 $0x7, v3;
	v4 =	vand.u32 $0xFFFFFFC0, v34  }
0x5d: {  	v3 =	vor.u32 v3, v4  }
0x5e: {  	v4 =	vperm.xlane v3, v0;
	_ =	sdelay $0x1  }
0x5f: {  	v4 =	vadd.s32 v1, v4;
	_ =	sdelay $0x3  }
0x60: {  	s14 =	simm.s32 $0x8200  }
0x61: {  	[tilespmem:s14], [sflag:$0x3] =	stream.indirect_vreg.gather [hbm4b:s2+s3], $0x80, v4, vm0, $0xb8;
	[tilespmem:$0x1C200] =	vst v63  }
0x62: {  	s10 =	simm.s32 $0x8A00;
	v3 =	vperm.xlane v3, v2  }
0x63: {  	[tilespmem:s10], [sflag:$0x3] =	stream.indirect_vreg.gather [hbm4b:s5+s3], $0x80, v4, vm0, $0xb8;
	[tilespmem:$0x1C200] =	vst v63  }
0x64: {  	s20 =	simm.s32 $0x9200;
	v3 =	vadd.s32 v1, v3  }
0x65: {  	[tilespmem:s20], [sflag:$0x3] =	stream.indirect_vreg.gather [hbm4b:s6+s3], $0x80, v4, vm0, $0xb8;
	[tilespmem:$0x1C200] =	vst v63  }
0x66: {  	s0 =	simm.s32 $0x9A00  }
0x67: {  	[tilespmem:s0], [sflag:$0x3] =	stream.indirect_vreg.gather [hbm4b:s7+s3], $0x80, v4, vm0, $0xb8;
	[tilespmem:$0x1C200] =	vst v63  }
0x68: {  	s4 =	simm.s32 $0xA200  }
0x69: {  	[tilespmem:s4], [sflag:$0x3] =	stream.indirect_vreg.gather [hbm4b:s2+s3], $0x80, v3, vm0, $0xb8;
	[tilespmem:$0x1C200] =	vst v63  }
0x6a: {  	s14 =	simm.s32 $0xAA00  }
0x6b: {  	[tilespmem:s14], [sflag:$0x3] =	stream.indirect_vreg.gather [hbm4b:s5+s3], $0x80, v3, vm0, $0xb8;
	[tilespmem:$0x1C200] =	vst v63  }
0x6c: {  	s20 =	simm.s32 $0xB200  }
0x6d: {  	[tilespmem:s20], [sflag:$0x3] =	stream.indirect_vreg.gather [hbm4b:s6+s3], $0x80, v3, vm0, $0xb8;
	[tilespmem:$0x1C200] =	vst v63  }
0x6e: {  	s0 =	simm.s32 $0xBA00  }
0x6f: {  	[tilespmem:s0], [sflag:$0x3] =	stream.indirect_vreg.gather [hbm4b:s7+s3], $0x80, v3, vm0, $0xb8;
	[tilespmem:$0x1C200] =	vst v63  }
0x70: {  	v3 =	vld [tilespmem:$0x30];
	_ =	sdelay $0x4  }
0x71: {  	v35 =	vshll.u32 v3, $0x3  }
0x72: {  	v3 =	vand.u32 $0x7, v3;
	v4 =	vand.u32 $0xFFFFFFC0, v35  }
0x73: {  	v3 =	vor.u32 v3, v4  }
0x74: {  	v4 =	vperm.xlane v3, v0;
	_ =	sdelay $0x1  }
0x75: {  	v4 =	vadd.s32 v1, v4;
	_ =	sdelay $0x3  }
0x76: {  	s4 =	simm.s32 $0xC200  }
0x77: {  	[tilespmem:s4], [sflag:$0x4] =	stream.indirect_vreg.gather [hbm4b:s2+s3], $0x80, v4, vm0, $0xb8;
	[tilespmem:$0x1C200] =	vst v63  }
0x78: {  	s10 =	simm.s32 $0xCA00;
	v3 =	vperm.xlane v3, v2  }
0x79: {  	[tilespmem:s10], [sflag:$0x4] =	stream.indirect_vreg.gather [hbm4b:s5+s3], $0x80, v4, vm0, $0xb8;
	[tilespmem:$0x1C200] =	vst v63  }
0x7a: {  	s20 =	simm.s32 $0xD200;
	v3 =	vadd.s32 v1, v3  }
0x7b: {  	[tilespmem:s20], [sflag:$0x4] =	stream.indirect_vreg.gather [hbm4b:s6+s3], $0x80, v4, vm0, $0xb8;
	[tilespmem:$0x1C200] =	vst v63  }
0x7c: {  	s0 =	simm.s32 $0xDA00  }
0x7d: {  	[tilespmem:s0], [sflag:$0x4] =	stream.indirect_vreg.gather [hbm4b:s7+s3], $0x80, v4, vm0, $0xb8;
	[tilespmem:$0x1C200] =	vst v63  }
0x7e: {  	s4 =	simm.s32 $0xE200  }
0x7f: {  	[tilespmem:s4], [sflag:$0x4] =	stream.indirect_vreg.gather [hbm4b:s2+s3], $0x80, v3, vm0, $0xb8;
	[tilespmem:$0x1C200] =	vst v63  }
0x80: {  	s10 =	simm.s32 $0xEA00  }
0x81: {  	[tilespmem:s10], [sflag:$0x4] =	stream.indirect_vreg.gather [hbm4b:s5+s3], $0x80, v3, vm0, $0xb8;
	[tilespmem:$0x1C200] =	vst v63  }
0x82: {  	s20 =	simm.s32 $0xF200  }
0x83: {  	[tilespmem:s20], [sflag:$0x4] =	stream.indirect_vreg.gather [hbm4b:s6+s3], $0x80, v3, vm0, $0xb8;
	[tilespmem:$0x1C200] =	vst v63  }
0x84: {  	s0 =	simm.s32 $0xFA00  }
0x85: {  	[tilespmem:s0], [sflag:$0x4] =	stream.indirect_vreg.gather [hbm4b:s7+s3], $0x80, v3, vm0, $0xb8;
	[tilespmem:$0x1C200] =	vst v63  }
0x86: {  	v3 =	vld [tilespmem:$0x40];
	_ =	sdelay $0x4  }
0x87: {  	v36 =	vshll.u32 v3, $0x3  }
0x88: {  	v3 =	vand.u32 $0x7, v3;
	v4 =	vand.u32 $0xFFFFFFC0, v36  }
0x89: {  	v3 =	vor.u32 v3, v4  }
0x8a: {  	v4 =	vperm.xlane v3, v0;
	_ =	sdelay $0x1  }
0x8b: {  	v4 =	vadd.s32 v1, v4;
	_ =	sdelay $0x3  }
0x8c: {  	s4 =	simm.s32 $0x10200  }
0x8d: {  	[tilespmem:s4], [sflag:$0x5] =	stream.indirect_vreg.gather [hbm4b:s2+s3], $0x80, v4, vm0, $0xb8;
	[tilespmem:$0x1C200] =	vst v63  }
0x8e: {  	s10 =	simm.s32 $0x10A00;
	v3 =	vperm.xlane v3, v2  }
0x8f: {  	[tilespmem:s10], [sflag:$0x5] =	stream.indirect_vreg.gather [hbm4b:s5+s3], $0x80, v4, vm0, $0xb8;
	[tilespmem:$0x1C200] =	vst v63  }
0x90: {  	s14 =	simm.s32 $0x11200;
	v3 =	vadd.s32 v1, v3  }
0x91: {  	[tilespmem:s14], [sflag:$0x5] =	stream.indirect_vreg.gather [hbm4b:s6+s3], $0x80, v4, vm0, $0xb8;
	[tilespmem:$0x1C200] =	vst v63  }
0x92: {  	s20 =	simm.s32 $0x11A00  }
0x93: {  	[tilespmem:s20], [sflag:$0x5] =	stream.indirect_vreg.gather [hbm4b:s7+s3], $0x80, v4, vm0, $0xb8;
	[tilespmem:$0x1C200] =	vst v63  }
0x94: {  	s4 =	simm.s32 $0x12200  }
0x95: {  	[tilespmem:s4], [sflag:$0x5] =	stream.indirect_vreg.gather [hbm4b:s2+s3], $0x80, v3, vm0, $0xb8;
	[tilespmem:$0x1C200] =	vst v63  }
0x96: {  	s10 =	simm.s32 $0x12A00  }
0x97: {  	[tilespmem:s10], [sflag:$0x5] =	stream.indirect_vreg.gather [hbm4b:s5+s3], $0x80, v3, vm0, $0xb8;
	[tilespmem:$0x1C200] =	vst v63  }
0x98: {  	s14 =	simm.s32 $0x13200  }
0x99: {  	[tilespmem:s14], [sflag:$0x5] =	stream.indirect_vreg.gather [hbm4b:s6+s3], $0x80, v3, vm0, $0xb8;
	[tilespmem:$0x1C200] =	vst v63  }
0x9a: {  	s20 =	simm.s32 $0x13A00  }
0x9b: {  	[tilespmem:s20], [sflag:$0x5] =	stream.indirect_vreg.gather [hbm4b:s7+s3], $0x80, v3, vm0, $0xb8;
	[tilespmem:$0x1C200] =	vst v63  }
0x9c: {  	v3 =	vld [tilespmem:$0x50];
	_ =	sdelay $0x4  }
0x9d: {  	v37 =	vshll.u32 v3, $0x3  }
0x9e: {  	v3 =	vand.u32 $0x7, v3;
	v4 =	vand.u32 $0xFFFFFFC0, v37  }
0x9f: {  	v3 =	vor.u32 v3, v4  }
0xa0: {  	v4 =	vperm.xlane v3, v0;
	_ =	sdelay $0x1  }
0xa1: {  	v4 =	vadd.s32 v1, v4;
	_ =	sdelay $0x3  }
0xa2: {  	s4 =	simm.s32 $0x14200  }
0xa3: {  	[tilespmem:s4], [sflag:$0x6] =	stream.indirect_vreg.gather [hbm4b:s2+s3], $0x80, v4, vm0, $0xb8;
	[tilespmem:$0x1C200] =	vst v63  }
0xa4: {  	s10 =	simm.s32 $0x14A00;
	v3 =	vperm.xlane v3, v2  }
0xa5: {  	[tilespmem:s10], [sflag:$0x6] =	stream.indirect_vreg.gather [hbm4b:s5+s3], $0x80, v4, vm0, $0xb8;
	[tilespmem:$0x1C200] =	vst v63  }
0xa6: {  	s14 =	simm.s32 $0x15200;
	v3 =	vadd.s32 v1, v3  }
0xa7: {  	[tilespmem:s14], [sflag:$0x6] =	stream.indirect_vreg.gather [hbm4b:s6+s3], $0x80, v4, vm0, $0xb8;
	[tilespmem:$0x1C200] =	vst v63  }
0xa8: {  	s20 =	simm.s32 $0x15A00  }
0xa9: {  	[tilespmem:s20], [sflag:$0x6] =	stream.indirect_vreg.gather [hbm4b:s7+s3], $0x80, v4, vm0, $0xb8;
	[tilespmem:$0x1C200] =	vst v63  }
0xaa: {  	s4 =	simm.s32 $0x16200  }
0xab: {  	[tilespmem:s4], [sflag:$0x6] =	stream.indirect_vreg.gather [hbm4b:s2+s3], $0x80, v3, vm0, $0xb8;
	[tilespmem:$0x1C200] =	vst v63  }
0xac: {  	s10 =	simm.s32 $0x16A00  }
0xad: {  	[tilespmem:s10], [sflag:$0x6] =	stream.indirect_vreg.gather [hbm4b:s5+s3], $0x80, v3, vm0, $0xb8;
	[tilespmem:$0x1C200] =	vst v63  }
0xae: {  	s14 =	simm.s32 $0x17200  }
0xaf: {  	[tilespmem:s14], [sflag:$0x6] =	stream.indirect_vreg.gather [hbm4b:s6+s3], $0x80, v3, vm0, $0xb8;
	[tilespmem:$0x1C200] =	vst v63  }
0xb0: {  	s20 =	simm.s32 $0x17A00  }
0xb1: {  	[tilespmem:s20], [sflag:$0x6] =	stream.indirect_vreg.gather [hbm4b:s7+s3], $0x80, v3, vm0, $0xb8;
	[tilespmem:$0x1C200] =	vst v63  }
0xb2: {  	_ =	swait.ge [sflag:s21], $0x4000  }
0xb3: {  	s4 =	sld [smem:$0x7FC]  }
0xb4: {  	[sflag:s21] =	ssyncset.done $0x0  }
0xb5: {  	s20 =	simm.s32 $0x200;
	[sflag:s21] =	ssyncadd.s32 $0xFFFFC000  }
0xb6: {  	[hbm4b:s4+s3] =	stream.linear.scatter [tilespmem:s20], [sflag:$0x8], $0x4000, $0x38;
	[tilespmem:$0x1C200] =	vst v63  }
0xb7: {  	v3 =	vld [tilespmem:$0x60];
	_ =	sdelay $0x4  }
0xb8: {  	v38 =	vshll.u32 v3, $0x3  }
0xb9: {  	v3 =	vand.u32 $0x7, v3;
	v4 =	vand.u32 $0xFFFFFFC0, v38  }
0xba: {  	v3 =	vor.u32 v3, v4  }
0xbb: {  	v4 =	vperm.xlane v3, v0;
	_ =	sdelay $0x1  }
0xbc: {  	v4 =	vadd.s32 v1, v4;
	_ =	sdelay $0x3  }
0xbd: {  	s10 =	simm.s32 $0x18200  }
0xbe: {  	[tilespmem:s10], [sflag:$0x7] =	stream.indirect_vreg.gather [hbm4b:s2+s3], $0x80, v4, vm0, $0xb8;
	[tilespmem:$0x1C200] =	vst v63  }
0xbf: {  	s14 =	simm.s32 $0x18A00;
	v3 =	vperm.xlane v3, v2  }
0xc0: {  	[tilespmem:s14], [sflag:$0x7] =	stream.indirect_vreg.gather [hbm4b:s5+s3], $0x80, v4, vm0, $0xb8;
	[tilespmem:$0x1C200] =	vst v63  }
0xc1: {  	s4 =	simm.s32 $0x19200;
	v3 =	vadd.s32 v1, v3  }
0xc2: {  	[tilespmem:s4], [sflag:$0x7] =	stream.indirect_vreg.gather [hbm4b:s6+s3], $0x80, v4, vm0, $0xb8;
	[tilespmem:$0x1C200] =	vst v63  }
0xc3: {  	s14 =	simm.s32 $0x19A00  }
0xc4: {  	[tilespmem:s14], [sflag:$0x7] =	stream.indirect_vreg.gather [hbm4b:s7+s3], $0x80, v4, vm0, $0xb8;
	[tilespmem:$0x1C200] =	vst v63  }
0xc5: {  	s4 =	simm.s32 $0x1A200  }
0xc6: {  	[tilespmem:s4], [sflag:$0x7] =	stream.indirect_vreg.gather [hbm4b:s2+s3], $0x80, v3, vm0, $0xb8;
	[tilespmem:$0x1C200] =	vst v63  }
0xc7: {  	s14 =	simm.s32 $0x1AA00  }
0xc8: {  	[tilespmem:s14], [sflag:$0x7] =	stream.indirect_vreg.gather [hbm4b:s5+s3], $0x80, v3, vm0, $0xb8;
	[tilespmem:$0x1C200] =	vst v63  }
0xc9: {  	s4 =	simm.s32 $0x1B200  }
0xca: {  	[tilespmem:s4], [sflag:$0x7] =	stream.indirect_vreg.gather [hbm4b:s6+s3], $0x80, v3, vm0, $0xb8;
	[tilespmem:$0x1C200] =	vst v63  }
0xcb: {  	s14 =	simm.s32 $0x1BA00  }
0xcc: {  	[tilespmem:s14], [sflag:$0x7] =	stream.indirect_vreg.gather [hbm4b:s7+s3], $0x80, v3, vm0, $0xb8;
	[tilespmem:$0x1C200] =	vst v63  }
0xcd: {  	_ =	swait.ge [sflag:s23], $0x4000  }
0xce: {  	[sflag:s23] =	ssyncset.done $0x0  }
0xcf: {  	s4 =	simm.s32 $0x4200;
	s0 =	rddreg [dreg:$0x5];
	[sflag:s23] =	ssyncadd.s32 $0xFFFFC000  }
0xd0: {  	[hbm4b:s0+s3] =	stream.linear.scatter [tilespmem:s4], [sflag:$0x9], $0x4000, $0x38;
	[tilespmem:$0x1C200] =	vst v63  }
0xd1: {  	_ =	swait.ge [sflag:s24], $0x4000  }
0xd2: {  	[sflag:s24] =	ssyncset.done $0x0  }
0xd3: {  	[sflag:s24] =	ssyncadd.s32 $0xFFFFC000  }
0xd4: {  	v3 =	vld [tilespmem:$0x70];
	_ =	sdelay $0x4  }
0xd5: {  	v39 =	vshll.u32 v3, $0x3  }
0xd6: {  	v3 =	vand.u32 $0x7, v3;
	v4 =	vand.u32 $0xFFFFFFC0, v39  }
0xd7: {  	v3 =	vor.u32 v3, v4  }
0xd8: {  	v4 =	vperm.xlane v3, v0;
	_ =	sdelay $0x1  }
0xd9: {  	v4 =	vadd.s32 v1, v4;
	_ =	sdelay $0x4  }
0xda: {  	[tilespmem:s20], [sflag:$0x1] =	stream.indirect_vreg.gather [hbm4b:s2+s3], $0x80, v4, vm0, $0xb8;
	[tilespmem:$0x1C200] =	vst v63  }
0xdb: {  	s9 =	simm.s32 $0xA00;
	v3 =	vperm.xlane v3, v2  }
0xdc: {  	[tilespmem:s9], [sflag:$0x1] =	stream.indirect_vreg.gather [hbm4b:s5+s3], $0x80, v4, vm0, $0xb8;
	[tilespmem:$0x1C200] =	vst v63  }
0xdd: {  	s31 =	simm.s32 $0x1200;
	v3 =	vadd.s32 v1, v3  }
0xde: {  	[tilespmem:s31], [sflag:$0x1] =	stream.indirect_vreg.gather [hbm4b:s6+s3], $0x80, v4, vm0, $0xb8;
	[tilespmem:$0x1C200] =	vst v63  }
0xdf: {  	s12 =	simm.s32 $0x1A00  }
0xe0: {  	[tilespmem:s12], [sflag:$0x1] =	stream.indirect_vreg.gather [hbm4b:s7+s3], $0x80, v4, vm0, $0xb8;
	[tilespmem:$0x1C200] =	vst v63  }
0xe1: {  	s13 =	simm.s32 $0x2200  }
0xe2: {  	[tilespmem:s13], [sflag:$0x1] =	stream.indirect_vreg.gather [hbm4b:s2+s3], $0x80, v3, vm0, $0xb8;
	[tilespmem:$0x1C200] =	vst v63  }
0xe3: {  	s18 =	simm.s32 $0x2A00  }
0xe4: {  	[tilespmem:s18], [sflag:$0x1] =	stream.indirect_vreg.gather [hbm4b:s5+s3], $0x80, v3, vm0, $0xb8;
	[tilespmem:$0x1C200] =	vst v63  }
0xe5: {  	s26 =	simm.s32 $0x3200  }
0xe6: {  	[tilespmem:s26], [sflag:$0x1] =	stream.indirect_vreg.gather [hbm4b:s6+s3], $0x80, v3, vm0, $0xb8;
	[tilespmem:$0x1C200] =	vst v63  }
0xe7: {  	s11 =	simm.s32 $0x3A00  }
0xe8: {  	[tilespmem:s11], [sflag:$0x1] =	stream.indirect_vreg.gather [hbm4b:s7+s3], $0x80, v3, vm0, $0xb8;
	[tilespmem:$0x1C200] =	vst v63  }
0xe9: {  	_ =	swait.ge [sflag:s25], $0x4000  }
0xea: {  	[sflag:s25] =	ssyncset.done $0x0  }
0xeb: {  	s8 =	simm.s32 $0x8200;
	s12 =	rddreg [dreg:$0x6];
	[sflag:s25] =	ssyncadd.s32 $0xFFFFC000  }
0xec: {  	[hbm4b:s12+s3] =	stream.linear.scatter [tilespmem:s8], [sflag:$0xA], $0x4000, $0x38;
	[tilespmem:$0x1C200] =	vst v63  }
0xed: {  	_ =	swait.ge [sflag:s28], $0x4000  }
0xee: {  	[sflag:s28] =	ssyncset.done $0x0  }
0xef: {  	[sflag:s28] =	ssyncadd.s32 $0xFFFFC000  }
0xf0: {  	v3 =	vld [tilespmem:$0x80];
	_ =	sdelay $0x4  }
0xf1: {  	v40 =	vshll.u32 v3, $0x3  }
0xf2: {  	v3 =	vand.u32 $0x7, v3;
	v4 =	vand.u32 $0xFFFFFFC0, v40  }
0xf3: {  	v3 =	vor.u32 v3, v4  }
0xf4: {  	v4 =	vperm.xlane v3, v0;
	_ =	sdelay $0x1  }
0xf5: {  	v4 =	vadd.s32 v1, v4;
	_ =	sdelay $0x4  }
0xf6: {  	[tilespmem:s4], [sflag:$0x2] =	stream.indirect_vreg.gather [hbm4b:s2+s3], $0x80, v4, vm0, $0xb8;
	[tilespmem:$0x1C200] =	vst v63  }
0xf7: {  	s13 =	simm.s32 $0x4A00;
	v3 =	vperm.xlane v3, v2  }
0xf8: {  	[tilespmem:s13], [sflag:$0x2] =	stream.indirect_vreg.gather [hbm4b:s5+s3], $0x80, v4, vm0, $0xb8;
	[tilespmem:$0x1C200] =	vst v63  }
0xf9: {  	s14 =	simm.s32 $0x5200;
	v3 =	vadd.s32 v1, v3  }
0xfa: {  	[tilespmem:s14], [sflag:$0x2] =	stream.indirect_vreg.gather [hbm4b:s6+s3], $0x80, v4, vm0, $0xb8;
	[tilespmem:$0x1C200] =	vst v63  }
0xfb: {  	s17 =	simm.s32 $0x5A00  }
0xfc: {  	[tilespmem:s17], [sflag:$0x2] =	stream.indirect_vreg.gather [hbm4b:s7+s3], $0x80, v4, vm0, $0xb8;
	[tilespmem:$0x1C200] =	vst v63  }
0xfd: {  	s15 =	simm.s32 $0x6200  }
0xfe: {  	[tilespmem:s15], [sflag:$0x2] =	stream.indirect_vreg.gather [hbm4b:s2+s3], $0x80, v3, vm0, $0xb8;
	[tilespmem:$0x1C200] =	vst v63  }
0xff: {  	s19 =	simm.s32 $0x6A00  }
0x100: {  	[tilespmem:s19], [sflag:$0x2] =	stream.indirect_vreg.gather [hbm4b:s5+s3], $0x80, v3, vm0, $0xb8;
	[tilespmem:$0x1C200] =	vst v63  }
0x101: {  	s20 =	simm.s32 $0x7200  }
0x102: {  	[tilespmem:s20], [sflag:$0x2] =	stream.indirect_vreg.gather [hbm4b:s6+s3], $0x80, v3, vm0, $0xb8;
	[tilespmem:$0x1C200] =	vst v63  }
0x103: {  	s16 =	simm.s32 $0x7A00  }
0x104: {  	[tilespmem:s16], [sflag:$0x2] =	stream.indirect_vreg.gather [hbm4b:s7+s3], $0x80, v3, vm0, $0xb8;
	[tilespmem:$0x1C200] =	vst v63  }
0x105: {  	_ =	swait.ge [sflag:s29], $0x4000  }
0x106: {  	[sflag:s29] =	ssyncset.done $0x0  }
0x107: {  	s17 =	simm.s32 $0xC200;
	s16 =	rddreg [dreg:$0x7];
	[sflag:s29] =	ssyncadd.s32 $0xFFFFC000  }
0x108: {  	[hbm4b:s16+s3] =	stream.linear.scatter [tilespmem:s17], [sflag:$0xB], $0x4000, $0x38;
	[tilespmem:$0x1C200] =	vst v63  }
0x109: {  	_ =	swait.ge [sflag:s30], $0x4000  }
0x10a: {  	[sflag:s30] =	ssyncset.done $0x0  }
0x10b: {  	[sflag:s30] =	ssyncadd.s32 $0xFFFFC000  }
0x10c: {  	v3 =	vld [tilespmem:$0x90];
	_ =	sdelay $0x4  }
0x10d: {  	v41 =	vshll.u32 v3, $0x3  }
0x10e: {  	v3 =	vand.u32 $0x7, v3;
	v4 =	vand.u32 $0xFFFFFFC0, v41  }
0x10f: {  	v3 =	vor.u32 v3, v4  }
0x110: {  	v4 =	vperm.xlane v3, v0;
	_ =	sdelay $0x1  }
0x111: {  	v4 =	vadd.s32 v1, v4;
	_ =	sdelay $0x4  }
0x112: {  	[tilespmem:s8], [sflag:$0x3] =	stream.indirect_vreg.gather [hbm4b:s2+s3], $0x80, v4, vm0, $0xb8;
	[tilespmem:$0x1C200] =	vst v63  }
0x113: {  	s18 =	simm.s32 $0x8A00;
	v3 =	vperm.xlane v3, v2  }
0x114: {  	[tilespmem:s18], [sflag:$0x3] =	stream.indirect_vreg.gather [hbm4b:s5+s3], $0x80, v4, vm0, $0xb8;
	[tilespmem:$0x1C200] =	vst v63  }
0x115: {  	s31 =	simm.s32 $0x9200;
	v3 =	vadd.s32 v1, v3  }
0x116: {  	[tilespmem:s31], [sflag:$0x3] =	stream.indirect_vreg.gather [hbm4b:s6+s3], $0x80, v4, vm0, $0xb8;
	[tilespmem:$0x1C200] =	vst v63  }
0x117: {  	s15 =	simm.s32 $0x9A00  }
0x118: {  	[tilespmem:s15], [sflag:$0x3] =	stream.indirect_vreg.gather [hbm4b:s7+s3], $0x80, v4, vm0, $0xb8;
	[tilespmem:$0x1C200] =	vst v63  }
0x119: {  	s19 =	simm.s32 $0xA200  }
0x11a: {  	[tilespmem:s19], [sflag:$0x3] =	stream.indirect_vreg.gather [hbm4b:s2+s3], $0x80, v3, vm0, $0xb8;
	[tilespmem:$0x1C200] =	vst v63  }
0x11b: {  	s26 =	simm.s32 $0xAA00  }
0x11c: {  	[tilespmem:s26], [sflag:$0x3] =	stream.indirect_vreg.gather [hbm4b:s5+s3], $0x80, v3, vm0, $0xb8;
	[tilespmem:$0x1C200] =	vst v63  }
0x11d: {  	s19 =	simm.s32 $0xB200  }
0x11e: {  	[tilespmem:s19], [sflag:$0x3] =	stream.indirect_vreg.gather [hbm4b:s6+s3], $0x80, v3, vm0, $0xb8;
	[tilespmem:$0x1C200] =	vst v63  }
0x11f: {  	s0 =	simm.s32 $0x5;
	s8 =	simm.s32 $0xBA00  }
0x120: {  	[tilespmem:s8], [sflag:$0x3] =	stream.indirect_vreg.gather [hbm4b:s7+s3], $0x80, v3, vm0, $0xb8;
	[tilespmem:$0x1C200] =	vst v63  }
0x121: {  	_ =	swait.ge [sflag:s0], $0x4000  }
0x122: {  	[sflag:s0] =	ssyncset.done $0x0  }
0x123: {  	s12 =	simm.s32 $0x10200;
	s11 =	rddreg [dreg:$0x8];
	[sflag:s0] =	ssyncadd.s32 $0xFFFFC000  }
0x124: {  	[hbm4b:s11+s3] =	stream.linear.scatter [tilespmem:s12], [sflag:$0xC], $0x4000, $0x38;
	[tilespmem:$0x1C200] =	vst v63  }
0x125: {  	_ =	swait.ge [sflag:s1], $0x4000  }
0x126: {  	[sflag:s1] =	ssyncset.done $0x0  }
0x127: {  	[sflag:s1] =	ssyncadd.s32 $0xFFFFC000  }
0x128: {  	v3 =	vld [tilespmem:$0xA0];
	_ =	sdelay $0x4  }
0x129: {  	v42 =	vshll.u32 v3, $0x3  }
0x12a: {  	v3 =	vand.u32 $0x7, v3;
	v4 =	vand.u32 $0xFFFFFFC0, v42  }
0x12b: {  	v3 =	vor.u32 v3, v4  }
0x12c: {  	v4 =	vperm.xlane v3, v0;
	_ =	sdelay $0x1  }
0x12d: {  	v4 =	vadd.s32 v1, v4;
	_ =	sdelay $0x4  }
0x12e: {  	[tilespmem:s17], [sflag:$0x4] =	stream.indirect_vreg.gather [hbm4b:s2+s3], $0x80, v4, vm0, $0xb8;
	[tilespmem:$0x1C200] =	vst v63  }
0x12f: {  	s13 =	simm.s32 $0xCA00;
	v3 =	vperm.xlane v3, v2  }
0x130: {  	[tilespmem:s13], [sflag:$0x4] =	stream.indirect_vreg.gather [hbm4b:s5+s3], $0x80, v4, vm0, $0xb8;
	[tilespmem:$0x1C200] =	vst v63  }
0x131: {  	s14 =	simm.s32 $0xD200;
	v3 =	vadd.s32 v1, v3  }
0x132: {  	[tilespmem:s14], [sflag:$0x4] =	stream.indirect_vreg.gather [hbm4b:s6+s3], $0x80, v4, vm0, $0xb8;
	[tilespmem:$0x1C200] =	vst v63  }
0x133: {  	s16 =	simm.s32 $0xDA00  }
0x134: {  	[tilespmem:s16], [sflag:$0x4] =	stream.indirect_vreg.gather [hbm4b:s7+s3], $0x80, v4, vm0, $0xb8;
	[tilespmem:$0x1C200] =	vst v63  }
0x135: {  	s17 =	simm.s32 $0xE200  }
0x136: {  	[tilespmem:s17], [sflag:$0x4] =	stream.indirect_vreg.gather [hbm4b:s2+s3], $0x80, v3, vm0, $0xb8;
	[tilespmem:$0x1C200] =	vst v63  }
0x137: {  	s26 =	simm.s32 $0xEA00  }
0x138: {  	[tilespmem:s26], [sflag:$0x4] =	stream.indirect_vreg.gather [hbm4b:s5+s3], $0x80, v3, vm0, $0xb8;
	[tilespmem:$0x1C200] =	vst v63  }
0x139: {  	s9 =	simm.s32 $0xF200  }
0x13a: {  	[tilespmem:s9], [sflag:$0x4] =	stream.indirect_vreg.gather [hbm4b:s6+s3], $0x80, v3, vm0, $0xb8;
	[tilespmem:$0x1C200] =	vst v63  }
0x13b: {  	s11 =	simm.s32 $0xFA00;
	s9 =	simm.s32 $0x6  }
0x13c: {  	[tilespmem:s11], [sflag:$0x4] =	stream.indirect_vreg.gather [hbm4b:s7+s3], $0x80, v3, vm0, $0xb8;
	[tilespmem:$0x1C200] =	vst v63  }
0x13d: {  	_ =	swait.ge [sflag:s9], $0x4000  }
0x13e: {  	s26 =	simm.s32 $0x14200;
	[sflag:s9] =	ssyncset.done $0x0  }
0x13f: {  	s11 =	simm.s32 $0xC;
	s13 =	rddreg [dreg:$0x9];
	[sflag:s9] =	ssyncadd.s32 $0xFFFFC000  }
0x140: {  	[hbm4b:s13+s3] =	stream.linear.scatter [tilespmem:s26], [sflag:$0xD], $0x4000, $0x38;
	[tilespmem:$0x1C200] =	vst v63  }
0x141: {  	_ =	swait.ge [sflag:s11], $0x4000  }
0x142: {  	[sflag:s11] =	ssyncset.done $0x0  }
0x143: {  	[sflag:s11] =	ssyncadd.s32 $0xFFFFC000  }
0x144: {  	v3 =	vld [tilespmem:$0xB0];
	_ =	sdelay $0x4  }
0x145: {  	v43 =	vshll.u32 v3, $0x3  }
0x146: {  	v3 =	vand.u32 $0x7, v3;
	v4 =	vand.u32 $0xFFFFFFC0, v43  }
0x147: {  	v3 =	vor.u32 v3, v4  }
0x148: {  	v4 =	vperm.xlane v3, v0;
	_ =	sdelay $0x1  }
0x149: {  	v4 =	vadd.s32 v1, v4;
	_ =	sdelay $0x4  }
0x14a: {  	[tilespmem:s12], [sflag:$0x5] =	stream.indirect_vreg.gather [hbm4b:s2+s3], $0x80, v4, vm0, $0xb8;
	[tilespmem:$0x1C200] =	vst v63  }
0x14b: {  	s14 =	simm.s32 $0x10A00;
	v3 =	vperm.xlane v3, v2  }
0x14c: {  	[tilespmem:s14], [sflag:$0x5] =	stream.indirect_vreg.gather [hbm4b:s5+s3], $0x80, v4, vm0, $0xb8;
	[tilespmem:$0x1C200] =	vst v63  }
0x14d: {  	s17 =	simm.s32 $0x11200;
	v3 =	vadd.s32 v1, v3  }
0x14e: {  	[tilespmem:s17], [sflag:$0x5] =	stream.indirect_vreg.gather [hbm4b:s6+s3], $0x80, v4, vm0, $0xb8;
	[tilespmem:$0x1C200] =	vst v63  }
0x14f: {  	s12 =	simm.s32 $0x11A00  }
0x150: {  	[tilespmem:s12], [sflag:$0x5] =	stream.indirect_vreg.gather [hbm4b:s7+s3], $0x80, v4, vm0, $0xb8;
	[tilespmem:$0x1C200] =	vst v63  }
0x151: {  	s13 =	simm.s32 $0x12200  }
0x152: {  	[tilespmem:s13], [sflag:$0x5] =	stream.indirect_vreg.gather [hbm4b:s2+s3], $0x80, v3, vm0, $0xb8;
	[tilespmem:$0x1C200] =	vst v63  }
0x153: {  	s14 =	simm.s32 $0x12A00  }
0x154: {  	[tilespmem:s14], [sflag:$0x5] =	stream.indirect_vreg.gather [hbm4b:s5+s3], $0x80, v3, vm0, $0xb8;
	[tilespmem:$0x1C200] =	vst v63  }
0x155: {  	s17 =	simm.s32 $0x13200  }
0x156: {  	[tilespmem:s17], [sflag:$0x5] =	stream.indirect_vreg.gather [hbm4b:s6+s3], $0x80, v3, vm0, $0xb8;
	[tilespmem:$0x1C200] =	vst v63  }
0x157: {  	s12 =	simm.s32 $0x13A00  }
0x158: {  	[tilespmem:s12], [sflag:$0x5] =	stream.indirect_vreg.gather [hbm4b:s7+s3], $0x80, v3, vm0, $0xb8;
	[tilespmem:$0x1C200] =	vst v63  }
0x159: {  	s12 =	simm.s32 $0x7  }
0x15a: {  	_ =	swait.ge [sflag:s12], $0x4000  }
0x15b: {  	[sflag:s12] =	ssyncset.done $0x0  }
0x15c: {  	s17 =	simm.s32 $0x18200;
	s13 =	rddreg [dreg:$0xa];
	[sflag:s12] =	ssyncadd.s32 $0xFFFFC000  }
0x15d: {  	[hbm4b:s13+s3] =	stream.linear.scatter [tilespmem:s17], [sflag:$0xE], $0x4000, $0x38;
	[tilespmem:$0x1C200] =	vst v63  }
0x15e: {  	s13 =	simm.s32 $0xD  }
0x15f: {  	_ =	swait.ge [sflag:s13], $0x4000  }
0x160: {  	[sflag:s13] =	ssyncset.done $0x0  }
0x161: {  	[sflag:s13] =	ssyncadd.s32 $0xFFFFC000  }
0x162: {  	v3 =	vld [tilespmem:$0xC0];
	_ =	sdelay $0x4  }
0x163: {  	v44 =	vshll.u32 v3, $0x3  }
0x164: {  	v3 =	vand.u32 $0x7, v3;
	v4 =	vand.u32 $0xFFFFFFC0, v44  }
0x165: {  	v3 =	vor.u32 v3, v4  }
0x166: {  	v4 =	vperm.xlane v3, v0;
	_ =	sdelay $0x1  }
0x167: {  	v4 =	vadd.s32 v1, v4;
	_ =	sdelay $0x4  }
0x168: {  	[tilespmem:s26], [sflag:$0x6] =	stream.indirect_vreg.gather [hbm4b:s2+s3], $0x80, v4, vm0, $0xb8;
	[tilespmem:$0x1C200] =	vst v63  }
0x169: {  	s14 =	simm.s32 $0x14A00;
	v3 =	vperm.xlane v3, v2  }
0x16a: {  	[tilespmem:s14], [sflag:$0x6] =	stream.indirect_vreg.gather [hbm4b:s5+s3], $0x80, v4, vm0, $0xb8;
	[tilespmem:$0x1C200] =	vst v63  }
0x16b: {  	v3 =	vadd.s32 v1, v3;
	s26 =	simm.s32 $0x15200  }
0x16c: {  	[tilespmem:s26], [sflag:$0x6] =	stream.indirect_vreg.gather [hbm4b:s6+s3], $0x80, v4, vm0, $0xb8;
	[tilespmem:$0x1C200] =	vst v63  }
0x16d: {  	s14 =	simm.s32 $0x15A00  }
0x16e: {  	[tilespmem:s14], [sflag:$0x6] =	stream.indirect_vreg.gather [hbm4b:s7+s3], $0x80, v4, vm0, $0xb8;
	[tilespmem:$0x1C200] =	vst v63  }
0x16f: {  	s26 =	simm.s32 $0x16200  }
0x170: {  	[tilespmem:s26], [sflag:$0x6] =	stream.indirect_vreg.gather [hbm4b:s2+s3], $0x80, v3, vm0, $0xb8;
	[tilespmem:$0x1C200] =	vst v63  }
0x171: {  	s14 =	simm.s32 $0x16A00  }
0x172: {  	[tilespmem:s14], [sflag:$0x6] =	stream.indirect_vreg.gather [hbm4b:s5+s3], $0x80, v3, vm0, $0xb8;
	[tilespmem:$0x1C200] =	vst v63  }
0x173: {  	s26 =	simm.s32 $0x17200  }
0x174: {  	[tilespmem:s26], [sflag:$0x6] =	stream.indirect_vreg.gather [hbm4b:s6+s3], $0x80, v3, vm0, $0xb8;
	[tilespmem:$0x1C200] =	vst v63  }
0x175: {  	s14 =	simm.s32 $0x17A00  }
0x176: {  	[tilespmem:s14], [sflag:$0x6] =	stream.indirect_vreg.gather [hbm4b:s7+s3], $0x80, v3, vm0, $0xb8;
	[tilespmem:$0x1C200] =	vst v63  }
0x177: {  	_ =	swait.ge [sflag:s21], $0x4000  }
0x178: {  	[sflag:s21] =	ssyncset.done $0x0  }
0x179: {  	s8 =	simm.s32 $0x200;
	s26 =	rddreg [dreg:$0xb];
	[sflag:s21] =	ssyncadd.s32 $0xFFFFC000  }
0x17a: {  	[hbm4b:s26+s3] =	stream.linear.scatter [tilespmem:s8], [sflag:$0x8], $0x4000, $0x38;
	[tilespmem:$0x1C200] =	vst v63  }
0x17b: {  	s26 =	simm.s32 $0xE  }
0x17c: {  	_ =	swait.ge [sflag:s26], $0x4000  }
0x17d: {  	[sflag:s26] =	ssyncset.done $0x0  }
0x17e: {  	[sflag:s26] =	ssyncadd.s32 $0xFFFFC000  }
0x17f: {  	v3 =	vld [tilespmem:$0xD0];
	_ =	sdelay $0x4  }
0x180: {  	v45 =	vshll.u32 v3, $0x3  }
0x181: {  	v3 =	vand.u32 $0x7, v3;
	v4 =	vand.u32 $0xFFFFFFC0, v45  }
0x182: {  	v3 =	vor.u32 v3, v4  }
0x183: {  	v4 =	vperm.xlane v3, v0;
	_ =	sdelay $0x1  }
0x184: {  	v4 =	vadd.s32 v1, v4;
	_ =	sdelay $0x4  }
0x185: {  	[tilespmem:s17], [sflag:$0x7] =	stream.indirect_vreg.gather [hbm4b:s2+s3], $0x80, v4, vm0, $0xb8;
	[tilespmem:$0x1C200] =	vst v63  }
0x186: {  	s10 =	simm.s32 $0x18A00;
	v3 =	vperm.xlane v3, v2  }
0x187: {  	[tilespmem:s10], [sflag:$0x7] =	stream.indirect_vreg.gather [hbm4b:s5+s3], $0x80, v4, vm0, $0xb8;
	[tilespmem:$0x1C200] =	vst v63  }
0x188: {  	s14 =	simm.s32 $0x19200;
	v3 =	vadd.s32 v1, v3  }
0x189: {  	[tilespmem:s14], [sflag:$0x7] =	stream.indirect_vreg.gather [hbm4b:s6+s3], $0x80, v4, vm0, $0xb8;
	[tilespmem:$0x1C200] =	vst v63  }
0x18a: {  	s10 =	simm.s32 $0x19A00  }
0x18b: {  	[tilespmem:s10], [sflag:$0x7] =	stream.indirect_vreg.gather [hbm4b:s7+s3], $0x80, v4, vm0, $0xb8;
	[tilespmem:$0x1C200] =	vst v63  }
0x18c: {  	s10 =	simm.s32 $0x1A200  }
0x18d: {  	[tilespmem:s10], [sflag:$0x7] =	stream.indirect_vreg.gather [hbm4b:s2+s3], $0x80, v3, vm0, $0xb8;
	[tilespmem:$0x1C200] =	vst v63  }
0x18e: {  	s10 =	simm.s32 $0x1AA00  }
0x18f: {  	[tilespmem:s10], [sflag:$0x7] =	stream.indirect_vreg.gather [hbm4b:s5+s3], $0x80, v3, vm0, $0xb8;
	[tilespmem:$0x1C200] =	vst v63  }
0x190: {  	s10 =	simm.s32 $0x1B200  }
0x191: {  	[tilespmem:s10], [sflag:$0x7] =	stream.indirect_vreg.gather [hbm4b:s6+s3], $0x80, v3, vm0, $0xb8;
	[tilespmem:$0x1C200] =	vst v63  }
0x192: {  	s14 =	simm.s32 $0x1BA00  }
0x193: {  	[tilespmem:s14], [sflag:$0x7] =	stream.indirect_vreg.gather [hbm4b:s7+s3], $0x80, v3, vm0, $0xb8;
	[tilespmem:$0x1C200] =	vst v63  }
0x194: {  	_ =	swait.ge [sflag:s23], $0x4000  }
0x195: {  	[sflag:s23] =	ssyncset.done $0x0  }
0x196: {  	s4 =	simm.s32 $0x4200;
	s10 =	rddreg [dreg:$0xc];
	[sflag:s23] =	ssyncadd.s32 $0xFFFFC000  }
0x197: {  	[hbm4b:s10+s3] =	stream.linear.scatter [tilespmem:s4], [sflag:$0x9], $0x4000, $0x38;
	[tilespmem:$0x1C200] =	vst v63  }
0x198: {  	_ =	swait.ge [sflag:s24], $0x4000  }
0x199: {  	[sflag:s24] =	ssyncset.done $0x0  }
0x19a: {  	[sflag:s24] =	ssyncadd.s32 $0xFFFFC000  }
0x19b: {  	v3 =	vld [tilespmem:$0xE0];
	_ =	sdelay $0x4  }
0x19c: {  	v46 =	vshll.u32 v3, $0x3  }
0x19d: {  	v3 =	vand.u32 $0x7, v3;
	v4 =	vand.u32 $0xFFFFFFC0, v46  }
0x19e: {  	v3 =	vor.u32 v3, v4  }
0x19f: {  	v4 =	vperm.xlane v3, v0;
	_ =	sdelay $0x1  }
0x1a0: {  	v4 =	vadd.s32 v1, v4;
	_ =	sdelay $0x4  }
0x1a1: {  	[tilespmem:s8], [sflag:$0x1] =	stream.indirect_vreg.gather [hbm4b:s2+s3], $0x80, v4, vm0, $0xb8;
	[tilespmem:$0x1C200] =	vst v63  }
0x1a2: {  	s14 =	simm.s32 $0xA00;
	v3 =	vperm.xlane v3, v2  }
0x1a3: {  	[tilespmem:s14], [sflag:$0x1] =	stream.indirect_vreg.gather [hbm4b:s5+s3], $0x80, v4, vm0, $0xb8;
	[tilespmem:$0x1C200] =	vst v63  }
0x1a4: {  	s10 =	simm.s32 $0x1200;
	v3 =	vadd.s32 v1, v3  }
0x1a5: {  	[tilespmem:s10], [sflag:$0x1] =	stream.indirect_vreg.gather [hbm4b:s6+s3], $0x80, v4, vm0, $0xb8;
	[tilespmem:$0x1C200] =	vst v63  }
0x1a6: {  	s14 =	simm.s32 $0x1A00  }
0x1a7: {  	[tilespmem:s14], [sflag:$0x1] =	stream.indirect_vreg.gather [hbm4b:s7+s3], $0x80, v4, vm0, $0xb8;
	[tilespmem:$0x1C200] =	vst v63  }
0x1a8: {  	s10 =	simm.s32 $0x2200  }
0x1a9: {  	[tilespmem:s10], [sflag:$0x1] =	stream.indirect_vreg.gather [hbm4b:s2+s3], $0x80, v3, vm0, $0xb8;
	[tilespmem:$0x1C200] =	vst v63  }
0x1aa: {  	s14 =	simm.s32 $0x2A00  }
0x1ab: {  	[tilespmem:s14], [sflag:$0x1] =	stream.indirect_vreg.gather [hbm4b:s5+s3], $0x80, v3, vm0, $0xb8;
	[tilespmem:$0x1C200] =	vst v63  }
0x1ac: {  	s10 =	simm.s32 $0x3200  }
0x1ad: {  	[tilespmem:s10], [sflag:$0x1] =	stream.indirect_vreg.gather [hbm4b:s6+s3], $0x80, v3, vm0, $0xb8;
	[tilespmem:$0x1C200] =	vst v63  }
0x1ae: {  	s14 =	simm.s32 $0x3A00  }
0x1af: {  	[tilespmem:s14], [sflag:$0x1] =	stream.indirect_vreg.gather [hbm4b:s7+s3], $0x80, v3, vm0, $0xb8;
	[tilespmem:$0x1C200] =	vst v63  }
0x1b0: {  	_ =	swait.ge [sflag:s25], $0x4000  }
0x1b1: {  	[sflag:s25] =	ssyncset.done $0x0  }
0x1b2: {  	s8 =	simm.s32 $0x8200;
	s10 =	rddreg [dreg:$0xd];
	[sflag:s25] =	ssyncadd.s32 $0xFFFFC000  }
0x1b3: {  	[hbm4b:s10+s3] =	stream.linear.scatter [tilespmem:s8], [sflag:$0xA], $0x4000, $0x38;
	[tilespmem:$0x1C200] =	vst v63  }
0x1b4: {  	_ =	swait.ge [sflag:s28], $0x4000  }
0x1b5: {  	[sflag:s28] =	ssyncset.done $0x0  }
0x1b6: {  	[sflag:s28] =	ssyncadd.s32 $0xFFFFC000  }
0x1b7: {  	v3 =	vld [tilespmem:$0xF0];
	_ =	sdelay $0x4  }
0x1b8: {  	v47 =	vshll.u32 v3, $0x3  }
0x1b9: {  	v3 =	vand.u32 $0x7, v3;
	v4 =	vand.u32 $0xFFFFFFC0, v47  }
0x1ba: {  	v3 =	vor.u32 v3, v4  }
0x1bb: {  	v4 =	vperm.xlane v3, v0;
	_ =	sdelay $0x1  }
0x1bc: {  	v4 =	vadd.s32 v1, v4;
	_ =	sdelay $0x4  }
0x1bd: {  	[tilespmem:s4], [sflag:$0x2] =	stream.indirect_vreg.gather [hbm4b:s2+s3], $0x80, v4, vm0, $0xb8;
	[tilespmem:$0x1C200] =	vst v63  }
0x1be: {  	s14 =	simm.s32 $0x4A00;
	v3 =	vperm.xlane v3, v2  }
0x1bf: {  	[tilespmem:s14], [sflag:$0x2] =	stream.indirect_vreg.gather [hbm4b:s5+s3], $0x80, v4, vm0, $0xb8;
	[tilespmem:$0x1C200] =	vst v63  }
0x1c0: {  	s10 =	simm.s32 $0x5200;
	v3 =	vadd.s32 v1, v3  }
0x1c1: {  	[tilespmem:s10], [sflag:$0x2] =	stream.indirect_vreg.gather [hbm4b:s6+s3], $0x80, v4, vm0, $0xb8;
	[tilespmem:$0x1C200] =	vst v63  }
0x1c2: {  	s14 =	simm.s32 $0x5A00  }
0x1c3: {  	[tilespmem:s14], [sflag:$0x2] =	stream.indirect_vreg.gather [hbm4b:s7+s3], $0x80, v4, vm0, $0xb8;
	[tilespmem:$0x1C200] =	vst v63  }
0x1c4: {  	s10 =	simm.s32 $0x6200  }
0x1c5: {  	[tilespmem:s10], [sflag:$0x2] =	stream.indirect_vreg.gather [hbm4b:s2+s3], $0x80, v3, vm0, $0xb8;
	[tilespmem:$0x1C200] =	vst v63  }
0x1c6: {  	s14 =	simm.s32 $0x6A00  }
0x1c7: {  	[tilespmem:s14], [sflag:$0x2] =	stream.indirect_vreg.gather [hbm4b:s5+s3], $0x80, v3, vm0, $0xb8;
	[tilespmem:$0x1C200] =	vst v63  }
0x1c8: {  	_ = 	snop  }
0x1c9: {  	[tilespmem:s20], [sflag:$0x2] =	stream.indirect_vreg.gather [hbm4b:s6+s3], $0x80, v3, vm0, $0xb8;
	[tilespmem:$0x1C200] =	vst v63  }
0x1ca: {  	s10 =	simm.s32 $0x7A00  }
0x1cb: {  	[tilespmem:s10], [sflag:$0x2] =	stream.indirect_vreg.gather [hbm4b:s7+s3], $0x80, v3, vm0, $0xb8;
	[tilespmem:$0x1C200] =	vst v63  }
0x1cc: {  	_ =	swait.ge [sflag:s29], $0x4000  }
0x1cd: {  	[sflag:s29] =	ssyncset.done $0x0  }
0x1ce: {  	s18 =	simm.s32 $0xC200;
	s4 =	rddreg [dreg:$0xe];
	[sflag:s29] =	ssyncadd.s32 $0xFFFFC000  }
0x1cf: {  	[hbm4b:s4+s3] =	stream.linear.scatter [tilespmem:s18], [sflag:$0xB], $0x4000, $0x38;
	[tilespmem:$0x1C200] =	vst v63  }
0x1d0: {  	_ =	swait.ge [sflag:s30], $0x4000  }
0x1d1: {  	[sflag:s30] =	ssyncset.done $0x0  }
0x1d2: {  	[sflag:s30] =	ssyncadd.s32 $0xFFFFC000  }
0x1d3: {  	v3 =	vld [tilespmem:$0x100];
	_ =	sdelay $0x4  }
0x1d4: {  	v48 =	vshll.u32 v3, $0x3  }
0x1d5: {  	v3 =	vand.u32 $0x7, v3;
	v4 =	vand.u32 $0xFFFFFFC0, v48  }
0x1d6: {  	v3 =	vor.u32 v3, v4  }
0x1d7: {  	v4 =	vperm.xlane v3, v0;
	_ =	sdelay $0x1  }
0x1d8: {  	v4 =	vadd.s32 v1, v4;
	_ =	sdelay $0x4  }
0x1d9: {  	[tilespmem:s8], [sflag:$0x3] =	stream.indirect_vreg.gather [hbm4b:s2+s3], $0x80, v4, vm0, $0xb8;
	[tilespmem:$0x1C200] =	vst v63  }
0x1da: {  	s20 =	simm.s32 $0x8A00;
	v3 =	vperm.xlane v3, v2  }
0x1db: {  	[tilespmem:s20], [sflag:$0x3] =	stream.indirect_vreg.gather [hbm4b:s5+s3], $0x80, v4, vm0, $0xb8;
	[tilespmem:$0x1C200] =	vst v63  }
0x1dc: {  	v3 =	vadd.s32 v1, v3  }
0x1dd: {  	[tilespmem:s31], [sflag:$0x3] =	stream.indirect_vreg.gather [hbm4b:s6+s3], $0x80, v4, vm0, $0xb8;
	[tilespmem:$0x1C200] =	vst v63  }
0x1de: {  	_ = 	snop  }
0x1df: {  	[tilespmem:s15], [sflag:$0x3] =	stream.indirect_vreg.gather [hbm4b:s7+s3], $0x80, v4, vm0, $0xb8;
	[tilespmem:$0x1C200] =	vst v63  }
0x1e0: {  	s15 =	simm.s32 $0xA200  }
0x1e1: {  	[tilespmem:s15], [sflag:$0x3] =	stream.indirect_vreg.gather [hbm4b:s2+s3], $0x80, v3, vm0, $0xb8;
	[tilespmem:$0x1C200] =	vst v63  }
0x1e2: {  	s31 =	simm.s32 $0xAA00  }
0x1e3: {  	[tilespmem:s31], [sflag:$0x3] =	stream.indirect_vreg.gather [hbm4b:s5+s3], $0x80, v3, vm0, $0xb8;
	[tilespmem:$0x1C200] =	vst v63  }
0x1e4: {  	_ = 	snop  }
0x1e5: {  	[tilespmem:s19], [sflag:$0x3] =	stream.indirect_vreg.gather [hbm4b:s6+s3], $0x80, v3, vm0, $0xb8;
	[tilespmem:$0x1C200] =	vst v63  }
0x1e6: {  	s8 =	simm.s32 $0xBA00  }
0x1e7: {  	[tilespmem:s8], [sflag:$0x3] =	stream.indirect_vreg.gather [hbm4b:s7+s3], $0x80, v3, vm0, $0xb8;
	[tilespmem:$0x1C200] =	vst v63  }
0x1e8: {  	_ =	swait.ge [sflag:s0], $0x4000  }
0x1e9: {  	[sflag:s0] =	ssyncset.done $0x0  }
0x1ea: {  	s16 =	simm.s32 $0x10200;
	s4 =	rddreg [dreg:$0xf];
	[sflag:s0] =	ssyncadd.s32 $0xFFFFC000  }
0x1eb: {  	[hbm4b:s4+s3] =	stream.linear.scatter [tilespmem:s16], [sflag:$0xC], $0x4000, $0x38;
	[tilespmem:$0x1C200] =	vst v63  }
0x1ec: {  	_ =	swait.ge [sflag:s1], $0x4000  }
0x1ed: {  	[sflag:s1] =	ssyncset.done $0x0  }
0x1ee: {  	[sflag:s1] =	ssyncadd.s32 $0xFFFFC000  }
0x1ef: {  	v3 =	vld [tilespmem:$0x110];
	_ =	sdelay $0x4  }
0x1f0: {  	v49 =	vshll.u32 v3, $0x3  }
0x1f1: {  	v3 =	vand.u32 $0x7, v3;
	v4 =	vand.u32 $0xFFFFFFC0, v49  }
0x1f2: {  	v3 =	vor.u32 v3, v4  }
0x1f3: {  	v4 =	vperm.xlane v3, v0;
	_ =	sdelay $0x1  }
0x1f4: {  	v4 =	vadd.s32 v1, v4;
	_ =	sdelay $0x4  }
0x1f5: {  	[tilespmem:s18], [sflag:$0x4] =	stream.indirect_vreg.gather [hbm4b:s2+s3], $0x80, v4, vm0, $0xb8;
	[tilespmem:$0x1C200] =	vst v63  }
0x1f6: {  	s15 =	simm.s32 $0xCA00;
	v3 =	vperm.xlane v3, v2  }
0x1f7: {  	[tilespmem:s15], [sflag:$0x4] =	stream.indirect_vreg.gather [hbm4b:s5+s3], $0x80, v4, vm0, $0xb8;
	[tilespmem:$0x1C200] =	vst v63  }
0x1f8: {  	s14 =	simm.s32 $0xD200;
	v3 =	vadd.s32 v1, v3  }
0x1f9: {  	[tilespmem:s14], [sflag:$0x4] =	stream.indirect_vreg.gather [hbm4b:s6+s3], $0x80, v4, vm0, $0xb8;
	[tilespmem:$0x1C200] =	vst v63  }
0x1fa: {  	s18 =	simm.s32 $0xDA00  }
0x1fb: {  	[tilespmem:s18], [sflag:$0x4] =	stream.indirect_vreg.gather [hbm4b:s7+s3], $0x80, v4, vm0, $0xb8;
	[tilespmem:$0x1C200] =	vst v63  }
0x1fc: {  	s19 =	simm.s32 $0xE200  }
0x1fd: {  	[tilespmem:s19], [sflag:$0x4] =	stream.indirect_vreg.gather [hbm4b:s2+s3], $0x80, v3, vm0, $0xb8;
	[tilespmem:$0x1C200] =	vst v63  }
0x1fe: {  	s31 =	simm.s32 $0xEA00  }
0x1ff: {  	[tilespmem:s31], [sflag:$0x4] =	stream.indirect_vreg.gather [hbm4b:s5+s3], $0x80, v3, vm0, $0xb8;
	[tilespmem:$0x1C200] =	vst v63  }
0x200: {  	s18 =	simm.s32 $0xF200  }
0x201: {  	[tilespmem:s18], [sflag:$0x4] =	stream.indirect_vreg.gather [hbm4b:s6+s3], $0x80, v3, vm0, $0xb8;
	[tilespmem:$0x1C200] =	vst v63  }
0x202: {  	s19 =	simm.s32 $0xFA00  }
0x203: {  	[tilespmem:s19], [sflag:$0x4] =	stream.indirect_vreg.gather [hbm4b:s7+s3], $0x80, v3, vm0, $0xb8;
	[tilespmem:$0x1C200] =	vst v63  }
0x204: {  	_ =	swait.ge [sflag:s9], $0x4000  }
0x205: {  	[sflag:s9] =	ssyncset.done $0x0  }
0x206: {  	s31 =	simm.s32 $0x14200;
	s4 =	rddreg [dreg:$0x10];
	[sflag:s9] =	ssyncadd.s32 $0xFFFFC000  }
0x207: {  	[hbm4b:s4+s3] =	stream.linear.scatter [tilespmem:s31], [sflag:$0xD], $0x4000, $0x38;
	[tilespmem:$0x1C200] =	vst v63  }
0x208: {  	_ =	swait.ge [sflag:s11], $0x4000  }
0x209: {  	[sflag:s11] =	ssyncset.done $0x0  }
0x20a: {  	[sflag:s11] =	ssyncadd.s32 $0xFFFFC000  }
0x20b: {  	v3 =	vld [tilespmem:$0x120];
	_ =	sdelay $0x4  }
0x20c: {  	v50 =	vshll.u32 v3, $0x3  }
0x20d: {  	v3 =	vand.u32 $0x7, v3;
	v4 =	vand.u32 $0xFFFFFFC0, v50  }
0x20e: {  	v3 =	vor.u32 v3, v4  }
0x20f: {  	v4 =	vperm.xlane v3, v0;
	_ =	sdelay $0x1  }
0x210: {  	v4 =	vadd.s32 v1, v4;
	_ =	sdelay $0x4  }
0x211: {  	[tilespmem:s16], [sflag:$0x5] =	stream.indirect_vreg.gather [hbm4b:s2+s3], $0x80, v4, vm0, $0xb8;
	[tilespmem:$0x1C200] =	vst v63  }
0x212: {  	s14 =	simm.s32 $0x10A00;
	v3 =	vperm.xlane v3, v2  }
0x213: {  	[tilespmem:s14], [sflag:$0x5] =	stream.indirect_vreg.gather [hbm4b:s5+s3], $0x80, v4, vm0, $0xb8;
	[tilespmem:$0x1C200] =	vst v63  }
0x214: {  	v3 =	vadd.s32 v1, v3;
	s16 =	simm.s32 $0x11200  }
0x215: {  	[tilespmem:s16], [sflag:$0x5] =	stream.indirect_vreg.gather [hbm4b:s6+s3], $0x80, v4, vm0, $0xb8;
	[tilespmem:$0x1C200] =	vst v63  }
0x216: {  	s14 =	simm.s32 $0x11A00  }
0x217: {  	[tilespmem:s14], [sflag:$0x5] =	stream.indirect_vreg.gather [hbm4b:s7+s3], $0x80, v4, vm0, $0xb8;
	[tilespmem:$0x1C200] =	vst v63  }
0x218: {  	s16 =	simm.s32 $0x12200  }
0x219: {  	[tilespmem:s16], [sflag:$0x5] =	stream.indirect_vreg.gather [hbm4b:s2+s3], $0x80, v3, vm0, $0xb8;
	[tilespmem:$0x1C200] =	vst v63  }
0x21a: {  	s14 =	simm.s32 $0x12A00  }
0x21b: {  	[tilespmem:s14], [sflag:$0x5] =	stream.indirect_vreg.gather [hbm4b:s5+s3], $0x80, v3, vm0, $0xb8;
	[tilespmem:$0x1C200] =	vst v63  }
0x21c: {  	s16 =	simm.s32 $0x13200  }
0x21d: {  	[tilespmem:s16], [sflag:$0x5] =	stream.indirect_vreg.gather [hbm4b:s6+s3], $0x80, v3, vm0, $0xb8;
	[tilespmem:$0x1C200] =	vst v63  }
0x21e: {  	s14 =	simm.s32 $0x13A00  }
0x21f: {  	[tilespmem:s14], [sflag:$0x5] =	stream.indirect_vreg.gather [hbm4b:s7+s3], $0x80, v3, vm0, $0xb8;
	[tilespmem:$0x1C200] =	vst v63  }
0x220: {  	_ =	swait.ge [sflag:s12], $0x4000  }
0x221: {  	[sflag:s12] =	ssyncset.done $0x0  }
0x222: {  	s17 =	simm.s32 $0x18200;
	s16 =	rddreg [dreg:$0x11];
	[sflag:s12] =	ssyncadd.s32 $0xFFFFC000  }
0x223: {  	[hbm4b:s16+s3] =	stream.linear.scatter [tilespmem:s17], [sflag:$0xE], $0x4000, $0x38;
	[tilespmem:$0x1C200] =	vst v63  }
0x224: {  	_ =	swait.ge [sflag:s13], $0x4000  }
0x225: {  	[sflag:s13] =	ssyncset.done $0x0  }
0x226: {  	[sflag:s13] =	ssyncadd.s32 $0xFFFFC000  }
0x227: {  	v3 =	vld [tilespmem:$0x130];
	_ =	sdelay $0x4  }
0x228: {  	v51 =	vshll.u32 v3, $0x3  }
0x229: {  	v3 =	vand.u32 $0x7, v3;
	v4 =	vand.u32 $0xFFFFFFC0, v51  }
0x22a: {  	v3 =	vor.u32 v3, v4  }
0x22b: {  	v4 =	vperm.xlane v3, v0;
	_ =	sdelay $0x1  }
0x22c: {  	v4 =	vadd.s32 v1, v4;
	_ =	sdelay $0x4  }
0x22d: {  	[tilespmem:s31], [sflag:$0x6] =	stream.indirect_vreg.gather [hbm4b:s2+s3], $0x80, v4, vm0, $0xb8;
	[tilespmem:$0x1C200] =	vst v63  }
0x22e: {  	v3 =	vperm.xlane v3, v2;
	s31 =	simm.s32 $0x14A00  }
0x22f: {  	[tilespmem:s31], [sflag:$0x6] =	stream.indirect_vreg.gather [hbm4b:s5+s3], $0x80, v4, vm0, $0xb8;
	[tilespmem:$0x1C200] =	vst v63  }
0x230: {  	s14 =	simm.s32 $0x15200;
	v3 =	vadd.s32 v1, v3  }
0x231: {  	[tilespmem:s14], [sflag:$0x6] =	stream.indirect_vreg.gather [hbm4b:s6+s3], $0x80, v4, vm0, $0xb8;
	[tilespmem:$0x1C200] =	vst v63  }
0x232: {  	s16 =	simm.s32 $0x15A00  }
0x233: {  	[tilespmem:s16], [sflag:$0x6] =	stream.indirect_vreg.gather [hbm4b:s7+s3], $0x80, v4, vm0, $0xb8;
	[tilespmem:$0x1C200] =	vst v63  }
0x234: {  	s31 =	simm.s32 $0x16200  }
0x235: {  	[tilespmem:s31], [sflag:$0x6] =	stream.indirect_vreg.gather [hbm4b:s2+s3], $0x80, v3, vm0, $0xb8;
	[tilespmem:$0x1C200] =	vst v63  }
0x236: {  	s14 =	simm.s32 $0x16A00  }
0x237: {  	[tilespmem:s14], [sflag:$0x6] =	stream.indirect_vreg.gather [hbm4b:s5+s3], $0x80, v3, vm0, $0xb8;
	[tilespmem:$0x1C200] =	vst v63  }
0x238: {  	s16 =	simm.s32 $0x17200  }
0x239: {  	[tilespmem:s16], [sflag:$0x6] =	stream.indirect_vreg.gather [hbm4b:s6+s3], $0x80, v3, vm0, $0xb8;
	[tilespmem:$0x1C200] =	vst v63  }
0x23a: {  	s31 =	simm.s32 $0x17A00  }
0x23b: {  	[tilespmem:s31], [sflag:$0x6] =	stream.indirect_vreg.gather [hbm4b:s7+s3], $0x80, v3, vm0, $0xb8;
	[tilespmem:$0x1C200] =	vst v63  }
0x23c: {  	_ =	swait.ge [sflag:s21], $0x4000  }
0x23d: {  	[sflag:s21] =	ssyncset.done $0x0  }
0x23e: {  	s16 =	simm.s32 $0x200;
	s4 =	rddreg [dreg:$0x12];
	[sflag:s21] =	ssyncadd.s32 $0xFFFFC000  }
0x23f: {  	[hbm4b:s4+s3] =	stream.linear.scatter [tilespmem:s16], [sflag:$0x8], $0x4000, $0x38;
	[tilespmem:$0x1C200] =	vst v63  }
0x240: {  	_ =	swait.ge [sflag:s26], $0x4000  }
0x241: {  	[sflag:s26] =	ssyncset.done $0x0  }
0x242: {  	[sflag:s26] =	ssyncadd.s32 $0xFFFFC000  }
0x243: {  	v3 =	vld [tilespmem:$0x140];
	_ =	sdelay $0x4  }
0x244: {  	v52 =	vshll.u32 v3, $0x3  }
0x245: {  	v3 =	vand.u32 $0x7, v3;
	v4 =	vand.u32 $0xFFFFFFC0, v52  }
0x246: {  	v3 =	vor.u32 v3, v4  }
0x247: {  	v4 =	vperm.xlane v3, v0;
	_ =	sdelay $0x1  }
0x248: {  	v4 =	vadd.s32 v1, v4;
	_ =	sdelay $0x4  }
0x249: {  	[tilespmem:s17], [sflag:$0x7] =	stream.indirect_vreg.gather [hbm4b:s2+s3], $0x80, v4, vm0, $0xb8;
	[tilespmem:$0x1C200] =	vst v63  }
0x24a: {  	v3 =	vperm.xlane v3, v2;
	s17 =	simm.s32 $0x18A00  }
0x24b: {  	[tilespmem:s17], [sflag:$0x7] =	stream.indirect_vreg.gather [hbm4b:s5+s3], $0x80, v4, vm0, $0xb8;
	[tilespmem:$0x1C200] =	vst v63  }
0x24c: {  	s31 =	simm.s32 $0x19200;
	v3 =	vadd.s32 v1, v3  }
0x24d: {  	[tilespmem:s31], [sflag:$0x7] =	stream.indirect_vreg.gather [hbm4b:s6+s3], $0x80, v4, vm0, $0xb8;
	[tilespmem:$0x1C200] =	vst v63  }
0x24e: {  	s14 =	simm.s32 $0x19A00  }
0x24f: {  	[tilespmem:s14], [sflag:$0x7] =	stream.indirect_vreg.gather [hbm4b:s7+s3], $0x80, v4, vm0, $0xb8;
	[tilespmem:$0x1C200] =	vst v63  }
0x250: {  	s17 =	simm.s32 $0x1A200  }
0x251: {  	[tilespmem:s17], [sflag:$0x7] =	stream.indirect_vreg.gather [hbm4b:s2+s3], $0x80, v3, vm0, $0xb8;
	[tilespmem:$0x1C200] =	vst v63  }
0x252: {  	s31 =	simm.s32 $0x1AA00  }
0x253: {  	[tilespmem:s31], [sflag:$0x7] =	stream.indirect_vreg.gather [hbm4b:s5+s3], $0x80, v3, vm0, $0xb8;
	[tilespmem:$0x1C200] =	vst v63  }
0x254: {  	s14 =	simm.s32 $0x1B200  }
0x255: {  	[tilespmem:s14], [sflag:$0x7] =	stream.indirect_vreg.gather [hbm4b:s6+s3], $0x80, v3, vm0, $0xb8;
	[tilespmem:$0x1C200] =	vst v63  }
0x256: {  	s17 =	simm.s32 $0x1BA00  }
0x257: {  	[tilespmem:s17], [sflag:$0x7] =	stream.indirect_vreg.gather [hbm4b:s7+s3], $0x80, v3, vm0, $0xb8;
	[tilespmem:$0x1C200] =	vst v63  }
0x258: {  	_ =	swait.ge [sflag:s23], $0x4000  }
0x259: {  	[sflag:s23] =	ssyncset.done $0x0  }
0x25a: {  	s4 =	simm.s32 $0x4200;
	s31 =	rddreg [dreg:$0x13];
	[sflag:s23] =	ssyncadd.s32 $0xFFFFC000  }
0x25b: {  	[hbm4b:s31+s3] =	stream.linear.scatter [tilespmem:s4], [sflag:$0x9], $0x4000, $0x38;
	[tilespmem:$0x1C200] =	vst v63  }
0x25c: {  	_ =	swait.ge [sflag:s24], $0x4000  }
0x25d: {  	[sflag:s24] =	ssyncset.done $0x0  }
0x25e: {  	[sflag:s24] =	ssyncadd.s32 $0xFFFFC000  }
0x25f: {  	v3 =	vld [tilespmem:$0x150];
	_ =	sdelay $0x4  }
0x260: {  	v53 =	vshll.u32 v3, $0x3  }
0x261: {  	v3 =	vand.u32 $0x7, v3;
	v4 =	vand.u32 $0xFFFFFFC0, v53  }
0x262: {  	v3 =	vor.u32 v3, v4  }
0x263: {  	v4 =	vperm.xlane v3, v0;
	_ =	sdelay $0x1  }
0x264: {  	v4 =	vadd.s32 v1, v4;
	_ =	sdelay $0x4  }
0x265: {  	[tilespmem:s16], [sflag:$0x1] =	stream.indirect_vreg.gather [hbm4b:s2+s3], $0x80, v4, vm0, $0xb8;
	[tilespmem:$0x1C200] =	vst v63  }
0x266: {  	v3 =	vperm.xlane v3, v2;
	s16 =	simm.s32 $0xA00  }
0x267: {  	[tilespmem:s16], [sflag:$0x1] =	stream.indirect_vreg.gather [hbm4b:s5+s3], $0x80, v4, vm0, $0xb8;
	[tilespmem:$0x1C200] =	vst v63  }
0x268: {  	s17 =	simm.s32 $0x1200;
	v3 =	vadd.s32 v1, v3  }
0x269: {  	[tilespmem:s17], [sflag:$0x1] =	stream.indirect_vreg.gather [hbm4b:s6+s3], $0x80, v4, vm0, $0xb8;
	[tilespmem:$0x1C200] =	vst v63  }
0x26a: {  	s31 =	simm.s32 $0x1A00  }
0x26b: {  	[tilespmem:s31], [sflag:$0x1] =	stream.indirect_vreg.gather [hbm4b:s7+s3], $0x80, v4, vm0, $0xb8;
	[tilespmem:$0x1C200] =	vst v63  }
0x26c: {  	s16 =	simm.s32 $0x2200  }
0x26d: {  	[tilespmem:s16], [sflag:$0x1] =	stream.indirect_vreg.gather [hbm4b:s2+s3], $0x80, v3, vm0, $0xb8;
	[tilespmem:$0x1C200] =	vst v63  }
0x26e: {  	s17 =	simm.s32 $0x2A00  }
0x26f: {  	[tilespmem:s17], [sflag:$0x1] =	stream.indirect_vreg.gather [hbm4b:s5+s3], $0x80, v3, vm0, $0xb8;
	[tilespmem:$0x1C200] =	vst v63  }
0x270: {  	s31 =	simm.s32 $0x3200  }
0x271: {  	[tilespmem:s31], [sflag:$0x1] =	stream.indirect_vreg.gather [hbm4b:s6+s3], $0x80, v3, vm0, $0xb8;
	[tilespmem:$0x1C200] =	vst v63  }
0x272: {  	s16 =	simm.s32 $0x3A00  }
0x273: {  	[tilespmem:s16], [sflag:$0x1] =	stream.indirect_vreg.gather [hbm4b:s7+s3], $0x80, v3, vm0, $0xb8;
	[tilespmem:$0x1C200] =	vst v63  }
0x274: {  	_ =	swait.ge [sflag:s25], $0x4000  }
0x275: {  	[sflag:s25] =	ssyncset.done $0x0  }
0x276: {  	s31 =	simm.s32 $0x8200;
	s17 =	rddreg [dreg:$0x14];
	[sflag:s25] =	ssyncadd.s32 $0xFFFFC000  }
0x277: {  	[hbm4b:s17+s3] =	stream.linear.scatter [tilespmem:s31], [sflag:$0xA], $0x4000, $0x38;
	[tilespmem:$0x1C200] =	vst v63  }
0x278: {  	_ =	swait.ge [sflag:s28], $0x4000  }
0x279: {  	[sflag:s28] =	ssyncset.done $0x0  }
0x27a: {  	[sflag:s28] =	ssyncadd.s32 $0xFFFFC000  }
0x27b: {  	v3 =	vld [tilespmem:$0x160];
	_ =	sdelay $0x4  }
0x27c: {  	v54 =	vshll.u32 v3, $0x3  }
0x27d: {  	v3 =	vand.u32 $0x7, v3;
	v4 =	vand.u32 $0xFFFFFFC0, v54  }
0x27e: {  	v3 =	vor.u32 v3, v4  }
0x27f: {  	v4 =	vperm.xlane v3, v0;
	_ =	sdelay $0x1  }
0x280: {  	v4 =	vadd.s32 v1, v4;
	_ =	sdelay $0x4  }
0x281: {  	[tilespmem:s4], [sflag:$0x2] =	stream.indirect_vreg.gather [hbm4b:s2+s3], $0x80, v4, vm0, $0xb8;
	[tilespmem:$0x1C200] =	vst v63  }
0x282: {  	s16 =	simm.s32 $0x4A00;
	v3 =	vperm.xlane v3, v2  }
0x283: {  	[tilespmem:s16], [sflag:$0x2] =	stream.indirect_vreg.gather [hbm4b:s5+s3], $0x80, v4, vm0, $0xb8;
	[tilespmem:$0x1C200] =	vst v63  }
0x284: {  	s17 =	simm.s32 $0x5200;
	v3 =	vadd.s32 v1, v3  }
0x285: {  	[tilespmem:s17], [sflag:$0x2] =	stream.indirect_vreg.gather [hbm4b:s6+s3], $0x80, v4, vm0, $0xb8;
	[tilespmem:$0x1C200] =	vst v63  }
0x286: {  	s14 =	simm.s32 $0x5A00  }
0x287: {  	[tilespmem:s14], [sflag:$0x2] =	stream.indirect_vreg.gather [hbm4b:s7+s3], $0x80, v4, vm0, $0xb8;
	[tilespmem:$0x1C200] =	vst v63  }
0x288: {  	s16 =	simm.s32 $0x6200  }
0x289: {  	[tilespmem:s16], [sflag:$0x2] =	stream.indirect_vreg.gather [hbm4b:s2+s3], $0x80, v3, vm0, $0xb8;
	[tilespmem:$0x1C200] =	vst v63  }
0x28a: {  	s17 =	simm.s32 $0x6A00  }
0x28b: {  	[tilespmem:s17], [sflag:$0x2] =	stream.indirect_vreg.gather [hbm4b:s5+s3], $0x80, v3, vm0, $0xb8;
	[tilespmem:$0x1C200] =	vst v63  }
0x28c: {  	s14 =	simm.s32 $0x7200  }
0x28d: {  	[tilespmem:s14], [sflag:$0x2] =	stream.indirect_vreg.gather [hbm4b:s6+s3], $0x80, v3, vm0, $0xb8;
	[tilespmem:$0x1C200] =	vst v63  }
0x28e: {  	_ = 	snop  }
0x28f: {  	[tilespmem:s10], [sflag:$0x2] =	stream.indirect_vreg.gather [hbm4b:s7+s3], $0x80, v3, vm0, $0xb8;
	[tilespmem:$0x1C200] =	vst v63  }
0x290: {  	_ =	swait.ge [sflag:s29], $0x4000  }
0x291: {  	[sflag:s29] =	ssyncset.done $0x0  }
0x292: {  	s4 =	simm.s32 $0xC200;
	s16 =	rddreg [dreg:$0x15];
	[sflag:s29] =	ssyncadd.s32 $0xFFFFC000  }
0x293: {  	[hbm4b:s16+s3] =	stream.linear.scatter [tilespmem:s4], [sflag:$0xB], $0x4000, $0x38;
	[tilespmem:$0x1C200] =	vst v63  }
0x294: {  	_ =	swait.ge [sflag:s30], $0x4000  }
0x295: {  	[sflag:s30] =	ssyncset.done $0x0  }
0x296: {  	[sflag:s30] =	ssyncadd.s32 $0xFFFFC000  }
0x297: {  	v3 =	vld [tilespmem:$0x170];
	_ =	sdelay $0x4  }
0x298: {  	v55 =	vshll.u32 v3, $0x3  }
0x299: {  	v3 =	vand.u32 $0x7, v3;
	v4 =	vand.u32 $0xFFFFFFC0, v55  }
0x29a: {  	v3 =	vor.u32 v3, v4  }
0x29b: {  	v4 =	vperm.xlane v3, v0;
	_ =	sdelay $0x1  }
0x29c: {  	v4 =	vadd.s32 v1, v4;
	_ =	sdelay $0x4  }
0x29d: {  	[tilespmem:s31], [sflag:$0x3] =	stream.indirect_vreg.gather [hbm4b:s2+s3], $0x80, v4, vm0, $0xb8;
	[tilespmem:$0x1C200] =	vst v63  }
0x29e: {  	v3 =	vperm.xlane v3, v2  }
0x29f: {  	[tilespmem:s20], [sflag:$0x3] =	stream.indirect_vreg.gather [hbm4b:s5+s3], $0x80, v4, vm0, $0xb8;
	[tilespmem:$0x1C200] =	vst v63  }
0x2a0: {  	s16 =	simm.s32 $0x9200;
	v3 =	vadd.s32 v1, v3  }
0x2a1: {  	[tilespmem:s16], [sflag:$0x3] =	stream.indirect_vreg.gather [hbm4b:s6+s3], $0x80, v4, vm0, $0xb8;
	[tilespmem:$0x1C200] =	vst v63  }
0x2a2: {  	s31 =	simm.s32 $0x9A00  }
0x2a3: {  	[tilespmem:s31], [sflag:$0x3] =	stream.indirect_vreg.gather [hbm4b:s7+s3], $0x80, v4, vm0, $0xb8;
	[tilespmem:$0x1C200] =	vst v63  }
0x2a4: {  	s17 =	simm.s32 $0xA200  }
0x2a5: {  	[tilespmem:s17], [sflag:$0x3] =	stream.indirect_vreg.gather [hbm4b:s2+s3], $0x80, v3, vm0, $0xb8;
	[tilespmem:$0x1C200] =	vst v63  }
0x2a6: {  	s20 =	simm.s32 $0xAA00  }
0x2a7: {  	[tilespmem:s20], [sflag:$0x3] =	stream.indirect_vreg.gather [hbm4b:s5+s3], $0x80, v3, vm0, $0xb8;
	[tilespmem:$0x1C200] =	vst v63  }
0x2a8: {  	s17 =	simm.s32 $0xB200  }
0x2a9: {  	[tilespmem:s17], [sflag:$0x3] =	stream.indirect_vreg.gather [hbm4b:s6+s3], $0x80, v3, vm0, $0xb8;
	[tilespmem:$0x1C200] =	vst v63  }
0x2aa: {  	_ = 	snop  }
0x2ab: {  	[tilespmem:s8], [sflag:$0x3] =	stream.indirect_vreg.gather [hbm4b:s7+s3], $0x80, v3, vm0, $0xb8;
	[tilespmem:$0x1C200] =	vst v63  }
0x2ac: {  	_ =	swait.ge [sflag:s0], $0x4000  }
0x2ad: {  	[sflag:s0] =	ssyncset.done $0x0  }
0x2ae: {  	s8 =	simm.s32 $0x10200;
	s20 =	rddreg [dreg:$0x16];
	[sflag:s0] =	ssyncadd.s32 $0xFFFFC000  }
0x2af: {  	[hbm4b:s20+s3] =	stream.linear.scatter [tilespmem:s8], [sflag:$0xC], $0x4000, $0x38;
	[tilespmem:$0x1C200] =	vst v63  }
0x2b0: {  	_ =	swait.ge [sflag:s1], $0x4000  }
0x2b1: {  	[sflag:s1] =	ssyncset.done $0x0  }
0x2b2: {  	[sflag:s1] =	ssyncadd.s32 $0xFFFFC000  }
0x2b3: {  	v3 =	vld [tilespmem:$0x180];
	_ =	sdelay $0x4  }
0x2b4: {  	v56 =	vshll.u32 v3, $0x3  }
0x2b5: {  	v3 =	vand.u32 $0x7, v3;
	v4 =	vand.u32 $0xFFFFFFC0, v56  }
0x2b6: {  	v3 =	vor.u32 v3, v4  }
0x2b7: {  	v4 =	vperm.xlane v3, v0;
	_ =	sdelay $0x1  }
0x2b8: {  	v4 =	vadd.s32 v1, v4;
	_ =	sdelay $0x4  }
0x2b9: {  	[tilespmem:s4], [sflag:$0x4] =	stream.indirect_vreg.gather [hbm4b:s2+s3], $0x80, v4, vm0, $0xb8;
	[tilespmem:$0x1C200] =	vst v63  }
0x2ba: {  	v3 =	vperm.xlane v3, v2  }
0x2bb: {  	[tilespmem:s15], [sflag:$0x4] =	stream.indirect_vreg.gather [hbm4b:s5+s3], $0x80, v4, vm0, $0xb8;
	[tilespmem:$0x1C200] =	vst v63  }
0x2bc: {  	s17 =	simm.s32 $0xD200;
	v3 =	vadd.s32 v1, v3  }
0x2bd: {  	[tilespmem:s17], [sflag:$0x4] =	stream.indirect_vreg.gather [hbm4b:s6+s3], $0x80, v4, vm0, $0xb8;
	[tilespmem:$0x1C200] =	vst v63  }
0x2be: {  	s14 =	simm.s32 $0xDA00  }
0x2bf: {  	[tilespmem:s14], [sflag:$0x4] =	stream.indirect_vreg.gather [hbm4b:s7+s3], $0x80, v4, vm0, $0xb8;
	[tilespmem:$0x1C200] =	vst v63  }
0x2c0: {  	s15 =	simm.s32 $0xE200  }
0x2c1: {  	[tilespmem:s15], [sflag:$0x4] =	stream.indirect_vreg.gather [hbm4b:s2+s3], $0x80, v3, vm0, $0xb8;
	[tilespmem:$0x1C200] =	vst v63  }
0x2c2: {  	s17 =	simm.s32 $0xEA00  }
0x2c3: {  	[tilespmem:s17], [sflag:$0x4] =	stream.indirect_vreg.gather [hbm4b:s5+s3], $0x80, v3, vm0, $0xb8;
	[tilespmem:$0x1C200] =	vst v63  }
0x2c4: {  	_ = 	snop  }
0x2c5: {  	[tilespmem:s18], [sflag:$0x4] =	stream.indirect_vreg.gather [hbm4b:s6+s3], $0x80, v3, vm0, $0xb8;
	[tilespmem:$0x1C200] =	vst v63  }
0x2c6: {  	_ = 	snop  }
0x2c7: {  	[tilespmem:s19], [sflag:$0x4] =	stream.indirect_vreg.gather [hbm4b:s7+s3], $0x80, v3, vm0, $0xb8;
	[tilespmem:$0x1C200] =	vst v63  }
0x2c8: {  	_ =	swait.ge [sflag:s9], $0x4000  }
0x2c9: {  	[sflag:s9] =	ssyncset.done $0x0  }
0x2ca: {  	s17 =	simm.s32 $0x14200;
	s18 =	rddreg [dreg:$0x17];
	[sflag:s9] =	ssyncadd.s32 $0xFFFFC000  }
0x2cb: {  	[hbm4b:s18+s3] =	stream.linear.scatter [tilespmem:s17], [sflag:$0xD], $0x4000, $0x38;
	[tilespmem:$0x1C200] =	vst v63  }
0x2cc: {  	_ =	swait.ge [sflag:s11], $0x4000  }
0x2cd: {  	[sflag:s11] =	ssyncset.done $0x0  }
0x2ce: {  	[sflag:s11] =	ssyncadd.s32 $0xFFFFC000  }
0x2cf: {  	v3 =	vld [tilespmem:$0x190];
	_ =	sdelay $0x4  }
0x2d0: {  	v57 =	vshll.u32 v3, $0x3  }
0x2d1: {  	v3 =	vand.u32 $0x7, v3;
	v4 =	vand.u32 $0xFFFFFFC0, v57  }
0x2d2: {  	v3 =	vor.u32 v3, v4  }
0x2d3: {  	v4 =	vperm.xlane v3, v0;
	_ =	sdelay $0x1  }
0x2d4: {  	v4 =	vadd.s32 v1, v4;
	_ =	sdelay $0x4  }
0x2d5: {  	[tilespmem:s8], [sflag:$0x5] =	stream.indirect_vreg.gather [hbm4b:s2+s3], $0x80, v4, vm0, $0xb8;
	[tilespmem:$0x1C200] =	vst v63  }
0x2d6: {  	s19 =	simm.s32 $0x10A00;
	v3 =	vperm.xlane v3, v2  }
0x2d7: {  	[tilespmem:s19], [sflag:$0x5] =	stream.indirect_vreg.gather [hbm4b:s5+s3], $0x80, v4, vm0, $0xb8;
	[tilespmem:$0x1C200] =	vst v63  }
0x2d8: {  	v3 =	vadd.s32 v1, v3;
	s8 =	simm.s32 $0x11200  }
0x2d9: {  	[tilespmem:s8], [sflag:$0x5] =	stream.indirect_vreg.gather [hbm4b:s6+s3], $0x80, v4, vm0, $0xb8;
	[tilespmem:$0x1C200] =	vst v63  }
0x2da: {  	s14 =	simm.s32 $0x11A00  }
0x2db: {  	[tilespmem:s14], [sflag:$0x5] =	stream.indirect_vreg.gather [hbm4b:s7+s3], $0x80, v4, vm0, $0xb8;
	[tilespmem:$0x1C200] =	vst v63  }
0x2dc: {  	s15 =	simm.s32 $0x12200  }
0x2dd: {  	[tilespmem:s15], [sflag:$0x5] =	stream.indirect_vreg.gather [hbm4b:s2+s3], $0x80, v3, vm0, $0xb8;
	[tilespmem:$0x1C200] =	vst v63  }
0x2de: {  	s19 =	simm.s32 $0x12A00  }
0x2df: {  	[tilespmem:s19], [sflag:$0x5] =	stream.indirect_vreg.gather [hbm4b:s5+s3], $0x80, v3, vm0, $0xb8;
	[tilespmem:$0x1C200] =	vst v63  }
0x2e0: {  	s8 =	simm.s32 $0x13200  }
0x2e1: {  	[tilespmem:s8], [sflag:$0x5] =	stream.indirect_vreg.gather [hbm4b:s6+s3], $0x80, v3, vm0, $0xb8;
	[tilespmem:$0x1C200] =	vst v63  }
0x2e2: {  	s14 =	simm.s32 $0x13A00  }
0x2e3: {  	[tilespmem:s14], [sflag:$0x5] =	stream.indirect_vreg.gather [hbm4b:s7+s3], $0x80, v3, vm0, $0xb8;
	[tilespmem:$0x1C200] =	vst v63  }
0x2e4: {  	_ =	swait.ge [sflag:s12], $0x4000  }
0x2e5: {  	[sflag:s12] =	ssyncset.done $0x0  }
0x2e6: {  	s4 =	simm.s32 $0x18200;
	s15 =	rddreg [dreg:$0x18];
	[sflag:s12] =	ssyncadd.s32 $0xFFFFC000  }
0x2e7: {  	[hbm4b:s15+s3] =	stream.linear.scatter [tilespmem:s4], [sflag:$0xE], $0x4000, $0x38;
	[tilespmem:$0x1C200] =	vst v63  }
0x2e8: {  	_ =	swait.ge [sflag:s13], $0x4000  }
0x2e9: {  	[sflag:s13] =	ssyncset.done $0x0  }
0x2ea: {  	[sflag:s13] =	ssyncadd.s32 $0xFFFFC000  }
0x2eb: {  	v3 =	vld [tilespmem:$0x1A0];
	_ =	sdelay $0x4  }
0x2ec: {  	v58 =	vshll.u32 v3, $0x3  }
0x2ed: {  	v3 =	vand.u32 $0x7, v3;
	v4 =	vand.u32 $0xFFFFFFC0, v58  }
0x2ee: {  	v3 =	vor.u32 v3, v4  }
0x2ef: {  	v4 =	vperm.xlane v3, v0;
	_ =	sdelay $0x1  }
0x2f0: {  	v4 =	vadd.s32 v1, v4;
	_ =	sdelay $0x4  }
0x2f1: {  	[tilespmem:s17], [sflag:$0x6] =	stream.indirect_vreg.gather [hbm4b:s2+s3], $0x80, v4, vm0, $0xb8;
	[tilespmem:$0x1C200] =	vst v63  }
0x2f2: {  	s19 =	simm.s32 $0x14A00;
	v3 =	vperm.xlane v3, v2  }
0x2f3: {  	[tilespmem:s19], [sflag:$0x6] =	stream.indirect_vreg.gather [hbm4b:s5+s3], $0x80, v4, vm0, $0xb8;
	[tilespmem:$0x1C200] =	vst v63  }
0x2f4: {  	s14 =	simm.s32 $0x15200;
	v3 =	vadd.s32 v1, v3  }
0x2f5: {  	[tilespmem:s14], [sflag:$0x6] =	stream.indirect_vreg.gather [hbm4b:s6+s3], $0x80, v4, vm0, $0xb8;
	[tilespmem:$0x1C200] =	vst v63  }
0x2f6: {  	s15 =	simm.s32 $0x15A00  }
0x2f7: {  	[tilespmem:s15], [sflag:$0x6] =	stream.indirect_vreg.gather [hbm4b:s7+s3], $0x80, v4, vm0, $0xb8;
	[tilespmem:$0x1C200] =	vst v63  }
0x2f8: {  	s19 =	simm.s32 $0x16200  }
0x2f9: {  	[tilespmem:s19], [sflag:$0x6] =	stream.indirect_vreg.gather [hbm4b:s2+s3], $0x80, v3, vm0, $0xb8;
	[tilespmem:$0x1C200] =	vst v63  }
0x2fa: {  	s14 =	simm.s32 $0x16A00  }
0x2fb: {  	[tilespmem:s14], [sflag:$0x6] =	stream.indirect_vreg.gather [hbm4b:s5+s3], $0x80, v3, vm0, $0xb8;
	[tilespmem:$0x1C200] =	vst v63  }
0x2fc: {  	s15 =	simm.s32 $0x17200  }
0x2fd: {  	[tilespmem:s15], [sflag:$0x6] =	stream.indirect_vreg.gather [hbm4b:s6+s3], $0x80, v3, vm0, $0xb8;
	[tilespmem:$0x1C200] =	vst v63  }
0x2fe: {  	s19 =	simm.s32 $0x17A00  }
0x2ff: {  	[tilespmem:s19], [sflag:$0x6] =	stream.indirect_vreg.gather [hbm4b:s7+s3], $0x80, v3, vm0, $0xb8;
	[tilespmem:$0x1C200] =	vst v63  }
0x300: {  	_ =	swait.ge [sflag:s21], $0x4000  }
0x301: {  	[sflag:s21] =	ssyncset.done $0x0  }
0x302: {  	s15 =	simm.s32 $0x200;
	s8 =	rddreg [dreg:$0x19];
	[sflag:s21] =	ssyncadd.s32 $0xFFFFC000  }
0x303: {  	[hbm4b:s8+s3] =	stream.linear.scatter [tilespmem:s15], [sflag:$0x8], $0x4000, $0x38;
	[tilespmem:$0x1C200] =	vst v63  }
0x304: {  	_ =	swait.ge [sflag:s26], $0x4000  }
0x305: {  	[sflag:s26] =	ssyncset.done $0x0  }
0x306: {  	[sflag:s26] =	ssyncadd.s32 $0xFFFFC000  }
0x307: {  	v3 =	vld [tilespmem:$0x1B0];
	_ =	sdelay $0x4  }
0x308: {  	v59 =	vshll.u32 v3, $0x3  }
0x309: {  	v3 =	vand.u32 $0x7, v3;
	v4 =	vand.u32 $0xFFFFFFC0, v59  }
0x30a: {  	v3 =	vor.u32 v3, v4  }
0x30b: {  	v4 =	vperm.xlane v3, v0;
	_ =	sdelay $0x1  }
0x30c: {  	v4 =	vadd.s32 v1, v4;
	_ =	sdelay $0x4  }
0x30d: {  	[tilespmem:s4], [sflag:$0x7] =	stream.indirect_vreg.gather [hbm4b:s2+s3], $0x80, v4, vm0, $0xb8;
	[tilespmem:$0x1C200] =	vst v63  }
0x30e: {  	s19 =	simm.s32 $0x18A00;
	v3 =	vperm.xlane v3, v2  }
0x30f: {  	[tilespmem:s19], [sflag:$0x7] =	stream.indirect_vreg.gather [hbm4b:s5+s3], $0x80, v4, vm0, $0xb8;
	[tilespmem:$0x1C200] =	vst v63  }
0x310: {  	s14 =	simm.s32 $0x19200;
	v3 =	vadd.s32 v1, v3  }
0x311: {  	[tilespmem:s14], [sflag:$0x7] =	stream.indirect_vreg.gather [hbm4b:s6+s3], $0x80, v4, vm0, $0xb8;
	[tilespmem:$0x1C200] =	vst v63  }
0x312: {  	s19 =	simm.s32 $0x19A00  }
0x313: {  	[tilespmem:s19], [sflag:$0x7] =	stream.indirect_vreg.gather [hbm4b:s7+s3], $0x80, v4, vm0, $0xb8;
	[tilespmem:$0x1C200] =	vst v63  }
0x314: {  	s14 =	simm.s32 $0x1A200  }
0x315: {  	[tilespmem:s14], [sflag:$0x7] =	stream.indirect_vreg.gather [hbm4b:s2+s3], $0x80, v3, vm0, $0xb8;
	[tilespmem:$0x1C200] =	vst v63  }
0x316: {  	s19 =	simm.s32 $0x1AA00  }
0x317: {  	[tilespmem:s19], [sflag:$0x7] =	stream.indirect_vreg.gather [hbm4b:s5+s3], $0x80, v3, vm0, $0xb8;
	[tilespmem:$0x1C200] =	vst v63  }
0x318: {  	s14 =	simm.s32 $0x1B200  }
0x319: {  	[tilespmem:s14], [sflag:$0x7] =	stream.indirect_vreg.gather [hbm4b:s6+s3], $0x80, v3, vm0, $0xb8;
	[tilespmem:$0x1C200] =	vst v63  }
0x31a: {  	s19 =	simm.s32 $0x1BA00  }
0x31b: {  	[tilespmem:s19], [sflag:$0x7] =	stream.indirect_vreg.gather [hbm4b:s7+s3], $0x80, v3, vm0, $0xb8;
	[tilespmem:$0x1C200] =	vst v63  }
0x31c: {  	_ =	swait.ge [sflag:s23], $0x4000  }
0x31d: {  	[sflag:s23] =	ssyncset.done $0x0  }
0x31e: {  	s19 =	simm.s32 $0x4200;
	s4 =	rddreg [dreg:$0x1a];
	[sflag:s23] =	ssyncadd.s32 $0xFFFFC000  }
0x31f: {  	[hbm4b:s4+s3] =	stream.linear.scatter [tilespmem:s19], [sflag:$0x9], $0x4000, $0x38;
	[tilespmem:$0x1C200] =	vst v63  }
0x320: {  	_ =	swait.ge [sflag:s24], $0x4000  }
0x321: {  	[sflag:s24] =	ssyncset.done $0x0  }
0x322: {  	[sflag:s24] =	ssyncadd.s32 $0xFFFFC000  }
0x323: {  	v3 =	vld [tilespmem:$0x1C0];
	_ =	sdelay $0x4  }
0x324: {  	v60 =	vshll.u32 v3, $0x3  }
0x325: {  	v3 =	vand.u32 $0x7, v3;
	v4 =	vand.u32 $0xFFFFFFC0, v60  }
0x326: {  	v3 =	vor.u32 v3, v4  }
0x327: {  	v4 =	vperm.xlane v3, v0;
	_ =	sdelay $0x1  }
0x328: {  	v4 =	vadd.s32 v1, v4;
	_ =	sdelay $0x4  }
0x329: {  	[tilespmem:s15], [sflag:$0x1] =	stream.indirect_vreg.gather [hbm4b:s2+s3], $0x80, v4, vm0, $0xb8;
	[tilespmem:$0x1C200] =	vst v63  }
0x32a: {  	v3 =	vperm.xlane v3, v2;
	s15 =	simm.s32 $0xA00  }
0x32b: {  	[tilespmem:s15], [sflag:$0x1] =	stream.indirect_vreg.gather [hbm4b:s5+s3], $0x80, v4, vm0, $0xb8;
	[tilespmem:$0x1C200] =	vst v63  }
0x32c: {  	v3 =	vadd.s32 v1, v3;
	s15 =	simm.s32 $0x1200  }
0x32d: {  	[tilespmem:s15], [sflag:$0x1] =	stream.indirect_vreg.gather [hbm4b:s6+s3], $0x80, v4, vm0, $0xb8;
	[tilespmem:$0x1C200] =	vst v63  }
0x32e: {  	s15 =	simm.s32 $0x1A00  }
0x32f: {  	[tilespmem:s15], [sflag:$0x1] =	stream.indirect_vreg.gather [hbm4b:s7+s3], $0x80, v4, vm0, $0xb8;
	[tilespmem:$0x1C200] =	vst v63  }
0x330: {  	s15 =	simm.s32 $0x2200  }
0x331: {  	[tilespmem:s15], [sflag:$0x1] =	stream.indirect_vreg.gather [hbm4b:s2+s3], $0x80, v3, vm0, $0xb8;
	[tilespmem:$0x1C200] =	vst v63  }
0x332: {  	s15 =	simm.s32 $0x2A00  }
0x333: {  	[tilespmem:s15], [sflag:$0x1] =	stream.indirect_vreg.gather [hbm4b:s5+s3], $0x80, v3, vm0, $0xb8;
	[tilespmem:$0x1C200] =	vst v63  }
0x334: {  	s15 =	simm.s32 $0x3200  }
0x335: {  	[tilespmem:s15], [sflag:$0x1] =	stream.indirect_vreg.gather [hbm4b:s6+s3], $0x80, v3, vm0, $0xb8;
	[tilespmem:$0x1C200] =	vst v63  }
0x336: {  	s15 =	simm.s32 $0x3A00  }
0x337: {  	[tilespmem:s15], [sflag:$0x1] =	stream.indirect_vreg.gather [hbm4b:s7+s3], $0x80, v3, vm0, $0xb8;
	[tilespmem:$0x1C200] =	vst v63  }
0x338: {  	_ =	swait.ge [sflag:s25], $0x4000  }
0x339: {  	[sflag:s25] =	ssyncset.done $0x0  }
0x33a: {  	s10 =	simm.s32 $0x8200;
	s15 =	rddreg [dreg:$0x1b];
	[sflag:s25] =	ssyncadd.s32 $0xFFFFC000  }
0x33b: {  	[hbm4b:s15+s3] =	stream.linear.scatter [tilespmem:s10], [sflag:$0xA], $0x4000, $0x38;
	[tilespmem:$0x1C200] =	vst v63  }
0x33c: {  	_ =	swait.ge [sflag:s28], $0x4000  }
0x33d: {  	[sflag:s28] =	ssyncset.done $0x0  }
0x33e: {  	[sflag:s28] =	ssyncadd.s32 $0xFFFFC000  }
0x33f: {  	v3 =	vld [tilespmem:$0x1D0];
	_ =	sdelay $0x4  }
0x340: {  	v61 =	vshll.u32 v3, $0x3  }
0x341: {  	v3 =	vand.u32 $0x7, v3;
	v4 =	vand.u32 $0xFFFFFFC0, v61  }
0x342: {  	v3 =	vor.u32 v3, v4  }
0x343: {  	v4 =	vperm.xlane v3, v0;
	_ =	sdelay $0x1  }
0x344: {  	v4 =	vadd.s32 v1, v4;
	_ =	sdelay $0x4  }
0x345: {  	[tilespmem:s19], [sflag:$0x2] =	stream.indirect_vreg.gather [hbm4b:s2+s3], $0x80, v4, vm0, $0xb8;
	[tilespmem:$0x1C200] =	vst v63  }
0x346: {  	v3 =	vperm.xlane v3, v2;
	s19 =	simm.s32 $0x4A00  }
0x347: {  	[tilespmem:s19], [sflag:$0x2] =	stream.indirect_vreg.gather [hbm4b:s5+s3], $0x80, v4, vm0, $0xb8;
	[tilespmem:$0x1C200] =	vst v63  }
0x348: {  	v3 =	vadd.s32 v1, v3;
	s19 =	simm.s32 $0x5200  }
0x349: {  	[tilespmem:s19], [sflag:$0x2] =	stream.indirect_vreg.gather [hbm4b:s6+s3], $0x80, v4, vm0, $0xb8;
	[tilespmem:$0x1C200] =	vst v63  }
0x34a: {  	s19 =	simm.s32 $0x5A00  }
0x34b: {  	[tilespmem:s19], [sflag:$0x2] =	stream.indirect_vreg.gather [hbm4b:s7+s3], $0x80, v4, vm0, $0xb8;
	[tilespmem:$0x1C200] =	vst v63  }
0x34c: {  	s19 =	simm.s32 $0x6200  }
0x34d: {  	[tilespmem:s19], [sflag:$0x2] =	stream.indirect_vreg.gather [hbm4b:s2+s3], $0x80, v3, vm0, $0xb8;
	[tilespmem:$0x1C200] =	vst v63  }
0x34e: {  	s19 =	simm.s32 $0x6A00  }
0x34f: {  	[tilespmem:s19], [sflag:$0x2] =	stream.indirect_vreg.gather [hbm4b:s5+s3], $0x80, v3, vm0, $0xb8;
	[tilespmem:$0x1C200] =	vst v63  }
0x350: {  	s19 =	simm.s32 $0x7200  }
0x351: {  	[tilespmem:s19], [sflag:$0x2] =	stream.indirect_vreg.gather [hbm4b:s6+s3], $0x80, v3, vm0, $0xb8;
	[tilespmem:$0x1C200] =	vst v63  }
0x352: {  	s19 =	simm.s32 $0x7A00  }
0x353: {  	[tilespmem:s19], [sflag:$0x2] =	stream.indirect_vreg.gather [hbm4b:s7+s3], $0x80, v3, vm0, $0xb8;
	[tilespmem:$0x1C200] =	vst v63  }
0x354: {  	_ =	swait.ge [sflag:s29], $0x4000  }
0x355: {  	[sflag:s29] =	ssyncset.done $0x0  }
0x356: {  	s20 =	simm.s32 $0xC200;
	s19 =	rddreg [dreg:$0x1c];
	[sflag:s29] =	ssyncadd.s32 $0xFFFFC000  }
0x357: {  	[hbm4b:s19+s3] =	stream.linear.scatter [tilespmem:s20], [sflag:$0xB], $0x4000, $0x38;
	[tilespmem:$0x1C200] =	vst v63  }
0x358: {  	_ =	swait.ge [sflag:s30], $0x4000  }
0x359: {  	[sflag:s30] =	ssyncset.done $0x0  }
0x35a: {  	[sflag:s30] =	ssyncadd.s32 $0xFFFFC000  }
0x35b: {  	v3 =	vld [tilespmem:$0x1E0];
	_ =	sdelay $0x4  }
0x35c: {  	v62 =	vshll.u32 v3, $0x3  }
0x35d: {  	v3 =	vand.u32 $0x7, v3;
	v4 =	vand.u32 $0xFFFFFFC0, v62  }
0x35e: {  	v3 =	vor.u32 v3, v4  }
0x35f: {  	v4 =	vperm.xlane v3, v0;
	_ =	sdelay $0x1  }
0x360: {  	v4 =	vadd.s32 v1, v4;
	_ =	sdelay $0x4  }
0x361: {  	[tilespmem:s10], [sflag:$0x3] =	stream.indirect_vreg.gather [hbm4b:s2+s3], $0x80, v4, vm0, $0xb8;
	[tilespmem:$0x1C200] =	vst v63  }
0x362: {  	s19 =	simm.s32 $0x8A00;
	v3 =	vperm.xlane v3, v2  }
0x363: {  	[tilespmem:s19], [sflag:$0x3] =	stream.indirect_vreg.gather [hbm4b:s5+s3], $0x80, v4, vm0, $0xb8;
	[tilespmem:$0x1C200] =	vst v63  }
0x364: {  	v3 =	vadd.s32 v1, v3  }
0x365: {  	[tilespmem:s16], [sflag:$0x3] =	stream.indirect_vreg.gather [hbm4b:s6+s3], $0x80, v4, vm0, $0xb8;
	[tilespmem:$0x1C200] =	vst v63  }
0x366: {  	_ = 	snop  }
0x367: {  	[tilespmem:s31], [sflag:$0x3] =	stream.indirect_vreg.gather [hbm4b:s7+s3], $0x80, v4, vm0, $0xb8;
	[tilespmem:$0x1C200] =	vst v63  }
0x368: {  	s31 =	simm.s32 $0xA200  }
0x369: {  	[tilespmem:s31], [sflag:$0x3] =	stream.indirect_vreg.gather [hbm4b:s2+s3], $0x80, v3, vm0, $0xb8;
	[tilespmem:$0x1C200] =	vst v63  }
0x36a: {  	s16 =	simm.s32 $0xAA00  }
0x36b: {  	[tilespmem:s16], [sflag:$0x3] =	stream.indirect_vreg.gather [hbm4b:s5+s3], $0x80, v3, vm0, $0xb8;
	[tilespmem:$0x1C200] =	vst v63  }
0x36c: {  	s19 =	simm.s32 $0xB200  }
0x36d: {  	[tilespmem:s19], [sflag:$0x3] =	stream.indirect_vreg.gather [hbm4b:s6+s3], $0x80, v3, vm0, $0xb8;
	[tilespmem:$0x1C200] =	vst v63  }
0x36e: {  	s31 =	simm.s32 $0xBA00  }
0x36f: {  	[tilespmem:s31], [sflag:$0x3] =	stream.indirect_vreg.gather [hbm4b:s7+s3], $0x80, v3, vm0, $0xb8;
	[tilespmem:$0x1C200] =	vst v63  }
0x370: {  	_ =	swait.ge [sflag:s0], $0x4000  }
0x371: {  	[sflag:s0] =	ssyncset.done $0x0  }
0x372: {  	s18 =	simm.s32 $0x10200;
	s16 =	rddreg [dreg:$0x1d];
	[sflag:s0] =	ssyncadd.s32 $0xFFFFC000  }
0x373: {  	[hbm4b:s16+s3] =	stream.linear.scatter [tilespmem:s18], [sflag:$0xC], $0x4000, $0x38;
	[tilespmem:$0x1C200] =	vst v63  }
0x374: {  	_ =	swait.ge [sflag:s1], $0x4000  }
0x375: {  	[sflag:s1] =	ssyncset.done $0x0  }
0x376: {  	[sflag:s1] =	ssyncadd.s32 $0xFFFFC000  }
0x377: {  	v3 =	vld [tilespmem:$0x1F0];
	_ =	sdelay $0x4  }
0x378: {  	v63 =	vshll.u32 v3, $0x3  }
0x379: {  	v3 =	vand.u32 $0x7, v3;
	v4 =	vand.u32 $0xFFFFFFC0, v63  }
0x37a: {  	v3 =	vor.u32 v3, v4  }
0x37b: {  	v4 =	vperm.xlane v3, v0;
	_ =	sdelay $0x1  }
0x37c: {  	v4 =	vadd.s32 v1, v4;
	_ =	sdelay $0x4  }
0x37d: {  	[tilespmem:s20], [sflag:$0x4] =	stream.indirect_vreg.gather [hbm4b:s2+s3], $0x80, v4, vm0, $0xb8;
	[tilespmem:$0x1C200] =	vst v63  }
0x37e: {  	s19 =	simm.s32 $0xCA00;
	v3 =	vperm.xlane v3, v2  }
0x37f: {  	[tilespmem:s19], [sflag:$0x4] =	stream.indirect_vreg.gather [hbm4b:s5+s3], $0x80, v4, vm0, $0xb8;
	[tilespmem:$0x1C200] =	vst v63  }
0x380: {  	s31 =	simm.s32 $0xD200;
	v3 =	vadd.s32 v1, v3  }
0x381: {  	[tilespmem:s31], [sflag:$0x4] =	stream.indirect_vreg.gather [hbm4b:s6+s3], $0x80, v4, vm0, $0xb8;
	[tilespmem:$0x1C200] =	vst v63  }
0x382: {  	s14 =	simm.s32 $0xDA00  }
0x383: {  	[tilespmem:s14], [sflag:$0x4] =	stream.indirect_vreg.gather [hbm4b:s7+s3], $0x80, v4, vm0, $0xb8;
	[tilespmem:$0x1C200] =	vst v63  }
0x384: {  	s16 =	simm.s32 $0xE200  }
0x385: {  	[tilespmem:s16], [sflag:$0x4] =	stream.indirect_vreg.gather [hbm4b:s2+s3], $0x80, v3, vm0, $0xb8;
	[tilespmem:$0x1C200] =	vst v63  }
0x386: {  	s18 =	simm.s32 $0xEA00  }
0x387: {  	[tilespmem:s18], [sflag:$0x4] =	stream.indirect_vreg.gather [hbm4b:s5+s3], $0x80, v3, vm0, $0xb8;
	[tilespmem:$0x1C200] =	vst v63  }
0x388: {  	s19 =	simm.s32 $0xF200  }
0x389: {  	[tilespmem:s19], [sflag:$0x4] =	stream.indirect_vreg.gather [hbm4b:s6+s3], $0x80, v3, vm0, $0xb8;
	[tilespmem:$0x1C200] =	vst v63  }
0x38a: {  	s31 =	simm.s32 $0xFA00  }
0x38b: {  	[tilespmem:s31], [sflag:$0x4] =	stream.indirect_vreg.gather [hbm4b:s7+s3], $0x80, v3, vm0, $0xb8;
	[tilespmem:$0x1C200] =	vst v63  }
0x38c: {  	_ =	swait.ge [sflag:s9], $0x4000  }
0x38d: {  	[sflag:s9] =	ssyncset.done $0x0  }
0x38e: {  	s17 =	simm.s32 $0x14200;
	s0 =	rddreg [dreg:$0x1e];
	[sflag:s9] =	ssyncadd.s32 $0xFFFFC000  }
0x38f: {  	[hbm4b:s0+s3] =	stream.linear.scatter [tilespmem:s17], [sflag:$0xD], $0x4000, $0x38;
	[tilespmem:$0x1C200] =	vst v63  }
0x390: {  	_ =	swait.ge [sflag:s12], $0x4000  }
0x391: {  	[sflag:s12] =	ssyncset.done $0x0  }
0x392: {  	s8 =	simm.s32 $0x18200;
	s16 =	rddreg [dreg:$0x1f];
	[sflag:s12] =	ssyncadd.s32 $0xFFFFC000  }
0x393: {  	[hbm4b:s16+s3] =	stream.linear.scatter [tilespmem:s8], [sflag:$0xE], $0x4000, $0x38;
	[tilespmem:$0x1C200] =	vst v63  }
0x394: {  	_ =	swait.ge [sflag:s21], $0x4000  }
0x395: {  	s17 =	sld [smem:$0x7F9]  }
0x396: {  	[sflag:s21] =	ssyncset.done $0x0  }
0x397: {  	s4 =	simm.s32 $0x200;
	[sflag:s21] =	ssyncadd.s32 $0xFFFFC000  }
0x398: {  	[hbm4b:s17+s3] =	stream.linear.scatter [tilespmem:s4], [sflag:$0x8], $0x4000, $0x38;
	[tilespmem:$0x1C200] =	vst v63  }
0x399: {  	_ =	swait.ge [sflag:s23], $0x4000  }
0x39a: {  	s18 =	sld [smem:$0x7FA]  }
0x39b: {  	[sflag:s23] =	ssyncset.done $0x0  }
0x39c: {  	s15 =	simm.s32 $0x4200;
	[sflag:s23] =	ssyncadd.s32 $0xFFFFC000  }
0x39d: {  	[hbm4b:s18+s3] =	stream.linear.scatter [tilespmem:s15], [sflag:$0x9], $0x4000, $0x38;
	[tilespmem:$0x1C200] =	vst v63  }
0x39e: {  	_ =	swait.ge [sflag:s25], $0x4000  }
0x39f: {  	s19 =	sld [smem:$0x7FB]  }
0x3a0: {  	[sflag:s25] =	ssyncset.done $0x0  }
0x3a1: {  	[sflag:s25] =	ssyncadd.s32 $0xFFFFC000  }
0x3a2: {  	[hbm4b:s19+s3] =	stream.linear.scatter [tilespmem:s10], [sflag:$0xA], $0x4000, $0x38;
	[tilespmem:$0x1C200] =	vst v63  }
0x3a3: {  	_ =	swait.ge [sflag:s29], $0x4000  }
0x3a4: {  	s31 =	sld [smem:$0x7FD]  }
0x3a5: {  	[sflag:s29] =	ssyncset.done $0x0  }
0x3a6: {  	[sflag:s29] =	ssyncadd.s32 $0xFFFFC000  }
0x3a7: {  	[hbm4b:s31+s3] =	stream.linear.scatter [tilespmem:s20], [sflag:$0xB], $0x4000, $0x38;
	[tilespmem:$0x1C200] =	vst v63  }
0x3a8: {  	_ =	swait.ge [sflag:s11], $0x4000  }
0x3a9: {  	[sflag:s11] =	ssyncset.done $0x0  }
0x3aa: {  	[sflag:s11] =	ssyncadd.s32 $0xFFFFC000  }
0x3ab: {  	_ =	swait.ge [sflag:s13], $0x4000  }
0x3ac: {  	[sflag:s13] =	ssyncset.done $0x0  }
0x3ad: {  	[sflag:s13] =	ssyncadd.s32 $0xFFFFC000  }
0x3ae: {  	_ =	swait.ge [sflag:s26], $0x4000  }
0x3af: {  	[sflag:s26] =	ssyncset.done $0x0  }
0x3b0: {  	[sflag:s26] =	ssyncadd.s32 $0xFFFFC000  }
0x3b1: {  	_ =	swait.ge [sflag:s24], $0x4000  }
0x3b2: {  	[sflag:s24] =	ssyncset.done $0x0  }
0x3b3: {  	[sflag:s24] =	ssyncadd.s32 $0xFFFFC000  }
0x3b4: {  	_ =	swait.ge [sflag:s28], $0x4000  }
0x3b5: {  	[sflag:s28] =	ssyncset.done $0x0  }
0x3b6: {  	[sflag:s28] =	ssyncadd.s32 $0xFFFFC000  }
0x3b7: {  	p0 =	sne.s32 s22, $0x1;
	_ =	swait.ge [sflag:s30], $0x4000  }
.Ltmp0:
0x3b8: {  	[sflag:s30] =	ssyncset.done $0x0;
	(pc) =	sbr.rel @p0 .LBB2_1-.Ltmp0, $4  }
0x3b9: {  	[sflag:s30] =	ssyncadd.s32 $0xFFFFC000  }
0x3ba: {  	_ =	swait.ge [sflag:s1], $0x4000  }
0x3bb: {  	[sflag:s1] =	ssyncset.done $0x0  }
0x3bc: {  	s22 =	sadd.s32 $0xFFFFFFFF, s22;
	[sflag:s1] =	ssyncadd.s32 $0xFFFFC000  }
0x3bd: {  	_ =	sfence.sel $0x180000  }
0x3be: {  	[bflag:$0x0] =	sbarrier.arrive $0xFFFF  }
0x3bf: {  	_ =	strace $0x90000047  }
0x3c0: {  	s0 =	stileid.u32;
	[bflag:$0x2] =	sbarrier.arrive $0xFFFF  }
0x3c1: {  	p0 =	sne.s32 s0, $0x0;
	s0 =	rddreg [dreg:$0x3]  }
0x3c2: {  	s0 =	sadd.s32 @!p0 $0x100000, s0  }
0x3c3: {  	[sflag:s0] =	ssyncadd.tile.s32 @!p0 $0x1;
	_ =	shalt  }
.Lfunc_end2:
_tile_overlayer_lowered:
.L_overlay_start_2:
0x3c4: {  	(tag) =	ssettag $0x2  }
0x3c5: {  	s0 =	rddreg [dreg:$0x0];
	s2 =	stileid.u32  }
0x3c6: {  	s1 =	rddreg [dreg:$0x1];
	p0 =	sne.s32 s2, $0x0  }
0x3c7: {  	s3 =	rddreg [dreg:$0x2];
	[bflag:$0x3] =	sbarrier.arrive $0xFFFF;
	s2 =	simm.s32 @!p0 $0x1C0F  }
0x3c8: {  	[timem:s3], [sflag:s2] =	dma.local @!p0 [hbm:s0], s1  }
0x3c9: {  	s0 =	simm.s32 @!p0 $0xF  }
0x3ca: {  	_ =	swait.ge @!p0 [sflag:s0], s1  }
0x3cb: {  	s1 =	ssub.s32 @!p0 $0x0, s1;
	[sflag:s0] =	ssyncset.done @!p0 $0x0  }
0x3cc: {  	[sflag:s0] =	ssyncadd.s32 @!p0 s1  }
0x3cd: {  	[bflag:$0x3] =	sbarrier.arrive $0xFFFF  }
0x3ce: {  	_ =	shalt  }

</sc_bundles>
